<compile_context>
chip_gen: v7x
topology: tpu7x:2x2x1
jax: 0.10.2.dev20260603
libtpu: 0.0.44.dev20260713+nightly
codegen_flags: <defaults>
</compile_context>

<pallas_src>
import functools

import jax
import jax.numpy as jnp
from jax import lax
from jax.experimental import pallas as pl
from jax.experimental.pallas import tpu as pltpu
from jax.experimental.pallas import tpu_sc as plsc

NC = 2
NS = 16
L = 16
NW = NC * NS

B = 1024
S = 200
D = 128
TOTAL = B * S
PER_W = TOTAL // NW
CHUNK = 128
NCHUNK = PER_W // CHUNK
VPC = CHUNK // L
DEPTH = 7


def _sc_gather(table, text_rows, seql):
    mesh = plsc.VectorSubcoreMesh(core_axis_name="c", subcore_axis_name="s")

    @functools.partial(
        pl.kernel,
        out_type=jax.ShapeDtypeStruct((TOTAL, D), jnp.float32),
        mesh=mesh,
        scratch_types=[
            pltpu.VMEM((NCHUNK, CHUNK), jnp.int32),
            pltpu.VMEM((16,), jnp.int32),
            [pltpu.VMEM((CHUNK, D), jnp.float32) for _ in range(DEPTH)],
            [pltpu.SemaphoreType.DMA for _ in range(DEPTH)],
            [pltpu.SemaphoreType.DMA for _ in range(DEPTH)],
        ],
    )
    def k(table_hbm, text_hbm, seql_hbm, out_hbm, idx_v, seql_v,
          bufs, gsems, ssems):
        wid = lax.axis_index("s") * NC + lax.axis_index("c")
        base = wid * PER_W
        pltpu.sync_copy(text_hbm.at[wid], idx_v)
        pltpu.sync_copy(seql_hbm, seql_v)
        seql = seql_v[...]
        lane = lax.iota(jnp.int32, L)

        def fix(r):
            for v in range(VPC):
                off = r * CHUNK + v * L
                vec = idx_v[r, pl.ds(v * L, L)]
                pos = lax.rem(off + lane, S)
                idx_v[r, pl.ds(v * L, L)] = jnp.where(pos < seql, vec + 1, 0)

        def start_gather(c, b):
            pltpu.async_copy(table_hbm.at[idx_v.at[c]], bufs[b], gsems[b])

        def wait_gather(b):
            pltpu.make_async_copy(table_hbm.at[idx_v.at[0]], bufs[b],
                                  gsems[b]).wait()

        def start_store(c, b):
            pltpu.async_copy(bufs[b], out_hbm.at[pl.ds(base + c * CHUNK, CHUNK)],
                             ssems[b])

        def wait_store(b):
            pltpu.make_async_copy(bufs[b], out_hbm.at[pl.ds(base, CHUNK)],
                                  ssems[b]).wait()

        def step(c, b):
            nxt = c + DEPTH - 1
            bn = (b + DEPTH - 1) % DEPTH

            @pl.when(nxt < NCHUNK)
            def _():
                fix(nxt)

            wait_gather(b)
            start_store(c, b)

            @pl.when(nxt < NCHUNK)
            def _():
                @pl.when(c >= 1)
                def _():
                    wait_store(bn)
                start_gather(nxt, bn)

        for j in range(DEPTH - 1):
            fix(j)
            start_gather(j, j)

        @pl.loop(0, NCHUNK - 1, step=DEPTH)
        def _pipe(cbase):
            for b in range(DEPTH):
                step(cbase + b, b)

        step(NCHUNK - 1, (NCHUNK - 1) % DEPTH)

        for g in range(NCHUNK - DEPTH, NCHUNK):
            wait_store(g % DEPTH)

    return k(table, text_rows, seql)


def kernel(lang, text, seq_len, table):
    del lang
    text_rows = text.astype(jnp.int32).reshape(NW, NCHUNK, CHUNK)
    seql = jnp.full((16,), seq_len, dtype=jnp.int32)
    out = _sc_gather(table, text_rows, seql)
    return out.reshape(B, S, D)

# --- scband reference (transcript-rebuilt; emitter-appended) ---
"""Pipeline reference for scband-text-embedding-17815524343953 (READ-ONLY COPY).

The authoritative reference and input builder live on the scoring server;
editing this copy changes nothing except your own understanding.
"""

import jax, jax.numpy as jnp
import numpy as np


def setup_inputs(seed: int = 0) -> dict:
    key = jax.random.key(seed)
    k1, k2, k3 = jax.random.split(key, 3)
    lang = jax.random.randint(k1, (1024, 1), 0, 16)
    text = jax.random.randint(k2, (1024, 200), 0, 100000)
    # nn.Embedding(text_num_embeds + 1, text_dim) -> table of shape [100001, 128]
    table = jax.random.normal(k3, (100001, 128), dtype=jnp.float32) * 0.02
    return {"lang": lang, "text": text, "seq_len": 200, "table": table}


def reference(lang, text, seq_len, table):
    # text = text + 1 (shift so 0 is the filler/pad token)
    t = text + 1
    # curtail to seq_len, then pad with filler token 0 back up to seq_len.
    # The static target width equals text.shape[1] (seq_len is always passed as
    # that value); express curtail+pad as a fixed-shape mask so positions at or
    # beyond the traced seq_len become the filler token 0.
    static_len = text.shape[1]
    positions = jnp.arange(static_len)[None, :]
    t = jnp.where(positions < seq_len, t, 0)
    # drop_text=False path; lang_embed is None; extra_modeling is False (conv_layers=0)
    out = jnp.take(table, t, axis=0)
    return out

if __name__ == "__main__":
    import jax
    _d = setup_inputs()
    print(jax.jit(kernel)(*tuple(_d.values())))

</pallas_src>

<mosaic_0001>
#map = affine_map<(d0, d1) -> (0, 0)>
#map1 = affine_map<(d0, d1) -> (0, 0, 0)>
#map2 = affine_map<(d0, d1) -> (0)>
module attributes {stable_mosaic.version = 14 : i64} {
  func.func @k(%arg0: i32, %arg1: i32, %arg2: memref<100001x128xf32, #tpu.memory_space<hbm>>, %arg3: memref<32x50x128xi32, #tpu.memory_space<hbm>>, %arg4: memref<16xi32, #tpu.memory_space<hbm>>, %arg5: memref<204800x128xf32, #tpu.memory_space<hbm>>, %arg6: memref<50x128xi32, #tpu.memory_space<vmem>>, %arg7: memref<16xi32, #tpu.memory_space<vmem>>, %arg8: memref<128x128xf32, #tpu.memory_space<vmem>>, %arg9: memref<128x128xf32, #tpu.memory_space<vmem>>, %arg10: memref<128x128xf32, #tpu.memory_space<vmem>>, %arg11: memref<128x128xf32, #tpu.memory_space<vmem>>, %arg12: memref<128x128xf32, #tpu.memory_space<vmem>>, %arg13: memref<128x128xf32, #tpu.memory_space<vmem>>, %arg14: memref<128x128xf32, #tpu.memory_space<vmem>>, %arg15: memref<!tpu.dma_semaphore, #tpu.memory_space<semaphore_mem>>, %arg16: memref<!tpu.dma_semaphore, #tpu.memory_space<semaphore_mem>>, %arg17: memref<!tpu.dma_semaphore, #tpu.memory_space<semaphore_mem>>, %arg18: memref<!tpu.dma_semaphore, #tpu.memory_space<semaphore_mem>>, %arg19: memref<!tpu.dma_semaphore, #tpu.memory_space<semaphore_mem>>, %arg20: memref<!tpu.dma_semaphore, #tpu.memory_space<semaphore_mem>>, %arg21: memref<!tpu.dma_semaphore, #tpu.memory_space<semaphore_mem>>, %arg22: memref<!tpu.dma_semaphore, #tpu.memory_space<semaphore_mem>>, %arg23: memref<!tpu.dma_semaphore, #tpu.memory_space<semaphore_mem>>, %arg24: memref<!tpu.dma_semaphore, #tpu.memory_space<semaphore_mem>>, %arg25: memref<!tpu.dma_semaphore, #tpu.memory_space<semaphore_mem>>, %arg26: memref<!tpu.dma_semaphore, #tpu.memory_space<semaphore_mem>>, %arg27: memref<!tpu.dma_semaphore, #tpu.memory_space<semaphore_mem>>, %arg28: memref<!tpu.dma_semaphore, #tpu.memory_space<semaphore_mem>>) attributes {dimension_semantics = [#tpu.dimension_semantics<core_parallel>, #tpu.dimension_semantics<subcore_parallel>], iteration_bounds = array<i64: 2, 16>, scalar_prefetch = 0 : i64, scratch_operands = 23 : i64, tpu.core_type = #tpu.core_type<sc_vector_subcore>, window_params = [{transform_indices = #map}, {transform_indices = #map1}, {transform_indices = #map2}, {transform_indices = #map}]} {
    %mul3A = arith.constant 2 : i32
    %mul3A_0 = arith.muli %arg1, %mul3A : i32
    %add3A = arith.addi %mul3A_0, %arg0 : i32
    %mul3A_1 = arith.constant 6400 : i32
    %mul3A_2 = arith.muli %add3A, %mul3A_1 : i32
    "tpu.region"() ({
      %run_scoped3A = tpu.sem_alloc : memref<!tpu.dma_semaphore, #tpu.memory_space<semaphore_mem>>
      %dma_start3A_1236 = arith.constant 0 : i32
      %dma_start3A_1237 = arith.constant 0 : i32
      %dma_start3A_1238 = tpu.memref_slice %arg3[%add3A, %dma_start3A_1236, %dma_start3A_1237] : memref<32x50x128xi32, #tpu.memory_space<hbm>> -> memref<1x50x128xi32, #tpu.memory_space<hbm>>
      %dma_start3A_1239 = tpu.memref_squeeze %dma_start3A_1238 : memref<1x50x128xi32, #tpu.memory_space<hbm>> -> memref<50x128xi32, #tpu.memory_space<hbm>>
      %dma_start3A_1240 = arith.constant 0 : i32
      %dma_start3A_1241 = arith.constant 0 : i32
      %dma_start3A_1242 = tpu.memref_slice %arg3[%add3A, %dma_start3A_1240, %dma_start3A_1241] : memref<32x50x128xi32, #tpu.memory_space<hbm>> -> memref<1x50x128xi32, #tpu.memory_space<hbm>>
      %dma_start3A_1243 = tpu.memref_squeeze %dma_start3A_1242 : memref<1x50x128xi32, #tpu.memory_space<hbm>> -> memref<50x128xi32, #tpu.memory_space<hbm>>
      tpu.enqueue_dma source(%dma_start3A_1243 : memref<50x128xi32, #tpu.memory_space<hbm>>) target(%arg6 : memref<50x128xi32, #tpu.memory_space<vmem>>) target_semaphore(%run_scoped3A : memref<!tpu.dma_semaphore, #tpu.memory_space<semaphore_mem>>)
      %dma_wait3A_1244 = arith.constant 0 : i32
      %dma_wait3A_1245 = arith.constant 0 : i32
      %dma_wait3A_1246 = tpu.memref_slice %arg3[%add3A, %dma_wait3A_1244, %dma_wait3A_1245] : memref<32x50x128xi32, #tpu.memory_space<hbm>> -> memref<1x50x128xi32, #tpu.memory_space<hbm>>
      %dma_wait3A_1247 = tpu.memref_squeeze %dma_wait3A_1246 : memref<1x50x128xi32, #tpu.memory_space<hbm>> -> memref<50x128xi32, #tpu.memory_space<hbm>>
      %dma_wait3A_1248 = arith.constant 0 : i32
      %dma_wait3A_1249 = arith.constant 0 : i32
      %dma_wait3A_1250 = tpu.memref_slice %arg3[%add3A, %dma_wait3A_1248, %dma_wait3A_1249] : memref<32x50x128xi32, #tpu.memory_space<hbm>> -> memref<1x50x128xi32, #tpu.memory_space<hbm>>
      %dma_wait3A_1251 = tpu.memref_squeeze %dma_wait3A_1250 : memref<1x50x128xi32, #tpu.memory_space<hbm>> -> memref<50x128xi32, #tpu.memory_space<hbm>>
      tpu.wait_dma2 semaphore(%run_scoped3A : memref<!tpu.dma_semaphore, #tpu.memory_space<semaphore_mem>>) src(%dma_wait3A_1251 : memref<50x128xi32, #tpu.memory_space<hbm>>) dst(%arg6 : memref<50x128xi32, #tpu.memory_space<vmem>>)
      tpu.yield
    }) : () -> ()
    "tpu.region"() ({
      %run_scoped3A = tpu.sem_alloc : memref<!tpu.dma_semaphore, #tpu.memory_space<semaphore_mem>>
      tpu.enqueue_dma source(%arg4 : memref<16xi32, #tpu.memory_space<hbm>>) target(%arg7 : memref<16xi32, #tpu.memory_space<vmem>>) target_semaphore(%run_scoped3A : memref<!tpu.dma_semaphore, #tpu.memory_space<semaphore_mem>>)
      tpu.wait_dma2 semaphore(%run_scoped3A : memref<!tpu.dma_semaphore, #tpu.memory_space<semaphore_mem>>) src(%arg4 : memref<16xi32, #tpu.memory_space<hbm>>) dst(%arg7 : memref<16xi32, #tpu.memory_space<vmem>>)
      tpu.yield
    }) : () -> ()
    %get3A = arith.constant 0 : index
    %get3A_3 = tpu.vector_load %arg7[%get3A] {strides = array<i32>} : memref<16xi32, #tpu.memory_space<vmem>>, vector<16xi32>,
    %get3A_4 = vector.shape_cast %get3A_3 : vector<16xi32> to vector<16xi32>
    %iota3A = tpu.iota {dimensions = array<i32: 0>} : vector<16xi32>
    %get3A_5 = arith.constant 0 : i32
    %get3A_6 = arith.index_cast %get3A_5 : i32 to index
    %get3A_7 = arith.constant 0 : index
    %get3A_8 = tpu.vector_load %arg6[%get3A_6, %get3A_7] {strides = array<i32>} : memref<50x128xi32, #tpu.memory_space<vmem>>, vector<1x16xi32>,
    %get3A_9 = vector.shape_cast %get3A_8 : vector<1x16xi32> to vector<16xi32>
    %add3A_10 = arith.constant 0 : i32
    %add3A_11 = vector.broadcast %add3A_10 : i32 to vector<16xi32>
    %add3A_12 = arith.addi %add3A_11, %iota3A : vector<16xi32>
    %rem3A = arith.constant 200 : i32
    %rem3A_13 = vector.broadcast %rem3A : i32 to vector<16xi32>
    %rem3A_14 = arith.remsi %add3A_12, %rem3A_13 : vector<16xi32>
    %lt3A = arith.cmpi slt, %rem3A_14, %get3A_4 : vector<16xi32>
    %add3A_15 = arith.constant 1 : i32
    %add3A_16 = vector.broadcast %add3A_15 : i32 to vector<16xi32>
    %add3A_17 = arith.addi %get3A_9, %add3A_16 : vector<16xi32>
    %jit3A = arith.constant 0 : i32
    %broadcast_in_dim3A = vector.broadcast %jit3A : i32 to vector<16xi32>
    %select_n3A = arith.select %lt3A, %add3A_17, %broadcast_in_dim3A : vector<16xi1>, vector<16xi32>
    %swap3A = arith.constant 0 : i32
    %swap3A_18 = arith.index_cast %swap3A : i32 to index
    %swap3A_19 = arith.constant 0 : index
    %swap3A_20 = tpu.vector_load %arg6[%swap3A_18, %swap3A_19] {strides = array<i32>} : memref<50x128xi32, #tpu.memory_space<vmem>>, vector<1x16xi32>,
    %swap3A_21 = vector.shape_cast %swap3A_20 : vector<1x16xi32> to vector<16xi32>
    %swap3A_22 = vector.shape_cast %select_n3A : vector<16xi32> to vector<1x16xi32>
    tpu.vector_store %arg6[%swap3A_18, %swap3A_19], %swap3A_22 {strides = array<i32>} : memref<50x128xi32, #tpu.memory_space<vmem>>, vector<1x16xi32>,
    %get3A_23 = arith.constant 0 : i32
    %get3A_24 = arith.index_cast %get3A_23 : i32 to index
    %get3A_25 = arith.constant 16 : index
    %get3A_26 = tpu.vector_load %arg6[%get3A_24, %get3A_25] {strides = array<i32>} : memref<50x128xi32, #tpu.memory_space<vmem>>, vector<1x16xi32>,
    %get3A_27 = vector.shape_cast %get3A_26 : vector<1x16xi32> to vector<16xi32>
    %add3A_28 = arith.constant 16 : i32
    %add3A_29 = vector.broadcast %add3A_28 : i32 to vector<16xi32>
    %add3A_30 = arith.addi %add3A_29, %iota3A : vector<16xi32>
    %rem3A_31 = arith.constant 200 : i32
    %rem3A_32 = vector.broadcast %rem3A_31 : i32 to vector<16xi32>
    %rem3A_33 = arith.remsi %add3A_30, %rem3A_32 : vector<16xi32>
    %lt3A_34 = arith.cmpi slt, %rem3A_33, %get3A_4 : vector<16xi32>
    %add3A_35 = arith.constant 1 : i32
    %add3A_36 = vector.broadcast %add3A_35 : i32 to vector<16xi32>
    %add3A_37 = arith.addi %get3A_27, %add3A_36 : vector<16xi32>
    %jit3A_38 = arith.constant 0 : i32
    %broadcast_in_dim3A_39 = vector.broadcast %jit3A_38 : i32 to vector<16xi32>
    %select_n3A_40 = arith.select %lt3A_34, %add3A_37, %broadcast_in_dim3A_39 : vector<16xi1>, vector<16xi32>
    %swap3A_41 = arith.constant 0 : i32
    %swap3A_42 = arith.index_cast %swap3A_41 : i32 to index
    %swap3A_43 = arith.constant 16 : index
    %swap3A_44 = tpu.vector_load %arg6[%swap3A_42, %swap3A_43] {strides = array<i32>} : memref<50x128xi32, #tpu.memory_space<vmem>>, vector<1x16xi32>,
    %swap3A_45 = vector.shape_cast %swap3A_44 : vector<1x16xi32> to vector<16xi32>
    %swap3A_46 = vector.shape_cast %select_n3A_40 : vector<16xi32> to vector<1x16xi32>
    tpu.vector_store %arg6[%swap3A_42, %swap3A_43], %swap3A_46 {strides = array<i32>} : memref<50x128xi32, #tpu.memory_space<vmem>>, vector<1x16xi32>,
    %get3A_47 = arith.constant 0 : i32
    %get3A_48 = arith.index_cast %get3A_47 : i32 to index
    %get3A_49 = arith.constant 32 : index
    %get3A_50 = tpu.vector_load %arg6[%get3A_48, %get3A_49] {strides = array<i32>} : memref<50x128xi32, #tpu.memory_space<vmem>>, vector<1x16xi32>,
    %get3A_51 = vector.shape_cast %get3A_50 : vector<1x16xi32> to vector<16xi32>
    %add3A_52 = arith.constant 32 : i32
    %add3A_53 = vector.broadcast %add3A_52 : i32 to vector<16xi32>
    %add3A_54 = arith.addi %add3A_53, %iota3A : vector<16xi32>
    %rem3A_55 = arith.constant 200 : i32
    %rem3A_56 = vector.broadcast %rem3A_55 : i32 to vector<16xi32>
    %rem3A_57 = arith.remsi %add3A_54, %rem3A_56 : vector<16xi32>
    %lt3A_58 = arith.cmpi slt, %rem3A_57, %get3A_4 : vector<16xi32>
    %add3A_59 = arith.constant 1 : i32
    %add3A_60 = vector.broadcast %add3A_59 : i32 to vector<16xi32>
    %add3A_61 = arith.addi %get3A_51, %add3A_60 : vector<16xi32>
    %jit3A_62 = arith.constant 0 : i32
    %broadcast_in_dim3A_63 = vector.broadcast %jit3A_62 : i32 to vector<16xi32>
    %select_n3A_64 = arith.select %lt3A_58, %add3A_61, %broadcast_in_dim3A_63 : vector<16xi1>, vector<16xi32>
    %swap3A_65 = arith.constant 0 : i32
    %swap3A_66 = arith.index_cast %swap3A_65 : i32 to index
    %swap3A_67 = arith.constant 32 : index
    %swap3A_68 = tpu.vector_load %arg6[%swap3A_66, %swap3A_67] {strides = array<i32>} : memref<50x128xi32, #tpu.memory_space<vmem>>, vector<1x16xi32>,
    %swap3A_69 = vector.shape_cast %swap3A_68 : vector<1x16xi32> to vector<16xi32>
    %swap3A_70 = vector.shape_cast %select_n3A_64 : vector<16xi32> to vector<1x16xi32>
    tpu.vector_store %arg6[%swap3A_66, %swap3A_67], %swap3A_70 {strides = array<i32>} : memref<50x128xi32, #tpu.memory_space<vmem>>, vector<1x16xi32>,
    %get3A_71 = arith.constant 0 : i32
    %get3A_72 = arith.index_cast %get3A_71 : i32 to index
    %get3A_73 = arith.constant 48 : index
    %get3A_74 = tpu.vector_load %arg6[%get3A_72, %get3A_73] {strides = array<i32>} : memref<50x128xi32, #tpu.memory_space<vmem>>, vector<1x16xi32>,
    %get3A_75 = vector.shape_cast %get3A_74 : vector<1x16xi32> to vector<16xi32>
    %add3A_76 = arith.constant 48 : i32
    %add3A_77 = vector.broadcast %add3A_76 : i32 to vector<16xi32>
    %add3A_78 = arith.addi %add3A_77, %iota3A : vector<16xi32>
    %rem3A_79 = arith.constant 200 : i32
    %rem3A_80 = vector.broadcast %rem3A_79 : i32 to vector<16xi32>
    %rem3A_81 = arith.remsi %add3A_78, %rem3A_80 : vector<16xi32>
    %lt3A_82 = arith.cmpi slt, %rem3A_81, %get3A_4 : vector<16xi32>
    %add3A_83 = arith.constant 1 : i32
    %add3A_84 = vector.broadcast %add3A_83 : i32 to vector<16xi32>
    %add3A_85 = arith.addi %get3A_75, %add3A_84 : vector<16xi32>
    %jit3A_86 = arith.constant 0 : i32
    %broadcast_in_dim3A_87 = vector.broadcast %jit3A_86 : i32 to vector<16xi32>
    %select_n3A_88 = arith.select %lt3A_82, %add3A_85, %broadcast_in_dim3A_87 : vector<16xi1>, vector<16xi32>
    %swap3A_89 = arith.constant 0 : i32
    %swap3A_90 = arith.index_cast %swap3A_89 : i32 to index
    %swap3A_91 = arith.constant 48 : index
    %swap3A_92 = tpu.vector_load %arg6[%swap3A_90, %swap3A_91] {strides = array<i32>} : memref<50x128xi32, #tpu.memory_space<vmem>>, vector<1x16xi32>,
    %swap3A_93 = vector.shape_cast %swap3A_92 : vector<1x16xi32> to vector<16xi32>
    %swap3A_94 = vector.shape_cast %select_n3A_88 : vector<16xi32> to vector<1x16xi32>
    tpu.vector_store %arg6[%swap3A_90, %swap3A_91], %swap3A_94 {strides = array<i32>} : memref<50x128xi32, #tpu.memory_space<vmem>>, vector<1x16xi32>,
    %get3A_95 = arith.constant 0 : i32
    %get3A_96 = arith.index_cast %get3A_95 : i32 to index
    %get3A_97 = arith.constant 64 : index
    %get3A_98 = tpu.vector_load %arg6[%get3A_96, %get3A_97] {strides = array<i32>} : memref<50x128xi32, #tpu.memory_space<vmem>>, vector<1x16xi32>,
    %get3A_99 = vector.shape_cast %get3A_98 : vector<1x16xi32> to vector<16xi32>
    %add3A_100 = arith.constant 64 : i32
    %add3A_101 = vector.broadcast %add3A_100 : i32 to vector<16xi32>
    %add3A_102 = arith.addi %add3A_101, %iota3A : vector<16xi32>
    %rem3A_103 = arith.constant 200 : i32
    %rem3A_104 = vector.broadcast %rem3A_103 : i32 to vector<16xi32>
    %rem3A_105 = arith.remsi %add3A_102, %rem3A_104 : vector<16xi32>
    %lt3A_106 = arith.cmpi slt, %rem3A_105, %get3A_4 : vector<16xi32>
    %add3A_107 = arith.constant 1 : i32
    %add3A_108 = vector.broadcast %add3A_107 : i32 to vector<16xi32>
    %add3A_109 = arith.addi %get3A_99, %add3A_108 : vector<16xi32>
    %jit3A_110 = arith.constant 0 : i32
    %broadcast_in_dim3A_111 = vector.broadcast %jit3A_110 : i32 to vector<16xi32>
    %select_n3A_112 = arith.select %lt3A_106, %add3A_109, %broadcast_in_dim3A_111 : vector<16xi1>, vector<16xi32>
    %swap3A_113 = arith.constant 0 : i32
    %swap3A_114 = arith.index_cast %swap3A_113 : i32 to index
    %swap3A_115 = arith.constant 64 : index
    %swap3A_116 = tpu.vector_load %arg6[%swap3A_114, %swap3A_115] {strides = array<i32>} : memref<50x128xi32, #tpu.memory_space<vmem>>, vector<1x16xi32>,
    %swap3A_117 = vector.shape_cast %swap3A_116 : vector<1x16xi32> to vector<16xi32>
    %swap3A_118 = vector.shape_cast %select_n3A_112 : vector<16xi32> to vector<1x16xi32>
    tpu.vector_store %arg6[%swap3A_114, %swap3A_115], %swap3A_118 {strides = array<i32>} : memref<50x128xi32, #tpu.memory_space<vmem>>, vector<1x16xi32>,
    %get3A_119 = arith.constant 0 : i32
    %get3A_120 = arith.index_cast %get3A_119 : i32 to index
    %get3A_121 = arith.constant 80 : index
    %get3A_122 = tpu.vector_load %arg6[%get3A_120, %get3A_121] {strides = array<i32>} : memref<50x128xi32, #tpu.memory_space<vmem>>, vector<1x16xi32>,
    %get3A_123 = vector.shape_cast %get3A_122 : vector<1x16xi32> to vector<16xi32>
    %add3A_124 = arith.constant 80 : i32
    %add3A_125 = vector.broadcast %add3A_124 : i32 to vector<16xi32>
    %add3A_126 = arith.addi %add3A_125, %iota3A : vector<16xi32>
    %rem3A_127 = arith.constant 200 : i32
    %rem3A_128 = vector.broadcast %rem3A_127 : i32 to vector<16xi32>
    %rem3A_129 = arith.remsi %add3A_126, %rem3A_128 : vector<16xi32>
    %lt3A_130 = arith.cmpi slt, %rem3A_129, %get3A_4 : vector<16xi32>
    %add3A_131 = arith.constant 1 : i32
    %add3A_132 = vector.broadcast %add3A_131 : i32 to vector<16xi32>
    %add3A_133 = arith.addi %get3A_123, %add3A_132 : vector<16xi32>
    %jit3A_134 = arith.constant 0 : i32
    %broadcast_in_dim3A_135 = vector.broadcast %jit3A_134 : i32 to vector<16xi32>
    %select_n3A_136 = arith.select %lt3A_130, %add3A_133, %broadcast_in_dim3A_135 : vector<16xi1>, vector<16xi32>
    %swap3A_137 = arith.constant 0 : i32
    %swap3A_138 = arith.index_cast %swap3A_137 : i32 to index
    %swap3A_139 = arith.constant 80 : index
    %swap3A_140 = tpu.vector_load %arg6[%swap3A_138, %swap3A_139] {strides = array<i32>} : memref<50x128xi32, #tpu.memory_space<vmem>>, vector<1x16xi32>,
    %swap3A_141 = vector.shape_cast %swap3A_140 : vector<1x16xi32> to vector<16xi32>
    %swap3A_142 = vector.shape_cast %select_n3A_136 : vector<16xi32> to vector<1x16xi32>
    tpu.vector_store %arg6[%swap3A_138, %swap3A_139], %swap3A_142 {strides = array<i32>} : memref<50x128xi32, #tpu.memory_space<vmem>>, vector<1x16xi32>,
    %get3A_143 = arith.constant 0 : i32
    %get3A_144 = arith.index_cast %get3A_143 : i32 to index
    %get3A_145 = arith.constant 96 : index
    %get3A_146 = tpu.vector_load %arg6[%get3A_144, %get3A_145] {strides = array<i32>} : memref<50x128xi32, #tpu.memory_space<vmem>>, vector<1x16xi32>,
    %get3A_147 = vector.shape_cast %get3A_146 : vector<1x16xi32> to vector<16xi32>
    %add3A_148 = arith.constant 96 : i32
    %add3A_149 = vector.broadcast %add3A_148 : i32 to vector<16xi32>
    %add3A_150 = arith.addi %add3A_149, %iota3A : vector<16xi32>
    %rem3A_151 = arith.constant 200 : i32
    %rem3A_152 = vector.broadcast %rem3A_151 : i32 to vector<16xi32>
    %rem3A_153 = arith.remsi %add3A_150, %rem3A_152 : vector<16xi32>
    %lt3A_154 = arith.cmpi slt, %rem3A_153, %get3A_4 : vector<16xi32>
    %add3A_155 = arith.constant 1 : i32
    %add3A_156 = vector.broadcast %add3A_155 : i32 to vector<16xi32>
    %add3A_157 = arith.addi %get3A_147, %add3A_156 : vector<16xi32>
    %jit3A_158 = arith.constant 0 : i32
    %broadcast_in_dim3A_159 = vector.broadcast %jit3A_158 : i32 to vector<16xi32>
    %select_n3A_160 = arith.select %lt3A_154, %add3A_157, %broadcast_in_dim3A_159 : vector<16xi1>, vector<16xi32>
    %swap3A_161 = arith.constant 0 : i32
    %swap3A_162 = arith.index_cast %swap3A_161 : i32 to index
    %swap3A_163 = arith.constant 96 : index
    %swap3A_164 = tpu.vector_load %arg6[%swap3A_162, %swap3A_163] {strides = array<i32>} : memref<50x128xi32, #tpu.memory_space<vmem>>, vector<1x16xi32>,
    %swap3A_165 = vector.shape_cast %swap3A_164 : vector<1x16xi32> to vector<16xi32>
    %swap3A_166 = vector.shape_cast %select_n3A_160 : vector<16xi32> to vector<1x16xi32>
    tpu.vector_store %arg6[%swap3A_162, %swap3A_163], %swap3A_166 {strides = array<i32>} : memref<50x128xi32, #tpu.memory_space<vmem>>, vector<1x16xi32>,
    %get3A_167 = arith.constant 0 : i32
    %get3A_168 = arith.index_cast %get3A_167 : i32 to index
    %get3A_169 = arith.constant 112 : index
    %get3A_170 = tpu.vector_load %arg6[%get3A_168, %get3A_169] {strides = array<i32>} : memref<50x128xi32, #tpu.memory_space<vmem>>, vector<1x16xi32>,
    %get3A_171 = vector.shape_cast %get3A_170 : vector<1x16xi32> to vector<16xi32>
    %add3A_172 = arith.constant 112 : i32
    %add3A_173 = vector.broadcast %add3A_172 : i32 to vector<16xi32>
    %add3A_174 = arith.addi %add3A_173, %iota3A : vector<16xi32>
    %rem3A_175 = arith.constant 200 : i32
    %rem3A_176 = vector.broadcast %rem3A_175 : i32 to vector<16xi32>
    %rem3A_177 = arith.remsi %add3A_174, %rem3A_176 : vector<16xi32>
    %lt3A_178 = arith.cmpi slt, %rem3A_177, %get3A_4 : vector<16xi32>
    %add3A_179 = arith.constant 1 : i32
    %add3A_180 = vector.broadcast %add3A_179 : i32 to vector<16xi32>
    %add3A_181 = arith.addi %get3A_171, %add3A_180 : vector<16xi32>
    %jit3A_182 = arith.constant 0 : i32
    %broadcast_in_dim3A_183 = vector.broadcast %jit3A_182 : i32 to vector<16xi32>
    %select_n3A_184 = arith.select %lt3A_178, %add3A_181, %broadcast_in_dim3A_183 : vector<16xi1>, vector<16xi32>
    %swap3A_185 = arith.constant 0 : i32
    %swap3A_186 = arith.index_cast %swap3A_185 : i32 to index
    %swap3A_187 = arith.constant 112 : index
    %swap3A_188 = tpu.vector_load %arg6[%swap3A_186, %swap3A_187] {strides = array<i32>} : memref<50x128xi32, #tpu.memory_space<vmem>>, vector<1x16xi32>,
    %swap3A_189 = vector.shape_cast %swap3A_188 : vector<1x16xi32> to vector<16xi32>
    %swap3A_190 = vector.shape_cast %select_n3A_184 : vector<16xi32> to vector<1x16xi32>
    tpu.vector_store %arg6[%swap3A_186, %swap3A_187], %swap3A_190 {strides = array<i32>} : memref<50x128xi32, #tpu.memory_space<vmem>>, vector<1x16xi32>,
    %dma_start3A = arith.constant 0 : i32
    %dma_start3A_191 = arith.constant 0 : i32
    %dma_start3A_192 = tpu.memref_slice %arg6[%dma_start3A, %dma_start3A_191] : memref<50x128xi32, #tpu.memory_space<vmem>> -> memref<1x128xi32, #tpu.memory_space<vmem>>
    %dma_start3A_193 = tpu.memref_squeeze %dma_start3A_192 : memref<1x128xi32, #tpu.memory_space<vmem>> -> memref<128xi32, #tpu.memory_space<vmem>>
    %dma_start3A_194 = arith.constant 0 : i32
    %dma_start3A_195 = arith.constant 0 : i32
    %dma_start3A_196 = tpu.memref_slice %arg2[%dma_start3A_194, %dma_start3A_195] : memref<100001x128xf32, #tpu.memory_space<hbm>> -> memref<100001x128xf32, #tpu.memory_space<hbm>>
    tpu.enqueue_indirect_dma source(%dma_start3A_196 : memref<100001x128xf32, #tpu.memory_space<hbm>>) target(%arg8 : memref<128x128xf32, #tpu.memory_space<vmem>>) offsets(%dma_start3A_193 : memref<128xi32, #tpu.memory_space<vmem>>) semaphore(%arg15 : memref<!tpu.dma_semaphore, #tpu.memory_space<semaphore_mem>>)
    %get3A_197 = arith.constant 1 : i32
    %get3A_198 = arith.index_cast %get3A_197 : i32 to index
    %get3A_199 = arith.constant 0 : index
    %get3A_200 = tpu.vector_load %arg6[%get3A_198, %get3A_199] {strides = array<i32>} : memref<50x128xi32, #tpu.memory_space<vmem>>, vector<1x16xi32>,
    %get3A_201 = vector.shape_cast %get3A_200 : vector<1x16xi32> to vector<16xi32>
    %add3A_202 = arith.constant 128 : i32
    %add3A_203 = vector.broadcast %add3A_202 : i32 to vector<16xi32>
    %add3A_204 = arith.addi %add3A_203, %iota3A : vector<16xi32>
    %rem3A_205 = arith.constant 200 : i32
    %rem3A_206 = vector.broadcast %rem3A_205 : i32 to vector<16xi32>
    %rem3A_207 = arith.remsi %add3A_204, %rem3A_206 : vector<16xi32>
    %lt3A_208 = arith.cmpi slt, %rem3A_207, %get3A_4 : vector<16xi32>
    %add3A_209 = arith.constant 1 : i32
    %add3A_210 = vector.broadcast %add3A_209 : i32 to vector<16xi32>
    %add3A_211 = arith.addi %get3A_201, %add3A_210 : vector<16xi32>
    %jit3A_212 = arith.constant 0 : i32
    %broadcast_in_dim3A_213 = vector.broadcast %jit3A_212 : i32 to vector<16xi32>
    %select_n3A_214 = arith.select %lt3A_208, %add3A_211, %broadcast_in_dim3A_213 : vector<16xi1>, vector<16xi32>
    %swap3A_215 = arith.constant 1 : i32
    %swap3A_216 = arith.index_cast %swap3A_215 : i32 to index
    %swap3A_217 = arith.constant 0 : index
    %swap3A_218 = tpu.vector_load %arg6[%swap3A_216, %swap3A_217] {strides = array<i32>} : memref<50x128xi32, #tpu.memory_space<vmem>>, vector<1x16xi32>,
    %swap3A_219 = vector.shape_cast %swap3A_218 : vector<1x16xi32> to vector<16xi32>
    %swap3A_220 = vector.shape_cast %select_n3A_214 : vector<16xi32> to vector<1x16xi32>
    tpu.vector_store %arg6[%swap3A_216, %swap3A_217], %swap3A_220 {strides = array<i32>} : memref<50x128xi32, #tpu.memory_space<vmem>>, vector<1x16xi32>,
    %get3A_221 = arith.constant 1 : i32
    %get3A_222 = arith.index_cast %get3A_221 : i32 to index
    %get3A_223 = arith.constant 16 : index
    %get3A_224 = tpu.vector_load %arg6[%get3A_222, %get3A_223] {strides = array<i32>} : memref<50x128xi32, #tpu.memory_space<vmem>>, vector<1x16xi32>,
    %get3A_225 = vector.shape_cast %get3A_224 : vector<1x16xi32> to vector<16xi32>
    %add3A_226 = arith.constant 144 : i32
    %add3A_227 = vector.broadcast %add3A_226 : i32 to vector<16xi32>
    %add3A_228 = arith.addi %add3A_227, %iota3A : vector<16xi32>
    %rem3A_229 = arith.constant 200 : i32
    %rem3A_230 = vector.broadcast %rem3A_229 : i32 to vector<16xi32>
    %rem3A_231 = arith.remsi %add3A_228, %rem3A_230 : vector<16xi32>
    %lt3A_232 = arith.cmpi slt, %rem3A_231, %get3A_4 : vector<16xi32>
    %add3A_233 = arith.constant 1 : i32
    %add3A_234 = vector.broadcast %add3A_233 : i32 to vector<16xi32>
    %add3A_235 = arith.addi %get3A_225, %add3A_234 : vector<16xi32>
    %jit3A_236 = arith.constant 0 : i32
    %broadcast_in_dim3A_237 = vector.broadcast %jit3A_236 : i32 to vector<16xi32>
    %select_n3A_238 = arith.select %lt3A_232, %add3A_235, %broadcast_in_dim3A_237 : vector<16xi1>, vector<16xi32>
    %swap3A_239 = arith.constant 1 : i32
    %swap3A_240 = arith.index_cast %swap3A_239 : i32 to index
    %swap3A_241 = arith.constant 16 : index
    %swap3A_242 = tpu.vector_load %arg6[%swap3A_240, %swap3A_241] {strides = array<i32>} : memref<50x128xi32, #tpu.memory_space<vmem>>, vector<1x16xi32>,
    %swap3A_243 = vector.shape_cast %swap3A_242 : vector<1x16xi32> to vector<16xi32>
    %swap3A_244 = vector.shape_cast %select_n3A_238 : vector<16xi32> to vector<1x16xi32>
    tpu.vector_store %arg6[%swap3A_240, %swap3A_241], %swap3A_244 {strides = array<i32>} : memref<50x128xi32, #tpu.memory_space<vmem>>, vector<1x16xi32>,
    %get3A_245 = arith.constant 1 : i32
    %get3A_246 = arith.index_cast %get3A_245 : i32 to index
    %get3A_247 = arith.constant 32 : index
    %get3A_248 = tpu.vector_load %arg6[%get3A_246, %get3A_247] {strides = array<i32>} : memref<50x128xi32, #tpu.memory_space<vmem>>, vector<1x16xi32>,
    %get3A_249 = vector.shape_cast %get3A_248 : vector<1x16xi32> to vector<16xi32>
    %add3A_250 = arith.constant 160 : i32
    %add3A_251 = vector.broadcast %add3A_250 : i32 to vector<16xi32>
    %add3A_252 = arith.addi %add3A_251, %iota3A : vector<16xi32>
    %rem3A_253 = arith.constant 200 : i32
    %rem3A_254 = vector.broadcast %rem3A_253 : i32 to vector<16xi32>
    %rem3A_255 = arith.remsi %add3A_252, %rem3A_254 : vector<16xi32>
    %lt3A_256 = arith.cmpi slt, %rem3A_255, %get3A_4 : vector<16xi32>
    %add3A_257 = arith.constant 1 : i32
    %add3A_258 = vector.broadcast %add3A_257 : i32 to vector<16xi32>
    %add3A_259 = arith.addi %get3A_249, %add3A_258 : vector<16xi32>
    %jit3A_260 = arith.constant 0 : i32
    %broadcast_in_dim3A_261 = vector.broadcast %jit3A_260 : i32 to vector<16xi32>
    %select_n3A_262 = arith.select %lt3A_256, %add3A_259, %broadcast_in_dim3A_261 : vector<16xi1>, vector<16xi32>
    %swap3A_263 = arith.constant 1 : i32
    %swap3A_264 = arith.index_cast %swap3A_263 : i32 to index
    %swap3A_265 = arith.constant 32 : index
    %swap3A_266 = tpu.vector_load %arg6[%swap3A_264, %swap3A_265] {strides = array<i32>} : memref<50x128xi32, #tpu.memory_space<vmem>>, vector<1x16xi32>,
    %swap3A_267 = vector.shape_cast %swap3A_266 : vector<1x16xi32> to vector<16xi32>
    %swap3A_268 = vector.shape_cast %select_n3A_262 : vector<16xi32> to vector<1x16xi32>
    tpu.vector_store %arg6[%swap3A_264, %swap3A_265], %swap3A_268 {strides = array<i32>} : memref<50x128xi32, #tpu.memory_space<vmem>>, vector<1x16xi32>,
    %get3A_269 = arith.constant 1 : i32
    %get3A_270 = arith.index_cast %get3A_269 : i32 to index
    %get3A_271 = arith.constant 48 : index
    %get3A_272 = tpu.vector_load %arg6[%get3A_270, %get3A_271] {strides = array<i32>} : memref<50x128xi32, #tpu.memory_space<vmem>>, vector<1x16xi32>,
    %get3A_273 = vector.shape_cast %get3A_272 : vector<1x16xi32> to vector<16xi32>
    %add3A_274 = arith.constant 176 : i32
    %add3A_275 = vector.broadcast %add3A_274 : i32 to vector<16xi32>
    %add3A_276 = arith.addi %add3A_275, %iota3A : vector<16xi32>
    %rem3A_277 = arith.constant 200 : i32
    %rem3A_278 = vector.broadcast %rem3A_277 : i32 to vector<16xi32>
    %rem3A_279 = arith.remsi %add3A_276, %rem3A_278 : vector<16xi32>
    %lt3A_280 = arith.cmpi slt, %rem3A_279, %get3A_4 : vector<16xi32>
    %add3A_281 = arith.constant 1 : i32
    %add3A_282 = vector.broadcast %add3A_281 : i32 to vector<16xi32>
    %add3A_283 = arith.addi %get3A_273, %add3A_282 : vector<16xi32>
    %jit3A_284 = arith.constant 0 : i32
    %broadcast_in_dim3A_285 = vector.broadcast %jit3A_284 : i32 to vector<16xi32>
    %select_n3A_286 = arith.select %lt3A_280, %add3A_283, %broadcast_in_dim3A_285 : vector<16xi1>, vector<16xi32>
    %swap3A_287 = arith.constant 1 : i32
    %swap3A_288 = arith.index_cast %swap3A_287 : i32 to index
    %swap3A_289 = arith.constant 48 : index
    %swap3A_290 = tpu.vector_load %arg6[%swap3A_288, %swap3A_289] {strides = array<i32>} : memref<50x128xi32, #tpu.memory_space<vmem>>, vector<1x16xi32>,
    %swap3A_291 = vector.shape_cast %swap3A_290 : vector<1x16xi32> to vector<16xi32>
    %swap3A_292 = vector.shape_cast %select_n3A_286 : vector<16xi32> to vector<1x16xi32>
    tpu.vector_store %arg6[%swap3A_288, %swap3A_289], %swap3A_292 {strides = array<i32>} : memref<50x128xi32, #tpu.memory_space<vmem>>, vector<1x16xi32>,
    %get3A_293 = arith.constant 1 : i32
    %get3A_294 = arith.index_cast %get3A_293 : i32 to index
    %get3A_295 = arith.constant 64 : index
    %get3A_296 = tpu.vector_load %arg6[%get3A_294, %get3A_295] {strides = array<i32>} : memref<50x128xi32, #tpu.memory_space<vmem>>, vector<1x16xi32>,
    %get3A_297 = vector.shape_cast %get3A_296 : vector<1x16xi32> to vector<16xi32>
    %add3A_298 = arith.constant 192 : i32
    %add3A_299 = vector.broadcast %add3A_298 : i32 to vector<16xi32>
    %add3A_300 = arith.addi %add3A_299, %iota3A : vector<16xi32>
    %rem3A_301 = arith.constant 200 : i32
    %rem3A_302 = vector.broadcast %rem3A_301 : i32 to vector<16xi32>
    %rem3A_303 = arith.remsi %add3A_300, %rem3A_302 : vector<16xi32>
    %lt3A_304 = arith.cmpi slt, %rem3A_303, %get3A_4 : vector<16xi32>
    %add3A_305 = arith.constant 1 : i32
    %add3A_306 = vector.broadcast %add3A_305 : i32 to vector<16xi32>
    %add3A_307 = arith.addi %get3A_297, %add3A_306 : vector<16xi32>
    %jit3A_308 = arith.constant 0 : i32
    %broadcast_in_dim3A_309 = vector.broadcast %jit3A_308 : i32 to vector<16xi32>
    %select_n3A_310 = arith.select %lt3A_304, %add3A_307, %broadcast_in_dim3A_309 : vector<16xi1>, vector<16xi32>
    %swap3A_311 = arith.constant 1 : i32
    %swap3A_312 = arith.index_cast %swap3A_311 : i32 to index
    %swap3A_313 = arith.constant 64 : index
    %swap3A_314 = tpu.vector_load %arg6[%swap3A_312, %swap3A_313] {strides = array<i32>} : memref<50x128xi32, #tpu.memory_space<vmem>>, vector<1x16xi32>,
    %swap3A_315 = vector.shape_cast %swap3A_314 : vector<1x16xi32> to vector<16xi32>
    %swap3A_316 = vector.shape_cast %select_n3A_310 : vector<16xi32> to vector<1x16xi32>
    tpu.vector_store %arg6[%swap3A_312, %swap3A_313], %swap3A_316 {strides = array<i32>} : memref<50x128xi32, #tpu.memory_space<vmem>>, vector<1x16xi32>,
    %get3A_317 = arith.constant 1 : i32
    %get3A_318 = arith.index_cast %get3A_317 : i32 to index
    %get3A_319 = arith.constant 80 : index
    %get3A_320 = tpu.vector_load %arg6[%get3A_318, %get3A_319] {strides = array<i32>} : memref<50x128xi32, #tpu.memory_space<vmem>>, vector<1x16xi32>,
    %get3A_321 = vector.shape_cast %get3A_320 : vector<1x16xi32> to vector<16xi32>
    %add3A_322 = arith.constant 208 : i32
    %add3A_323 = vector.broadcast %add3A_322 : i32 to vector<16xi32>
    %add3A_324 = arith.addi %add3A_323, %iota3A : vector<16xi32>
    %rem3A_325 = arith.constant 200 : i32
    %rem3A_326 = vector.broadcast %rem3A_325 : i32 to vector<16xi32>
    %rem3A_327 = arith.remsi %add3A_324, %rem3A_326 : vector<16xi32>
    %lt3A_328 = arith.cmpi slt, %rem3A_327, %get3A_4 : vector<16xi32>
    %add3A_329 = arith.constant 1 : i32
    %add3A_330 = vector.broadcast %add3A_329 : i32 to vector<16xi32>
    %add3A_331 = arith.addi %get3A_321, %add3A_330 : vector<16xi32>
    %jit3A_332 = arith.constant 0 : i32
    %broadcast_in_dim3A_333 = vector.broadcast %jit3A_332 : i32 to vector<16xi32>
    %select_n3A_334 = arith.select %lt3A_328, %add3A_331, %broadcast_in_dim3A_333 : vector<16xi1>, vector<16xi32>
    %swap3A_335 = arith.constant 1 : i32
    %swap3A_336 = arith.index_cast %swap3A_335 : i32 to index
    %swap3A_337 = arith.constant 80 : index
    %swap3A_338 = tpu.vector_load %arg6[%swap3A_336, %swap3A_337] {strides = array<i32>} : memref<50x128xi32, #tpu.memory_space<vmem>>, vector<1x16xi32>,
    %swap3A_339 = vector.shape_cast %swap3A_338 : vector<1x16xi32> to vector<16xi32>
    %swap3A_340 = vector.shape_cast %select_n3A_334 : vector<16xi32> to vector<1x16xi32>
    tpu.vector_store %arg6[%swap3A_336, %swap3A_337], %swap3A_340 {strides = array<i32>} : memref<50x128xi32, #tpu.memory_space<vmem>>, vector<1x16xi32>,
    %get3A_341 = arith.constant 1 : i32
    %get3A_342 = arith.index_cast %get3A_341 : i32 to index
    %get3A_343 = arith.constant 96 : index
    %get3A_344 = tpu.vector_load %arg6[%get3A_342, %get3A_343] {strides = array<i32>} : memref<50x128xi32, #tpu.memory_space<vmem>>, vector<1x16xi32>,
    %get3A_345 = vector.shape_cast %get3A_344 : vector<1x16xi32> to vector<16xi32>
    %add3A_346 = arith.constant 224 : i32
    %add3A_347 = vector.broadcast %add3A_346 : i32 to vector<16xi32>
    %add3A_348 = arith.addi %add3A_347, %iota3A : vector<16xi32>
    %rem3A_349 = arith.constant 200 : i32
    %rem3A_350 = vector.broadcast %rem3A_349 : i32 to vector<16xi32>
    %rem3A_351 = arith.remsi %add3A_348, %rem3A_350 : vector<16xi32>
    %lt3A_352 = arith.cmpi slt, %rem3A_351, %get3A_4 : vector<16xi32>
    %add3A_353 = arith.constant 1 : i32
    %add3A_354 = vector.broadcast %add3A_353 : i32 to vector<16xi32>
    %add3A_355 = arith.addi %get3A_345, %add3A_354 : vector<16xi32>
    %jit3A_356 = arith.constant 0 : i32
    %broadcast_in_dim3A_357 = vector.broadcast %jit3A_356 : i32 to vector<16xi32>
    %select_n3A_358 = arith.select %lt3A_352, %add3A_355, %broadcast_in_dim3A_357 : vector<16xi1>, vector<16xi32>
    %swap3A_359 = arith.constant 1 : i32
    %swap3A_360 = arith.index_cast %swap3A_359 : i32 to index
    %swap3A_361 = arith.constant 96 : index
    %swap3A_362 = tpu.vector_load %arg6[%swap3A_360, %swap3A_361] {strides = array<i32>} : memref<50x128xi32, #tpu.memory_space<vmem>>, vector<1x16xi32>,
    %swap3A_363 = vector.shape_cast %swap3A_362 : vector<1x16xi32> to vector<16xi32>
    %swap3A_364 = vector.shape_cast %select_n3A_358 : vector<16xi32> to vector<1x16xi32>
    tpu.vector_store %arg6[%swap3A_360, %swap3A_361], %swap3A_364 {strides = array<i32>} : memref<50x128xi32, #tpu.memory_space<vmem>>, vector<1x16xi32>,
    %get3A_365 = arith.constant 1 : i32
    %get3A_366 = arith.index_cast %get3A_365 : i32 to index
    %get3A_367 = arith.constant 112 : index
    %get3A_368 = tpu.vector_load %arg6[%get3A_366, %get3A_367] {strides = array<i32>} : memref<50x128xi32, #tpu.memory_space<vmem>>, vector<1x16xi32>,
    %get3A_369 = vector.shape_cast %get3A_368 : vector<1x16xi32> to vector<16xi32>
    %add3A_370 = arith.constant 240 : i32
    %add3A_371 = vector.broadcast %add3A_370 : i32 to vector<16xi32>
    %add3A_372 = arith.addi %add3A_371, %iota3A : vector<16xi32>
    %rem3A_373 = arith.constant 200 : i32
    %rem3A_374 = vector.broadcast %rem3A_373 : i32 to vector<16xi32>
    %rem3A_375 = arith.remsi %add3A_372, %rem3A_374 : vector<16xi32>
    %lt3A_376 = arith.cmpi slt, %rem3A_375, %get3A_4 : vector<16xi32>
    %add3A_377 = arith.constant 1 : i32
    %add3A_378 = vector.broadcast %add3A_377 : i32 to vector<16xi32>
    %add3A_379 = arith.addi %get3A_369, %add3A_378 : vector<16xi32>
    %jit3A_380 = arith.constant 0 : i32
    %broadcast_in_dim3A_381 = vector.broadcast %jit3A_380 : i32 to vector<16xi32>
    %select_n3A_382 = arith.select %lt3A_376, %add3A_379, %broadcast_in_dim3A_381 : vector<16xi1>, vector<16xi32>
    %swap3A_383 = arith.constant 1 : i32
    %swap3A_384 = arith.index_cast %swap3A_383 : i32 to index
    %swap3A_385 = arith.constant 112 : index
    %swap3A_386 = tpu.vector_load %arg6[%swap3A_384, %swap3A_385] {strides = array<i32>} : memref<50x128xi32, #tpu.memory_space<vmem>>, vector<1x16xi32>,
    %swap3A_387 = vector.shape_cast %swap3A_386 : vector<1x16xi32> to vector<16xi32>
    %swap3A_388 = vector.shape_cast %select_n3A_382 : vector<16xi32> to vector<1x16xi32>
    tpu.vector_store %arg6[%swap3A_384, %swap3A_385], %swap3A_388 {strides = array<i32>} : memref<50x128xi32, #tpu.memory_space<vmem>>, vector<1x16xi32>,
    %dma_start3A_389 = arith.constant 1 : i32
    %dma_start3A_390 = arith.constant 0 : i32
    %dma_start3A_391 = tpu.memref_slice %arg6[%dma_start3A_389, %dma_start3A_390] : memref<50x128xi32, #tpu.memory_space<vmem>> -> memref<1x128xi32, #tpu.memory_space<vmem>>
    %dma_start3A_392 = tpu.memref_squeeze %dma_start3A_391 : memref<1x128xi32, #tpu.memory_space<vmem>> -> memref<128xi32, #tpu.memory_space<vmem>>
    %dma_start3A_393 = arith.constant 0 : i32
    %dma_start3A_394 = arith.constant 0 : i32
    %dma_start3A_395 = tpu.memref_slice %arg2[%dma_start3A_393, %dma_start3A_394] : memref<100001x128xf32, #tpu.memory_space<hbm>> -> memref<100001x128xf32, #tpu.memory_space<hbm>>
    tpu.enqueue_indirect_dma source(%dma_start3A_395 : memref<100001x128xf32, #tpu.memory_space<hbm>>) target(%arg9 : memref<128x128xf32, #tpu.memory_space<vmem>>) offsets(%dma_start3A_392 : memref<128xi32, #tpu.memory_space<vmem>>) semaphore(%arg16 : memref<!tpu.dma_semaphore, #tpu.memory_space<semaphore_mem>>)
    %get3A_396 = arith.constant 2 : i32
    %get3A_397 = arith.index_cast %get3A_396 : i32 to index
    %get3A_398 = arith.constant 0 : index
    %get3A_399 = tpu.vector_load %arg6[%get3A_397, %get3A_398] {strides = array<i32>} : memref<50x128xi32, #tpu.memory_space<vmem>>, vector<1x16xi32>,
    %get3A_400 = vector.shape_cast %get3A_399 : vector<1x16xi32> to vector<16xi32>
    %add3A_401 = arith.constant 256 : i32
    %add3A_402 = vector.broadcast %add3A_401 : i32 to vector<16xi32>
    %add3A_403 = arith.addi %add3A_402, %iota3A : vector<16xi32>
    %rem3A_404 = arith.constant 200 : i32
    %rem3A_405 = vector.broadcast %rem3A_404 : i32 to vector<16xi32>
    %rem3A_406 = arith.remsi %add3A_403, %rem3A_405 : vector<16xi32>
    %lt3A_407 = arith.cmpi slt, %rem3A_406, %get3A_4 : vector<16xi32>
    %add3A_408 = arith.constant 1 : i32
    %add3A_409 = vector.broadcast %add3A_408 : i32 to vector<16xi32>
    %add3A_410 = arith.addi %get3A_400, %add3A_409 : vector<16xi32>
    %jit3A_411 = arith.constant 0 : i32
    %broadcast_in_dim3A_412 = vector.broadcast %jit3A_411 : i32 to vector<16xi32>
    %select_n3A_413 = arith.select %lt3A_407, %add3A_410, %broadcast_in_dim3A_412 : vector<16xi1>, vector<16xi32>
    %swap3A_414 = arith.constant 2 : i32
    %swap3A_415 = arith.index_cast %swap3A_414 : i32 to index
    %swap3A_416 = arith.constant 0 : index
    %swap3A_417 = tpu.vector_load %arg6[%swap3A_415, %swap3A_416] {strides = array<i32>} : memref<50x128xi32, #tpu.memory_space<vmem>>, vector<1x16xi32>,
    %swap3A_418 = vector.shape_cast %swap3A_417 : vector<1x16xi32> to vector<16xi32>
    %swap3A_419 = vector.shape_cast %select_n3A_413 : vector<16xi32> to vector<1x16xi32>
    tpu.vector_store %arg6[%swap3A_415, %swap3A_416], %swap3A_419 {strides = array<i32>} : memref<50x128xi32, #tpu.memory_space<vmem>>, vector<1x16xi32>,
    %get3A_420 = arith.constant 2 : i32
    %get3A_421 = arith.index_cast %get3A_420 : i32 to index
    %get3A_422 = arith.constant 16 : index
    %get3A_423 = tpu.vector_load %arg6[%get3A_421, %get3A_422] {strides = array<i32>} : memref<50x128xi32, #tpu.memory_space<vmem>>, vector<1x16xi32>,
    %get3A_424 = vector.shape_cast %get3A_423 : vector<1x16xi32> to vector<16xi32>
    %add3A_425 = arith.constant 272 : i32
    %add3A_426 = vector.broadcast %add3A_425 : i32 to vector<16xi32>
    %add3A_427 = arith.addi %add3A_426, %iota3A : vector<16xi32>
    %rem3A_428 = arith.constant 200 : i32
    %rem3A_429 = vector.broadcast %rem3A_428 : i32 to vector<16xi32>
    %rem3A_430 = arith.remsi %add3A_427, %rem3A_429 : vector<16xi32>
    %lt3A_431 = arith.cmpi slt, %rem3A_430, %get3A_4 : vector<16xi32>
    %add3A_432 = arith.constant 1 : i32
    %add3A_433 = vector.broadcast %add3A_432 : i32 to vector<16xi32>
    %add3A_434 = arith.addi %get3A_424, %add3A_433 : vector<16xi32>
    %jit3A_435 = arith.constant 0 : i32
    %broadcast_in_dim3A_436 = vector.broadcast %jit3A_435 : i32 to vector<16xi32>
    %select_n3A_437 = arith.select %lt3A_431, %add3A_434, %broadcast_in_dim3A_436 : vector<16xi1>, vector<16xi32>
    %swap3A_438 = arith.constant 2 : i32
    %swap3A_439 = arith.index_cast %swap3A_438 : i32 to index
    %swap3A_440 = arith.constant 16 : index
    %swap3A_441 = tpu.vector_load %arg6[%swap3A_439, %swap3A_440] {strides = array<i32>} : memref<50x128xi32, #tpu.memory_space<vmem>>, vector<1x16xi32>,
    %swap3A_442 = vector.shape_cast %swap3A_441 : vector<1x16xi32> to vector<16xi32>
    %swap3A_443 = vector.shape_cast %select_n3A_437 : vector<16xi32> to vector<1x16xi32>
    tpu.vector_store %arg6[%swap3A_439, %swap3A_440], %swap3A_443 {strides = array<i32>} : memref<50x128xi32, #tpu.memory_space<vmem>>, vector<1x16xi32>,
    %get3A_444 = arith.constant 2 : i32
    %get3A_445 = arith.index_cast %get3A_444 : i32 to index
    %get3A_446 = arith.constant 32 : index
    %get3A_447 = tpu.vector_load %arg6[%get3A_445, %get3A_446] {strides = array<i32>} : memref<50x128xi32, #tpu.memory_space<vmem>>, vector<1x16xi32>,
    %get3A_448 = vector.shape_cast %get3A_447 : vector<1x16xi32> to vector<16xi32>
    %add3A_449 = arith.constant 288 : i32
    %add3A_450 = vector.broadcast %add3A_449 : i32 to vector<16xi32>
    %add3A_451 = arith.addi %add3A_450, %iota3A : vector<16xi32>
    %rem3A_452 = arith.constant 200 : i32
    %rem3A_453 = vector.broadcast %rem3A_452 : i32 to vector<16xi32>
    %rem3A_454 = arith.remsi %add3A_451, %rem3A_453 : vector<16xi32>
    %lt3A_455 = arith.cmpi slt, %rem3A_454, %get3A_4 : vector<16xi32>
    %add3A_456 = arith.constant 1 : i32
    %add3A_457 = vector.broadcast %add3A_456 : i32 to vector<16xi32>
    %add3A_458 = arith.addi %get3A_448, %add3A_457 : vector<16xi32>
    %jit3A_459 = arith.constant 0 : i32
    %broadcast_in_dim3A_460 = vector.broadcast %jit3A_459 : i32 to vector<16xi32>
    %select_n3A_461 = arith.select %lt3A_455, %add3A_458, %broadcast_in_dim3A_460 : vector<16xi1>, vector<16xi32>
    %swap3A_462 = arith.constant 2 : i32
    %swap3A_463 = arith.index_cast %swap3A_462 : i32 to index
    %swap3A_464 = arith.constant 32 : index
    %swap3A_465 = tpu.vector_load %arg6[%swap3A_463, %swap3A_464] {strides = array<i32>} : memref<50x128xi32, #tpu.memory_space<vmem>>, vector<1x16xi32>,
    %swap3A_466 = vector.shape_cast %swap3A_465 : vector<1x16xi32> to vector<16xi32>
    %swap3A_467 = vector.shape_cast %select_n3A_461 : vector<16xi32> to vector<1x16xi32>
    tpu.vector_store %arg6[%swap3A_463, %swap3A_464], %swap3A_467 {strides = array<i32>} : memref<50x128xi32, #tpu.memory_space<vmem>>, vector<1x16xi32>,
    %get3A_468 = arith.constant 2 : i32
    %get3A_469 = arith.index_cast %get3A_468 : i32 to index
    %get3A_470 = arith.constant 48 : index
    %get3A_471 = tpu.vector_load %arg6[%get3A_469, %get3A_470] {strides = array<i32>} : memref<50x128xi32, #tpu.memory_space<vmem>>, vector<1x16xi32>,
    %get3A_472 = vector.shape_cast %get3A_471 : vector<1x16xi32> to vector<16xi32>
    %add3A_473 = arith.constant 304 : i32
    %add3A_474 = vector.broadcast %add3A_473 : i32 to vector<16xi32>
    %add3A_475 = arith.addi %add3A_474, %iota3A : vector<16xi32>
    %rem3A_476 = arith.constant 200 : i32
    %rem3A_477 = vector.broadcast %rem3A_476 : i32 to vector<16xi32>
    %rem3A_478 = arith.remsi %add3A_475, %rem3A_477 : vector<16xi32>
    %lt3A_479 = arith.cmpi slt, %rem3A_478, %get3A_4 : vector<16xi32>
    %add3A_480 = arith.constant 1 : i32
    %add3A_481 = vector.broadcast %add3A_480 : i32 to vector<16xi32>
    %add3A_482 = arith.addi %get3A_472, %add3A_481 : vector<16xi32>
    %jit3A_483 = arith.constant 0 : i32
    %broadcast_in_dim3A_484 = vector.broadcast %jit3A_483 : i32 to vector<16xi32>
    %select_n3A_485 = arith.select %lt3A_479, %add3A_482, %broadcast_in_dim3A_484 : vector<16xi1>, vector<16xi32>
    %swap3A_486 = arith.constant 2 : i32
    %swap3A_487 = arith.index_cast %swap3A_486 : i32 to index
    %swap3A_488 = arith.constant 48 : index
    %swap3A_489 = tpu.vector_load %arg6[%swap3A_487, %swap3A_488] {strides = array<i32>} : memref<50x128xi32, #tpu.memory_space<vmem>>, vector<1x16xi32>,
    %swap3A_490 = vector.shape_cast %swap3A_489 : vector<1x16xi32> to vector<16xi32>
    %swap3A_491 = vector.shape_cast %select_n3A_485 : vector<16xi32> to vector<1x16xi32>
    tpu.vector_store %arg6[%swap3A_487, %swap3A_488], %swap3A_491 {strides = array<i32>} : memref<50x128xi32, #tpu.memory_space<vmem>>, vector<1x16xi32>,
    %get3A_492 = arith.constant 2 : i32
    %get3A_493 = arith.index_cast %get3A_492 : i32 to index
    %get3A_494 = arith.constant 64 : index
    %get3A_495 = tpu.vector_load %arg6[%get3A_493, %get3A_494] {strides = array<i32>} : memref<50x128xi32, #tpu.memory_space<vmem>>, vector<1x16xi32>,
    %get3A_496 = vector.shape_cast %get3A_495 : vector<1x16xi32> to vector<16xi32>
    %add3A_497 = arith.constant 320 : i32
    %add3A_498 = vector.broadcast %add3A_497 : i32 to vector<16xi32>
    %add3A_499 = arith.addi %add3A_498, %iota3A : vector<16xi32>
    %rem3A_500 = arith.constant 200 : i32
    %rem3A_501 = vector.broadcast %rem3A_500 : i32 to vector<16xi32>
    %rem3A_502 = arith.remsi %add3A_499, %rem3A_501 : vector<16xi32>
    %lt3A_503 = arith.cmpi slt, %rem3A_502, %get3A_4 : vector<16xi32>
    %add3A_504 = arith.constant 1 : i32
    %add3A_505 = vector.broadcast %add3A_504 : i32 to vector<16xi32>
    %add3A_506 = arith.addi %get3A_496, %add3A_505 : vector<16xi32>
    %jit3A_507 = arith.constant 0 : i32
    %broadcast_in_dim3A_508 = vector.broadcast %jit3A_507 : i32 to vector<16xi32>
    %select_n3A_509 = arith.select %lt3A_503, %add3A_506, %broadcast_in_dim3A_508 : vector<16xi1>, vector<16xi32>
    %swap3A_510 = arith.constant 2 : i32
    %swap3A_511 = arith.index_cast %swap3A_510 : i32 to index
    %swap3A_512 = arith.constant 64 : index
    %swap3A_513 = tpu.vector_load %arg6[%swap3A_511, %swap3A_512] {strides = array<i32>} : memref<50x128xi32, #tpu.memory_space<vmem>>, vector<1x16xi32>,
    %swap3A_514 = vector.shape_cast %swap3A_513 : vector<1x16xi32> to vector<16xi32>
    %swap3A_515 = vector.shape_cast %select_n3A_509 : vector<16xi32> to vector<1x16xi32>
    tpu.vector_store %arg6[%swap3A_511, %swap3A_512], %swap3A_515 {strides = array<i32>} : memref<50x128xi32, #tpu.memory_space<vmem>>, vector<1x16xi32>,
    %get3A_516 = arith.constant 2 : i32
    %get3A_517 = arith.index_cast %get3A_516 : i32 to index
    %get3A_518 = arith.constant 80 : index
    %get3A_519 = tpu.vector_load %arg6[%get3A_517, %get3A_518] {strides = array<i32>} : memref<50x128xi32, #tpu.memory_space<vmem>>, vector<1x16xi32>,
    %get3A_520 = vector.shape_cast %get3A_519 : vector<1x16xi32> to vector<16xi32>
    %add3A_521 = arith.constant 336 : i32
    %add3A_522 = vector.broadcast %add3A_521 : i32 to vector<16xi32>
    %add3A_523 = arith.addi %add3A_522, %iota3A : vector<16xi32>
    %rem3A_524 = arith.constant 200 : i32
    %rem3A_525 = vector.broadcast %rem3A_524 : i32 to vector<16xi32>
    %rem3A_526 = arith.remsi %add3A_523, %rem3A_525 : vector<16xi32>
    %lt3A_527 = arith.cmpi slt, %rem3A_526, %get3A_4 : vector<16xi32>
    %add3A_528 = arith.constant 1 : i32
    %add3A_529 = vector.broadcast %add3A_528 : i32 to vector<16xi32>
    %add3A_530 = arith.addi %get3A_520, %add3A_529 : vector<16xi32>
    %jit3A_531 = arith.constant 0 : i32
    %broadcast_in_dim3A_532 = vector.broadcast %jit3A_531 : i32 to vector<16xi32>
    %select_n3A_533 = arith.select %lt3A_527, %add3A_530, %broadcast_in_dim3A_532 : vector<16xi1>, vector<16xi32>
    %swap3A_534 = arith.constant 2 : i32
    %swap3A_535 = arith.index_cast %swap3A_534 : i32 to index
    %swap3A_536 = arith.constant 80 : index
    %swap3A_537 = tpu.vector_load %arg6[%swap3A_535, %swap3A_536] {strides = array<i32>} : memref<50x128xi32, #tpu.memory_space<vmem>>, vector<1x16xi32>,
    %swap3A_538 = vector.shape_cast %swap3A_537 : vector<1x16xi32> to vector<16xi32>
    %swap3A_539 = vector.shape_cast %select_n3A_533 : vector<16xi32> to vector<1x16xi32>
    tpu.vector_store %arg6[%swap3A_535, %swap3A_536], %swap3A_539 {strides = array<i32>} : memref<50x128xi32, #tpu.memory_space<vmem>>, vector<1x16xi32>,
    %get3A_540 = arith.constant 2 : i32
    %get3A_541 = arith.index_cast %get3A_540 : i32 to index
    %get3A_542 = arith.constant 96 : index
    %get3A_543 = tpu.vector_load %arg6[%get3A_541, %get3A_542] {strides = array<i32>} : memref<50x128xi32, #tpu.memory_space<vmem>>, vector<1x16xi32>,
    %get3A_544 = vector.shape_cast %get3A_543 : vector<1x16xi32> to vector<16xi32>
    %add3A_545 = arith.constant 352 : i32
    %add3A_546 = vector.broadcast %add3A_545 : i32 to vector<16xi32>
    %add3A_547 = arith.addi %add3A_546, %iota3A : vector<16xi32>
    %rem3A_548 = arith.constant 200 : i32
    %rem3A_549 = vector.broadcast %rem3A_548 : i32 to vector<16xi32>
    %rem3A_550 = arith.remsi %add3A_547, %rem3A_549 : vector<16xi32>
    %lt3A_551 = arith.cmpi slt, %rem3A_550, %get3A_4 : vector<16xi32>
    %add3A_552 = arith.constant 1 : i32
    %add3A_553 = vector.broadcast %add3A_552 : i32 to vector<16xi32>
    %add3A_554 = arith.addi %get3A_544, %add3A_553 : vector<16xi32>
    %jit3A_555 = arith.constant 0 : i32
    %broadcast_in_dim3A_556 = vector.broadcast %jit3A_555 : i32 to vector<16xi32>
    %select_n3A_557 = arith.select %lt3A_551, %add3A_554, %broadcast_in_dim3A_556 : vector<16xi1>, vector<16xi32>
    %swap3A_558 = arith.constant 2 : i32
    %swap3A_559 = arith.index_cast %swap3A_558 : i32 to index
    %swap3A_560 = arith.constant 96 : index
    %swap3A_561 = tpu.vector_load %arg6[%swap3A_559, %swap3A_560] {strides = array<i32>} : memref<50x128xi32, #tpu.memory_space<vmem>>, vector<1x16xi32>,
    %swap3A_562 = vector.shape_cast %swap3A_561 : vector<1x16xi32> to vector<16xi32>
    %swap3A_563 = vector.shape_cast %select_n3A_557 : vector<16xi32> to vector<1x16xi32>
    tpu.vector_store %arg6[%swap3A_559, %swap3A_560], %swap3A_563 {strides = array<i32>} : memref<50x128xi32, #tpu.memory_space<vmem>>, vector<1x16xi32>,
    %get3A_564 = arith.constant 2 : i32
    %get3A_565 = arith.index_cast %get3A_564 : i32 to index
    %get3A_566 = arith.constant 112 : index
    %get3A_567 = tpu.vector_load %arg6[%get3A_565, %get3A_566] {strides = array<i32>} : memref<50x128xi32, #tpu.memory_space<vmem>>, vector<1x16xi32>,
    %get3A_568 = vector.shape_cast %get3A_567 : vector<1x16xi32> to vector<16xi32>
    %add3A_569 = arith.constant 368 : i32
    %add3A_570 = vector.broadcast %add3A_569 : i32 to vector<16xi32>
    %add3A_571 = arith.addi %add3A_570, %iota3A : vector<16xi32>
    %rem3A_572 = arith.constant 200 : i32
    %rem3A_573 = vector.broadcast %rem3A_572 : i32 to vector<16xi32>
    %rem3A_574 = arith.remsi %add3A_571, %rem3A_573 : vector<16xi32>
    %lt3A_575 = arith.cmpi slt, %rem3A_574, %get3A_4 : vector<16xi32>
    %add3A_576 = arith.constant 1 : i32
    %add3A_577 = vector.broadcast %add3A_576 : i32 to vector<16xi32>
    %add3A_578 = arith.addi %get3A_568, %add3A_577 : vector<16xi32>
    %jit3A_579 = arith.constant 0 : i32
    %broadcast_in_dim3A_580 = vector.broadcast %jit3A_579 : i32 to vector<16xi32>
    %select_n3A_581 = arith.select %lt3A_575, %add3A_578, %broadcast_in_dim3A_580 : vector<16xi1>, vector<16xi32>
    %swap3A_582 = arith.constant 2 : i32
    %swap3A_583 = arith.index_cast %swap3A_582 : i32 to index
    %swap3A_584 = arith.constant 112 : index
    %swap3A_585 = tpu.vector_load %arg6[%swap3A_583, %swap3A_584] {strides = array<i32>} : memref<50x128xi32, #tpu.memory_space<vmem>>, vector<1x16xi32>,
    %swap3A_586 = vector.shape_cast %swap3A_585 : vector<1x16xi32> to vector<16xi32>
    %swap3A_587 = vector.shape_cast %select_n3A_581 : vector<16xi32> to vector<1x16xi32>
    tpu.vector_store %arg6[%swap3A_583, %swap3A_584], %swap3A_587 {strides = array<i32>} : memref<50x128xi32, #tpu.memory_space<vmem>>, vector<1x16xi32>,
    %dma_start3A_588 = arith.constant 2 : i32
    %dma_start3A_589 = arith.constant 0 : i32
    %dma_start3A_590 = tpu.memref_slice %arg6[%dma_start3A_588, %dma_start3A_589] : memref<50x128xi32, #tpu.memory_space<vmem>> -> memref<1x128xi32, #tpu.memory_space<vmem>>
    %dma_start3A_591 = tpu.memref_squeeze %dma_start3A_590 : memref<1x128xi32, #tpu.memory_space<vmem>> -> memref<128xi32, #tpu.memory_space<vmem>>
    %dma_start3A_592 = arith.constant 0 : i32
    %dma_start3A_593 = arith.constant 0 : i32
    %dma_start3A_594 = tpu.memref_slice %arg2[%dma_start3A_592, %dma_start3A_593] : memref<100001x128xf32, #tpu.memory_space<hbm>> -> memref<100001x128xf32, #tpu.memory_space<hbm>>
    tpu.enqueue_indirect_dma source(%dma_start3A_594 : memref<100001x128xf32, #tpu.memory_space<hbm>>) target(%arg10 : memref<128x128xf32, #tpu.memory_space<vmem>>) offsets(%dma_start3A_591 : memref<128xi32, #tpu.memory_space<vmem>>) semaphore(%arg17 : memref<!tpu.dma_semaphore, #tpu.memory_space<semaphore_mem>>)
    %get3A_595 = arith.constant 3 : i32
    %get3A_596 = arith.index_cast %get3A_595 : i32 to index
    %get3A_597 = arith.constant 0 : index
    %get3A_598 = tpu.vector_load %arg6[%get3A_596, %get3A_597] {strides = array<i32>} : memref<50x128xi32, #tpu.memory_space<vmem>>, vector<1x16xi32>,
    %get3A_599 = vector.shape_cast %get3A_598 : vector<1x16xi32> to vector<16xi32>
    %add3A_600 = arith.constant 384 : i32
    %add3A_601 = vector.broadcast %add3A_600 : i32 to vector<16xi32>
    %add3A_602 = arith.addi %add3A_601, %iota3A : vector<16xi32>
    %rem3A_603 = arith.constant 200 : i32
    %rem3A_604 = vector.broadcast %rem3A_603 : i32 to vector<16xi32>
    %rem3A_605 = arith.remsi %add3A_602, %rem3A_604 : vector<16xi32>
    %lt3A_606 = arith.cmpi slt, %rem3A_605, %get3A_4 : vector<16xi32>
    %add3A_607 = arith.constant 1 : i32
    %add3A_608 = vector.broadcast %add3A_607 : i32 to vector<16xi32>
    %add3A_609 = arith.addi %get3A_599, %add3A_608 : vector<16xi32>
    %jit3A_610 = arith.constant 0 : i32
    %broadcast_in_dim3A_611 = vector.broadcast %jit3A_610 : i32 to vector<16xi32>
    %select_n3A_612 = arith.select %lt3A_606, %add3A_609, %broadcast_in_dim3A_611 : vector<16xi1>, vector<16xi32>
    %swap3A_613 = arith.constant 3 : i32
    %swap3A_614 = arith.index_cast %swap3A_613 : i32 to index
    %swap3A_615 = arith.constant 0 : index
    %swap3A_616 = tpu.vector_load %arg6[%swap3A_614, %swap3A_615] {strides = array<i32>} : memref<50x128xi32, #tpu.memory_space<vmem>>, vector<1x16xi32>,
    %swap3A_617 = vector.shape_cast %swap3A_616 : vector<1x16xi32> to vector<16xi32>
    %swap3A_618 = vector.shape_cast %select_n3A_612 : vector<16xi32> to vector<1x16xi32>
    tpu.vector_store %arg6[%swap3A_614, %swap3A_615], %swap3A_618 {strides = array<i32>} : memref<50x128xi32, #tpu.memory_space<vmem>>, vector<1x16xi32>,
    %get3A_619 = arith.constant 3 : i32
    %get3A_620 = arith.index_cast %get3A_619 : i32 to index
    %get3A_621 = arith.constant 16 : index
    %get3A_622 = tpu.vector_load %arg6[%get3A_620, %get3A_621] {strides = array<i32>} : memref<50x128xi32, #tpu.memory_space<vmem>>, vector<1x16xi32>,
    %get3A_623 = vector.shape_cast %get3A_622 : vector<1x16xi32> to vector<16xi32>
    %add3A_624 = arith.constant 400 : i32
    %add3A_625 = vector.broadcast %add3A_624 : i32 to vector<16xi32>
    %add3A_626 = arith.addi %add3A_625, %iota3A : vector<16xi32>
    %rem3A_627 = arith.constant 200 : i32
    %rem3A_628 = vector.broadcast %rem3A_627 : i32 to vector<16xi32>
    %rem3A_629 = arith.remsi %add3A_626, %rem3A_628 : vector<16xi32>
    %lt3A_630 = arith.cmpi slt, %rem3A_629, %get3A_4 : vector<16xi32>
    %add3A_631 = arith.constant 1 : i32
    %add3A_632 = vector.broadcast %add3A_631 : i32 to vector<16xi32>
    %add3A_633 = arith.addi %get3A_623, %add3A_632 : vector<16xi32>
    %jit3A_634 = arith.constant 0 : i32
    %broadcast_in_dim3A_635 = vector.broadcast %jit3A_634 : i32 to vector<16xi32>
    %select_n3A_636 = arith.select %lt3A_630, %add3A_633, %broadcast_in_dim3A_635 : vector<16xi1>, vector<16xi32>
    %swap3A_637 = arith.constant 3 : i32
    %swap3A_638 = arith.index_cast %swap3A_637 : i32 to index
    %swap3A_639 = arith.constant 16 : index
    %swap3A_640 = tpu.vector_load %arg6[%swap3A_638, %swap3A_639] {strides = array<i32>} : memref<50x128xi32, #tpu.memory_space<vmem>>, vector<1x16xi32>,
    %swap3A_641 = vector.shape_cast %swap3A_640 : vector<1x16xi32> to vector<16xi32>
    %swap3A_642 = vector.shape_cast %select_n3A_636 : vector<16xi32> to vector<1x16xi32>
    tpu.vector_store %arg6[%swap3A_638, %swap3A_639], %swap3A_642 {strides = array<i32>} : memref<50x128xi32, #tpu.memory_space<vmem>>, vector<1x16xi32>,
    %get3A_643 = arith.constant 3 : i32
    %get3A_644 = arith.index_cast %get3A_643 : i32 to index
    %get3A_645 = arith.constant 32 : index
    %get3A_646 = tpu.vector_load %arg6[%get3A_644, %get3A_645] {strides = array<i32>} : memref<50x128xi32, #tpu.memory_space<vmem>>, vector<1x16xi32>,
    %get3A_647 = vector.shape_cast %get3A_646 : vector<1x16xi32> to vector<16xi32>
    %add3A_648 = arith.constant 416 : i32
    %add3A_649 = vector.broadcast %add3A_648 : i32 to vector<16xi32>
    %add3A_650 = arith.addi %add3A_649, %iota3A : vector<16xi32>
    %rem3A_651 = arith.constant 200 : i32
    %rem3A_652 = vector.broadcast %rem3A_651 : i32 to vector<16xi32>
    %rem3A_653 = arith.remsi %add3A_650, %rem3A_652 : vector<16xi32>
    %lt3A_654 = arith.cmpi slt, %rem3A_653, %get3A_4 : vector<16xi32>
    %add3A_655 = arith.constant 1 : i32
    %add3A_656 = vector.broadcast %add3A_655 : i32 to vector<16xi32>
    %add3A_657 = arith.addi %get3A_647, %add3A_656 : vector<16xi32>
    %jit3A_658 = arith.constant 0 : i32
    %broadcast_in_dim3A_659 = vector.broadcast %jit3A_658 : i32 to vector<16xi32>
    %select_n3A_660 = arith.select %lt3A_654, %add3A_657, %broadcast_in_dim3A_659 : vector<16xi1>, vector<16xi32>
    %swap3A_661 = arith.constant 3 : i32
    %swap3A_662 = arith.index_cast %swap3A_661 : i32 to index
    %swap3A_663 = arith.constant 32 : index
    %swap3A_664 = tpu.vector_load %arg6[%swap3A_662, %swap3A_663] {strides = array<i32>} : memref<50x128xi32, #tpu.memory_space<vmem>>, vector<1x16xi32>,
    %swap3A_665 = vector.shape_cast %swap3A_664 : vector<1x16xi32> to vector<16xi32>
    %swap3A_666 = vector.shape_cast %select_n3A_660 : vector<16xi32> to vector<1x16xi32>
    tpu.vector_store %arg6[%swap3A_662, %swap3A_663], %swap3A_666 {strides = array<i32>} : memref<50x128xi32, #tpu.memory_space<vmem>>, vector<1x16xi32>,
    %get3A_667 = arith.constant 3 : i32
    %get3A_668 = arith.index_cast %get3A_667 : i32 to index
    %get3A_669 = arith.constant 48 : index
    %get3A_670 = tpu.vector_load %arg6[%get3A_668, %get3A_669] {strides = array<i32>} : memref<50x128xi32, #tpu.memory_space<vmem>>, vector<1x16xi32>,
    %get3A_671 = vector.shape_cast %get3A_670 : vector<1x16xi32> to vector<16xi32>
    %add3A_672 = arith.constant 432 : i32
    %add3A_673 = vector.broadcast %add3A_672 : i32 to vector<16xi32>
    %add3A_674 = arith.addi %add3A_673, %iota3A : vector<16xi32>
    %rem3A_675 = arith.constant 200 : i32
    %rem3A_676 = vector.broadcast %rem3A_675 : i32 to vector<16xi32>
    %rem3A_677 = arith.remsi %add3A_674, %rem3A_676 : vector<16xi32>
    %lt3A_678 = arith.cmpi slt, %rem3A_677, %get3A_4 : vector<16xi32>
    %add3A_679 = arith.constant 1 : i32
    %add3A_680 = vector.broadcast %add3A_679 : i32 to vector<16xi32>
    %add3A_681 = arith.addi %get3A_671, %add3A_680 : vector<16xi32>
    %jit3A_682 = arith.constant 0 : i32
    %broadcast_in_dim3A_683 = vector.broadcast %jit3A_682 : i32 to vector<16xi32>
    %select_n3A_684 = arith.select %lt3A_678, %add3A_681, %broadcast_in_dim3A_683 : vector<16xi1>, vector<16xi32>
    %swap3A_685 = arith.constant 3 : i32
    %swap3A_686 = arith.index_cast %swap3A_685 : i32 to index
    %swap3A_687 = arith.constant 48 : index
    %swap3A_688 = tpu.vector_load %arg6[%swap3A_686, %swap3A_687] {strides = array<i32>} : memref<50x128xi32, #tpu.memory_space<vmem>>, vector<1x16xi32>,
    %swap3A_689 = vector.shape_cast %swap3A_688 : vector<1x16xi32> to vector<16xi32>
    %swap3A_690 = vector.shape_cast %select_n3A_684 : vector<16xi32> to vector<1x16xi32>
    tpu.vector_store %arg6[%swap3A_686, %swap3A_687], %swap3A_690 {strides = array<i32>} : memref<50x128xi32, #tpu.memory_space<vmem>>, vector<1x16xi32>,
    %get3A_691 = arith.constant 3 : i32
    %get3A_692 = arith.index_cast %get3A_691 : i32 to index
    %get3A_693 = arith.constant 64 : index
    %get3A_694 = tpu.vector_load %arg6[%get3A_692, %get3A_693] {strides = array<i32>} : memref<50x128xi32, #tpu.memory_space<vmem>>, vector<1x16xi32>,
    %get3A_695 = vector.shape_cast %get3A_694 : vector<1x16xi32> to vector<16xi32>
    %add3A_696 = arith.constant 448 : i32
    %add3A_697 = vector.broadcast %add3A_696 : i32 to vector<16xi32>
    %add3A_698 = arith.addi %add3A_697, %iota3A : vector<16xi32>
    %rem3A_699 = arith.constant 200 : i32
    %rem3A_700 = vector.broadcast %rem3A_699 : i32 to vector<16xi32>
    %rem3A_701 = arith.remsi %add3A_698, %rem3A_700 : vector<16xi32>
    %lt3A_702 = arith.cmpi slt, %rem3A_701, %get3A_4 : vector<16xi32>
    %add3A_703 = arith.constant 1 : i32
    %add3A_704 = vector.broadcast %add3A_703 : i32 to vector<16xi32>
    %add3A_705 = arith.addi %get3A_695, %add3A_704 : vector<16xi32>
    %jit3A_706 = arith.constant 0 : i32
    %broadcast_in_dim3A_707 = vector.broadcast %jit3A_706 : i32 to vector<16xi32>
    %select_n3A_708 = arith.select %lt3A_702, %add3A_705, %broadcast_in_dim3A_707 : vector<16xi1>, vector<16xi32>
    %swap3A_709 = arith.constant 3 : i32
    %swap3A_710 = arith.index_cast %swap3A_709 : i32 to index
    %swap3A_711 = arith.constant 64 : index
    %swap3A_712 = tpu.vector_load %arg6[%swap3A_710, %swap3A_711] {strides = array<i32>} : memref<50x128xi32, #tpu.memory_space<vmem>>, vector<1x16xi32>,
    %swap3A_713 = vector.shape_cast %swap3A_712 : vector<1x16xi32> to vector<16xi32>
    %swap3A_714 = vector.shape_cast %select_n3A_708 : vector<16xi32> to vector<1x16xi32>
    tpu.vector_store %arg6[%swap3A_710, %swap3A_711], %swap3A_714 {strides = array<i32>} : memref<50x128xi32, #tpu.memory_space<vmem>>, vector<1x16xi32>,
    %get3A_715 = arith.constant 3 : i32
    %get3A_716 = arith.index_cast %get3A_715 : i32 to index
    %get3A_717 = arith.constant 80 : index
    %get3A_718 = tpu.vector_load %arg6[%get3A_716, %get3A_717] {strides = array<i32>} : memref<50x128xi32, #tpu.memory_space<vmem>>, vector<1x16xi32>,
    %get3A_719 = vector.shape_cast %get3A_718 : vector<1x16xi32> to vector<16xi32>
    %add3A_720 = arith.constant 464 : i32
    %add3A_721 = vector.broadcast %add3A_720 : i32 to vector<16xi32>
    %add3A_722 = arith.addi %add3A_721, %iota3A : vector<16xi32>
    %rem3A_723 = arith.constant 200 : i32
    %rem3A_724 = vector.broadcast %rem3A_723 : i32 to vector<16xi32>
    %rem3A_725 = arith.remsi %add3A_722, %rem3A_724 : vector<16xi32>
    %lt3A_726 = arith.cmpi slt, %rem3A_725, %get3A_4 : vector<16xi32>
    %add3A_727 = arith.constant 1 : i32
    %add3A_728 = vector.broadcast %add3A_727 : i32 to vector<16xi32>
    %add3A_729 = arith.addi %get3A_719, %add3A_728 : vector<16xi32>
    %jit3A_730 = arith.constant 0 : i32
    %broadcast_in_dim3A_731 = vector.broadcast %jit3A_730 : i32 to vector<16xi32>
    %select_n3A_732 = arith.select %lt3A_726, %add3A_729, %broadcast_in_dim3A_731 : vector<16xi1>, vector<16xi32>
    %swap3A_733 = arith.constant 3 : i32
    %swap3A_734 = arith.index_cast %swap3A_733 : i32 to index
    %swap3A_735 = arith.constant 80 : index
    %swap3A_736 = tpu.vector_load %arg6[%swap3A_734, %swap3A_735] {strides = array<i32>} : memref<50x128xi32, #tpu.memory_space<vmem>>, vector<1x16xi32>,
    %swap3A_737 = vector.shape_cast %swap3A_736 : vector<1x16xi32> to vector<16xi32>
    %swap3A_738 = vector.shape_cast %select_n3A_732 : vector<16xi32> to vector<1x16xi32>
    tpu.vector_store %arg6[%swap3A_734, %swap3A_735], %swap3A_738 {strides = array<i32>} : memref<50x128xi32, #tpu.memory_space<vmem>>, vector<1x16xi32>,
    %get3A_739 = arith.constant 3 : i32
    %get3A_740 = arith.index_cast %get3A_739 : i32 to index
    %get3A_741 = arith.constant 96 : index
    %get3A_742 = tpu.vector_load %arg6[%get3A_740, %get3A_741] {strides = array<i32>} : memref<50x128xi32, #tpu.memory_space<vmem>>, vector<1x16xi32>,
    %get3A_743 = vector.shape_cast %get3A_742 : vector<1x16xi32> to vector<16xi32>
    %add3A_744 = arith.constant 480 : i32
    %add3A_745 = vector.broadcast %add3A_744 : i32 to vector<16xi32>
    %add3A_746 = arith.addi %add3A_745, %iota3A : vector<16xi32>
    %rem3A_747 = arith.constant 200 : i32
    %rem3A_748 = vector.broadcast %rem3A_747 : i32 to vector<16xi32>
    %rem3A_749 = arith.remsi %add3A_746, %rem3A_748 : vector<16xi32>
    %lt3A_750 = arith.cmpi slt, %rem3A_749, %get3A_4 : vector<16xi32>
    %add3A_751 = arith.constant 1 : i32
    %add3A_752 = vector.broadcast %add3A_751 : i32 to vector<16xi32>
    %add3A_753 = arith.addi %get3A_743, %add3A_752 : vector<16xi32>
    %jit3A_754 = arith.constant 0 : i32
    %broadcast_in_dim3A_755 = vector.broadcast %jit3A_754 : i32 to vector<16xi32>
    %select_n3A_756 = arith.select %lt3A_750, %add3A_753, %broadcast_in_dim3A_755 : vector<16xi1>, vector<16xi32>
    %swap3A_757 = arith.constant 3 : i32
    %swap3A_758 = arith.index_cast %swap3A_757 : i32 to index
    %swap3A_759 = arith.constant 96 : index
    %swap3A_760 = tpu.vector_load %arg6[%swap3A_758, %swap3A_759] {strides = array<i32>} : memref<50x128xi32, #tpu.memory_space<vmem>>, vector<1x16xi32>,
    %swap3A_761 = vector.shape_cast %swap3A_760 : vector<1x16xi32> to vector<16xi32>
    %swap3A_762 = vector.shape_cast %select_n3A_756 : vector<16xi32> to vector<1x16xi32>
    tpu.vector_store %arg6[%swap3A_758, %swap3A_759], %swap3A_762 {strides = array<i32>} : memref<50x128xi32, #tpu.memory_space<vmem>>, vector<1x16xi32>,
    %get3A_763 = arith.constant 3 : i32
    %get3A_764 = arith.index_cast %get3A_763 : i32 to index
    %get3A_765 = arith.constant 112 : index
    %get3A_766 = tpu.vector_load %arg6[%get3A_764, %get3A_765] {strides = array<i32>} : memref<50x128xi32, #tpu.memory_space<vmem>>, vector<1x16xi32>,
    %get3A_767 = vector.shape_cast %get3A_766 : vector<1x16xi32> to vector<16xi32>
    %add3A_768 = arith.constant 496 : i32
    %add3A_769 = vector.broadcast %add3A_768 : i32 to vector<16xi32>
    %add3A_770 = arith.addi %add3A_769, %iota3A : vector<16xi32>
    %rem3A_771 = arith.constant 200 : i32
    %rem3A_772 = vector.broadcast %rem3A_771 : i32 to vector<16xi32>
    %rem3A_773 = arith.remsi %add3A_770, %rem3A_772 : vector<16xi32>
    %lt3A_774 = arith.cmpi slt, %rem3A_773, %get3A_4 : vector<16xi32>
    %add3A_775 = arith.constant 1 : i32
    %add3A_776 = vector.broadcast %add3A_775 : i32 to vector<16xi32>
    %add3A_777 = arith.addi %get3A_767, %add3A_776 : vector<16xi32>
    %jit3A_778 = arith.constant 0 : i32
    %broadcast_in_dim3A_779 = vector.broadcast %jit3A_778 : i32 to vector<16xi32>
    %select_n3A_780 = arith.select %lt3A_774, %add3A_777, %broadcast_in_dim3A_779 : vector<16xi1>, vector<16xi32>
    %swap3A_781 = arith.constant 3 : i32
    %swap3A_782 = arith.index_cast %swap3A_781 : i32 to index
    %swap3A_783 = arith.constant 112 : index
    %swap3A_784 = tpu.vector_load %arg6[%swap3A_782, %swap3A_783] {strides = array<i32>} : memref<50x128xi32, #tpu.memory_space<vmem>>, vector<1x16xi32>,
    %swap3A_785 = vector.shape_cast %swap3A_784 : vector<1x16xi32> to vector<16xi32>
    %swap3A_786 = vector.shape_cast %select_n3A_780 : vector<16xi32> to vector<1x16xi32>
    tpu.vector_store %arg6[%swap3A_782, %swap3A_783], %swap3A_786 {strides = array<i32>} : memref<50x128xi32, #tpu.memory_space<vmem>>, vector<1x16xi32>,
    %dma_start3A_787 = arith.constant 3 : i32
    %dma_start3A_788 = arith.constant 0 : i32
    %dma_start3A_789 = tpu.memref_slice %arg6[%dma_start3A_787, %dma_start3A_788] : memref<50x128xi32, #tpu.memory_space<vmem>> -> memref<1x128xi32, #tpu.memory_space<vmem>>
    %dma_start3A_790 = tpu.memref_squeeze %dma_start3A_789 : memref<1x128xi32, #tpu.memory_space<vmem>> -> memref<128xi32, #tpu.memory_space<vmem>>
    %dma_start3A_791 = arith.constant 0 : i32
    %dma_start3A_792 = arith.constant 0 : i32
    %dma_start3A_793 = tpu.memref_slice %arg2[%dma_start3A_791, %dma_start3A_792] : memref<100001x128xf32, #tpu.memory_space<hbm>> -> memref<100001x128xf32, #tpu.memory_space<hbm>>
    tpu.enqueue_indirect_dma source(%dma_start3A_793 : memref<100001x128xf32, #tpu.memory_space<hbm>>) target(%arg11 : memref<128x128xf32, #tpu.memory_space<vmem>>) offsets(%dma_start3A_790 : memref<128xi32, #tpu.memory_space<vmem>>) semaphore(%arg18 : memref<!tpu.dma_semaphore, #tpu.memory_space<semaphore_mem>>)
    %get3A_794 = arith.constant 4 : i32
    %get3A_795 = arith.index_cast %get3A_794 : i32 to index
    %get3A_796 = arith.constant 0 : index
    %get3A_797 = tpu.vector_load %arg6[%get3A_795, %get3A_796] {strides = array<i32>} : memref<50x128xi32, #tpu.memory_space<vmem>>, vector<1x16xi32>,
    %get3A_798 = vector.shape_cast %get3A_797 : vector<1x16xi32> to vector<16xi32>
    %add3A_799 = arith.constant 512 : i32
    %add3A_800 = vector.broadcast %add3A_799 : i32 to vector<16xi32>
    %add3A_801 = arith.addi %add3A_800, %iota3A : vector<16xi32>
    %rem3A_802 = arith.constant 200 : i32
    %rem3A_803 = vector.broadcast %rem3A_802 : i32 to vector<16xi32>
    %rem3A_804 = arith.remsi %add3A_801, %rem3A_803 : vector<16xi32>
    %lt3A_805 = arith.cmpi slt, %rem3A_804, %get3A_4 : vector<16xi32>
    %add3A_806 = arith.constant 1 : i32
    %add3A_807 = vector.broadcast %add3A_806 : i32 to vector<16xi32>
    %add3A_808 = arith.addi %get3A_798, %add3A_807 : vector<16xi32>
    %jit3A_809 = arith.constant 0 : i32
    %broadcast_in_dim3A_810 = vector.broadcast %jit3A_809 : i32 to vector<16xi32>
    %select_n3A_811 = arith.select %lt3A_805, %add3A_808, %broadcast_in_dim3A_810 : vector<16xi1>, vector<16xi32>
    %swap3A_812 = arith.constant 4 : i32
    %swap3A_813 = arith.index_cast %swap3A_812 : i32 to index
    %swap3A_814 = arith.constant 0 : index
    %swap3A_815 = tpu.vector_load %arg6[%swap3A_813, %swap3A_814] {strides = array<i32>} : memref<50x128xi32, #tpu.memory_space<vmem>>, vector<1x16xi32>,
    %swap3A_816 = vector.shape_cast %swap3A_815 : vector<1x16xi32> to vector<16xi32>
    %swap3A_817 = vector.shape_cast %select_n3A_811 : vector<16xi32> to vector<1x16xi32>
    tpu.vector_store %arg6[%swap3A_813, %swap3A_814], %swap3A_817 {strides = array<i32>} : memref<50x128xi32, #tpu.memory_space<vmem>>, vector<1x16xi32>,
    %get3A_818 = arith.constant 4 : i32
    %get3A_819 = arith.index_cast %get3A_818 : i32 to index
    %get3A_820 = arith.constant 16 : index
    %get3A_821 = tpu.vector_load %arg6[%get3A_819, %get3A_820] {strides = array<i32>} : memref<50x128xi32, #tpu.memory_space<vmem>>, vector<1x16xi32>,
    %get3A_822 = vector.shape_cast %get3A_821 : vector<1x16xi32> to vector<16xi32>
    %add3A_823 = arith.constant 528 : i32
    %add3A_824 = vector.broadcast %add3A_823 : i32 to vector<16xi32>
    %add3A_825 = arith.addi %add3A_824, %iota3A : vector<16xi32>
    %rem3A_826 = arith.constant 200 : i32
    %rem3A_827 = vector.broadcast %rem3A_826 : i32 to vector<16xi32>
    %rem3A_828 = arith.remsi %add3A_825, %rem3A_827 : vector<16xi32>
    %lt3A_829 = arith.cmpi slt, %rem3A_828, %get3A_4 : vector<16xi32>
    %add3A_830 = arith.constant 1 : i32
    %add3A_831 = vector.broadcast %add3A_830 : i32 to vector<16xi32>
    %add3A_832 = arith.addi %get3A_822, %add3A_831 : vector<16xi32>
    %jit3A_833 = arith.constant 0 : i32
    %broadcast_in_dim3A_834 = vector.broadcast %jit3A_833 : i32 to vector<16xi32>
    %select_n3A_835 = arith.select %lt3A_829, %add3A_832, %broadcast_in_dim3A_834 : vector<16xi1>, vector<16xi32>
    %swap3A_836 = arith.constant 4 : i32
    %swap3A_837 = arith.index_cast %swap3A_836 : i32 to index
    %swap3A_838 = arith.constant 16 : index
    %swap3A_839 = tpu.vector_load %arg6[%swap3A_837, %swap3A_838] {strides = array<i32>} : memref<50x128xi32, #tpu.memory_space<vmem>>, vector<1x16xi32>,
    %swap3A_840 = vector.shape_cast %swap3A_839 : vector<1x16xi32> to vector<16xi32>
    %swap3A_841 = vector.shape_cast %select_n3A_835 : vector<16xi32> to vector<1x16xi32>
    tpu.vector_store %arg6[%swap3A_837, %swap3A_838], %swap3A_841 {strides = array<i32>} : memref<50x128xi32, #tpu.memory_space<vmem>>, vector<1x16xi32>,
    %get3A_842 = arith.constant 4 : i32
    %get3A_843 = arith.index_cast %get3A_842 : i32 to index
    %get3A_844 = arith.constant 32 : index
    %get3A_845 = tpu.vector_load %arg6[%get3A_843, %get3A_844] {strides = array<i32>} : memref<50x128xi32, #tpu.memory_space<vmem>>, vector<1x16xi32>,
    %get3A_846 = vector.shape_cast %get3A_845 : vector<1x16xi32> to vector<16xi32>
    %add3A_847 = arith.constant 544 : i32
    %add3A_848 = vector.broadcast %add3A_847 : i32 to vector<16xi32>
    %add3A_849 = arith.addi %add3A_848, %iota3A : vector<16xi32>
    %rem3A_850 = arith.constant 200 : i32
    %rem3A_851 = vector.broadcast %rem3A_850 : i32 to vector<16xi32>
    %rem3A_852 = arith.remsi %add3A_849, %rem3A_851 : vector<16xi32>
    %lt3A_853 = arith.cmpi slt, %rem3A_852, %get3A_4 : vector<16xi32>
    %add3A_854 = arith.constant 1 : i32
    %add3A_855 = vector.broadcast %add3A_854 : i32 to vector<16xi32>
    %add3A_856 = arith.addi %get3A_846, %add3A_855 : vector<16xi32>
    %jit3A_857 = arith.constant 0 : i32
    %broadcast_in_dim3A_858 = vector.broadcast %jit3A_857 : i32 to vector<16xi32>
    %select_n3A_859 = arith.select %lt3A_853, %add3A_856, %broadcast_in_dim3A_858 : vector<16xi1>, vector<16xi32>
    %swap3A_860 = arith.constant 4 : i32
    %swap3A_861 = arith.index_cast %swap3A_860 : i32 to index
    %swap3A_862 = arith.constant 32 : index
    %swap3A_863 = tpu.vector_load %arg6[%swap3A_861, %swap3A_862] {strides = array<i32>} : memref<50x128xi32, #tpu.memory_space<vmem>>, vector<1x16xi32>,
    %swap3A_864 = vector.shape_cast %swap3A_863 : vector<1x16xi32> to vector<16xi32>
    %swap3A_865 = vector.shape_cast %select_n3A_859 : vector<16xi32> to vector<1x16xi32>
    tpu.vector_store %arg6[%swap3A_861, %swap3A_862], %swap3A_865 {strides = array<i32>} : memref<50x128xi32, #tpu.memory_space<vmem>>, vector<1x16xi32>,
    %get3A_866 = arith.constant 4 : i32
    %get3A_867 = arith.index_cast %get3A_866 : i32 to index
    %get3A_868 = arith.constant 48 : index
    %get3A_869 = tpu.vector_load %arg6[%get3A_867, %get3A_868] {strides = array<i32>} : memref<50x128xi32, #tpu.memory_space<vmem>>, vector<1x16xi32>,
    %get3A_870 = vector.shape_cast %get3A_869 : vector<1x16xi32> to vector<16xi32>
    %add3A_871 = arith.constant 560 : i32
    %add3A_872 = vector.broadcast %add3A_871 : i32 to vector<16xi32>
    %add3A_873 = arith.addi %add3A_872, %iota3A : vector<16xi32>
    %rem3A_874 = arith.constant 200 : i32
    %rem3A_875 = vector.broadcast %rem3A_874 : i32 to vector<16xi32>
    %rem3A_876 = arith.remsi %add3A_873, %rem3A_875 : vector<16xi32>
    %lt3A_877 = arith.cmpi slt, %rem3A_876, %get3A_4 : vector<16xi32>
    %add3A_878 = arith.constant 1 : i32
    %add3A_879 = vector.broadcast %add3A_878 : i32 to vector<16xi32>
    %add3A_880 = arith.addi %get3A_870, %add3A_879 : vector<16xi32>
    %jit3A_881 = arith.constant 0 : i32
    %broadcast_in_dim3A_882 = vector.broadcast %jit3A_881 : i32 to vector<16xi32>
    %select_n3A_883 = arith.select %lt3A_877, %add3A_880, %broadcast_in_dim3A_882 : vector<16xi1>, vector<16xi32>
    %swap3A_884 = arith.constant 4 : i32
    %swap3A_885 = arith.index_cast %swap3A_884 : i32 to index
    %swap3A_886 = arith.constant 48 : index
    %swap3A_887 = tpu.vector_load %arg6[%swap3A_885, %swap3A_886] {strides = array<i32>} : memref<50x128xi32, #tpu.memory_space<vmem>>, vector<1x16xi32>,
    %swap3A_888 = vector.shape_cast %swap3A_887 : vector<1x16xi32> to vector<16xi32>
    %swap3A_889 = vector.shape_cast %select_n3A_883 : vector<16xi32> to vector<1x16xi32>
    tpu.vector_store %arg6[%swap3A_885, %swap3A_886], %swap3A_889 {strides = array<i32>} : memref<50x128xi32, #tpu.memory_space<vmem>>, vector<1x16xi32>,
    %get3A_890 = arith.constant 4 : i32
    %get3A_891 = arith.index_cast %get3A_890 : i32 to index
    %get3A_892 = arith.constant 64 : index
    %get3A_893 = tpu.vector_load %arg6[%get3A_891, %get3A_892] {strides = array<i32>} : memref<50x128xi32, #tpu.memory_space<vmem>>, vector<1x16xi32>,
    %get3A_894 = vector.shape_cast %get3A_893 : vector<1x16xi32> to vector<16xi32>
    %add3A_895 = arith.constant 576 : i32
    %add3A_896 = vector.broadcast %add3A_895 : i32 to vector<16xi32>
    %add3A_897 = arith.addi %add3A_896, %iota3A : vector<16xi32>
    %rem3A_898 = arith.constant 200 : i32
    %rem3A_899 = vector.broadcast %rem3A_898 : i32 to vector<16xi32>
    %rem3A_900 = arith.remsi %add3A_897, %rem3A_899 : vector<16xi32>
    %lt3A_901 = arith.cmpi slt, %rem3A_900, %get3A_4 : vector<16xi32>
    %add3A_902 = arith.constant 1 : i32
    %add3A_903 = vector.broadcast %add3A_902 : i32 to vector<16xi32>
    %add3A_904 = arith.addi %get3A_894, %add3A_903 : vector<16xi32>
    %jit3A_905 = arith.constant 0 : i32
    %broadcast_in_dim3A_906 = vector.broadcast %jit3A_905 : i32 to vector<16xi32>
    %select_n3A_907 = arith.select %lt3A_901, %add3A_904, %broadcast_in_dim3A_906 : vector<16xi1>, vector<16xi32>
    %swap3A_908 = arith.constant 4 : i32
    %swap3A_909 = arith.index_cast %swap3A_908 : i32 to index
    %swap3A_910 = arith.constant 64 : index
    %swap3A_911 = tpu.vector_load %arg6[%swap3A_909, %swap3A_910] {strides = array<i32>} : memref<50x128xi32, #tpu.memory_space<vmem>>, vector<1x16xi32>,
    %swap3A_912 = vector.shape_cast %swap3A_911 : vector<1x16xi32> to vector<16xi32>
    %swap3A_913 = vector.shape_cast %select_n3A_907 : vector<16xi32> to vector<1x16xi32>
    tpu.vector_store %arg6[%swap3A_909, %swap3A_910], %swap3A_913 {strides = array<i32>} : memref<50x128xi32, #tpu.memory_space<vmem>>, vector<1x16xi32>,
    %get3A_914 = arith.constant 4 : i32
    %get3A_915 = arith.index_cast %get3A_914 : i32 to index
    %get3A_916 = arith.constant 80 : index
    %get3A_917 = tpu.vector_load %arg6[%get3A_915, %get3A_916] {strides = array<i32>} : memref<50x128xi32, #tpu.memory_space<vmem>>, vector<1x16xi32>,
    %get3A_918 = vector.shape_cast %get3A_917 : vector<1x16xi32> to vector<16xi32>
    %add3A_919 = arith.constant 592 : i32
    %add3A_920 = vector.broadcast %add3A_919 : i32 to vector<16xi32>
    %add3A_921 = arith.addi %add3A_920, %iota3A : vector<16xi32>
    %rem3A_922 = arith.constant 200 : i32
    %rem3A_923 = vector.broadcast %rem3A_922 : i32 to vector<16xi32>
    %rem3A_924 = arith.remsi %add3A_921, %rem3A_923 : vector<16xi32>
    %lt3A_925 = arith.cmpi slt, %rem3A_924, %get3A_4 : vector<16xi32>
    %add3A_926 = arith.constant 1 : i32
    %add3A_927 = vector.broadcast %add3A_926 : i32 to vector<16xi32>
    %add3A_928 = arith.addi %get3A_918, %add3A_927 : vector<16xi32>
    %jit3A_929 = arith.constant 0 : i32
    %broadcast_in_dim3A_930 = vector.broadcast %jit3A_929 : i32 to vector<16xi32>
    %select_n3A_931 = arith.select %lt3A_925, %add3A_928, %broadcast_in_dim3A_930 : vector<16xi1>, vector<16xi32>
    %swap3A_932 = arith.constant 4 : i32
    %swap3A_933 = arith.index_cast %swap3A_932 : i32 to index
    %swap3A_934 = arith.constant 80 : index
    %swap3A_935 = tpu.vector_load %arg6[%swap3A_933, %swap3A_934] {strides = array<i32>} : memref<50x128xi32, #tpu.memory_space<vmem>>, vector<1x16xi32>,
    %swap3A_936 = vector.shape_cast %swap3A_935 : vector<1x16xi32> to vector<16xi32>
    %swap3A_937 = vector.shape_cast %select_n3A_931 : vector<16xi32> to vector<1x16xi32>
    tpu.vector_store %arg6[%swap3A_933, %swap3A_934], %swap3A_937 {strides = array<i32>} : memref<50x128xi32, #tpu.memory_space<vmem>>, vector<1x16xi32>,
    %get3A_938 = arith.constant 4 : i32
    %get3A_939 = arith.index_cast %get3A_938 : i32 to index
    %get3A_940 = arith.constant 96 : index
    %get3A_941 = tpu.vector_load %arg6[%get3A_939, %get3A_940] {strides = array<i32>} : memref<50x128xi32, #tpu.memory_space<vmem>>, vector<1x16xi32>,
    %get3A_942 = vector.shape_cast %get3A_941 : vector<1x16xi32> to vector<16xi32>
    %add3A_943 = arith.constant 608 : i32
    %add3A_944 = vector.broadcast %add3A_943 : i32 to vector<16xi32>
    %add3A_945 = arith.addi %add3A_944, %iota3A : vector<16xi32>
    %rem3A_946 = arith.constant 200 : i32
    %rem3A_947 = vector.broadcast %rem3A_946 : i32 to vector<16xi32>
    %rem3A_948 = arith.remsi %add3A_945, %rem3A_947 : vector<16xi32>
    %lt3A_949 = arith.cmpi slt, %rem3A_948, %get3A_4 : vector<16xi32>
    %add3A_950 = arith.constant 1 : i32
    %add3A_951 = vector.broadcast %add3A_950 : i32 to vector<16xi32>
    %add3A_952 = arith.addi %get3A_942, %add3A_951 : vector<16xi32>
    %jit3A_953 = arith.constant 0 : i32
    %broadcast_in_dim3A_954 = vector.broadcast %jit3A_953 : i32 to vector<16xi32>
    %select_n3A_955 = arith.select %lt3A_949, %add3A_952, %broadcast_in_dim3A_954 : vector<16xi1>, vector<16xi32>
    %swap3A_956 = arith.constant 4 : i32
    %swap3A_957 = arith.index_cast %swap3A_956 : i32 to index
    %swap3A_958 = arith.constant 96 : index
    %swap3A_959 = tpu.vector_load %arg6[%swap3A_957, %swap3A_958] {strides = array<i32>} : memref<50x128xi32, #tpu.memory_space<vmem>>, vector<1x16xi32>,
    %swap3A_960 = vector.shape_cast %swap3A_959 : vector<1x16xi32> to vector<16xi32>
    %swap3A_961 = vector.shape_cast %select_n3A_955 : vector<16xi32> to vector<1x16xi32>
    tpu.vector_store %arg6[%swap3A_957, %swap3A_958], %swap3A_961 {strides = array<i32>} : memref<50x128xi32, #tpu.memory_space<vmem>>, vector<1x16xi32>,
    %get3A_962 = arith.constant 4 : i32
    %get3A_963 = arith.index_cast %get3A_962 : i32 to index
    %get3A_964 = arith.constant 112 : index
    %get3A_965 = tpu.vector_load %arg6[%get3A_963, %get3A_964] {strides = array<i32>} : memref<50x128xi32, #tpu.memory_space<vmem>>, vector<1x16xi32>,
    %get3A_966 = vector.shape_cast %get3A_965 : vector<1x16xi32> to vector<16xi32>
    %add3A_967 = arith.constant 624 : i32
    %add3A_968 = vector.broadcast %add3A_967 : i32 to vector<16xi32>
    %add3A_969 = arith.addi %add3A_968, %iota3A : vector<16xi32>
    %rem3A_970 = arith.constant 200 : i32
    %rem3A_971 = vector.broadcast %rem3A_970 : i32 to vector<16xi32>
    %rem3A_972 = arith.remsi %add3A_969, %rem3A_971 : vector<16xi32>
    %lt3A_973 = arith.cmpi slt, %rem3A_972, %get3A_4 : vector<16xi32>
    %add3A_974 = arith.constant 1 : i32
    %add3A_975 = vector.broadcast %add3A_974 : i32 to vector<16xi32>
    %add3A_976 = arith.addi %get3A_966, %add3A_975 : vector<16xi32>
    %jit3A_977 = arith.constant 0 : i32
    %broadcast_in_dim3A_978 = vector.broadcast %jit3A_977 : i32 to vector<16xi32>
    %select_n3A_979 = arith.select %lt3A_973, %add3A_976, %broadcast_in_dim3A_978 : vector<16xi1>, vector<16xi32>
    %swap3A_980 = arith.constant 4 : i32
    %swap3A_981 = arith.index_cast %swap3A_980 : i32 to index
    %swap3A_982 = arith.constant 112 : index
    %swap3A_983 = tpu.vector_load %arg6[%swap3A_981, %swap3A_982] {strides = array<i32>} : memref<50x128xi32, #tpu.memory_space<vmem>>, vector<1x16xi32>,
    %swap3A_984 = vector.shape_cast %swap3A_983 : vector<1x16xi32> to vector<16xi32>
    %swap3A_985 = vector.shape_cast %select_n3A_979 : vector<16xi32> to vector<1x16xi32>
    tpu.vector_store %arg6[%swap3A_981, %swap3A_982], %swap3A_985 {strides = array<i32>} : memref<50x128xi32, #tpu.memory_space<vmem>>, vector<1x16xi32>,
    %dma_start3A_986 = arith.constant 4 : i32
    %dma_start3A_987 = arith.constant 0 : i32
    %dma_start3A_988 = tpu.memref_slice %arg6[%dma_start3A_986, %dma_start3A_987] : memref<50x128xi32, #tpu.memory_space<vmem>> -> memref<1x128xi32, #tpu.memory_space<vmem>>
    %dma_start3A_989 = tpu.memref_squeeze %dma_start3A_988 : memref<1x128xi32, #tpu.memory_space<vmem>> -> memref<128xi32, #tpu.memory_space<vmem>>
    %dma_start3A_990 = arith.constant 0 : i32
    %dma_start3A_991 = arith.constant 0 : i32
    %dma_start3A_992 = tpu.memref_slice %arg2[%dma_start3A_990, %dma_start3A_991] : memref<100001x128xf32, #tpu.memory_space<hbm>> -> memref<100001x128xf32, #tpu.memory_space<hbm>>
    tpu.enqueue_indirect_dma source(%dma_start3A_992 : memref<100001x128xf32, #tpu.memory_space<hbm>>) target(%arg12 : memref<128x128xf32, #tpu.memory_space<vmem>>) offsets(%dma_start3A_989 : memref<128xi32, #tpu.memory_space<vmem>>) semaphore(%arg19 : memref<!tpu.dma_semaphore, #tpu.memory_space<semaphore_mem>>)
    %get3A_993 = arith.constant 5 : i32
    %get3A_994 = arith.index_cast %get3A_993 : i32 to index
    %get3A_995 = arith.constant 0 : index
    %get3A_996 = tpu.vector_load %arg6[%get3A_994, %get3A_995] {strides = array<i32>} : memref<50x128xi32, #tpu.memory_space<vmem>>, vector<1x16xi32>,
    %get3A_997 = vector.shape_cast %get3A_996 : vector<1x16xi32> to vector<16xi32>
    %add3A_998 = arith.constant 640 : i32
    %add3A_999 = vector.broadcast %add3A_998 : i32 to vector<16xi32>
    %add3A_1000 = arith.addi %add3A_999, %iota3A : vector<16xi32>
    %rem3A_1001 = arith.constant 200 : i32
    %rem3A_1002 = vector.broadcast %rem3A_1001 : i32 to vector<16xi32>
    %rem3A_1003 = arith.remsi %add3A_1000, %rem3A_1002 : vector<16xi32>
    %lt3A_1004 = arith.cmpi slt, %rem3A_1003, %get3A_4 : vector<16xi32>
    %add3A_1005 = arith.constant 1 : i32
    %add3A_1006 = vector.broadcast %add3A_1005 : i32 to vector<16xi32>
    %add3A_1007 = arith.addi %get3A_997, %add3A_1006 : vector<16xi32>
    %jit3A_1008 = arith.constant 0 : i32
    %broadcast_in_dim3A_1009 = vector.broadcast %jit3A_1008 : i32 to vector<16xi32>
    %select_n3A_1010 = arith.select %lt3A_1004, %add3A_1007, %broadcast_in_dim3A_1009 : vector<16xi1>, vector<16xi32>
    %swap3A_1011 = arith.constant 5 : i32
    %swap3A_1012 = arith.index_cast %swap3A_1011 : i32 to index
    %swap3A_1013 = arith.constant 0 : index
    %swap3A_1014 = tpu.vector_load %arg6[%swap3A_1012, %swap3A_1013] {strides = array<i32>} : memref<50x128xi32, #tpu.memory_space<vmem>>, vector<1x16xi32>,
    %swap3A_1015 = vector.shape_cast %swap3A_1014 : vector<1x16xi32> to vector<16xi32>
    %swap3A_1016 = vector.shape_cast %select_n3A_1010 : vector<16xi32> to vector<1x16xi32>
    tpu.vector_store %arg6[%swap3A_1012, %swap3A_1013], %swap3A_1016 {strides = array<i32>} : memref<50x128xi32, #tpu.memory_space<vmem>>, vector<1x16xi32>,
    %get3A_1017 = arith.constant 5 : i32
    %get3A_1018 = arith.index_cast %get3A_1017 : i32 to index
    %get3A_1019 = arith.constant 16 : index
    %get3A_1020 = tpu.vector_load %arg6[%get3A_1018, %get3A_1019] {strides = array<i32>} : memref<50x128xi32, #tpu.memory_space<vmem>>, vector<1x16xi32>,
    %get3A_1021 = vector.shape_cast %get3A_1020 : vector<1x16xi32> to vector<16xi32>
    %add3A_1022 = arith.constant 656 : i32
    %add3A_1023 = vector.broadcast %add3A_1022 : i32 to vector<16xi32>
    %add3A_1024 = arith.addi %add3A_1023, %iota3A : vector<16xi32>
    %rem3A_1025 = arith.constant 200 : i32
    %rem3A_1026 = vector.broadcast %rem3A_1025 : i32 to vector<16xi32>
    %rem3A_1027 = arith.remsi %add3A_1024, %rem3A_1026 : vector<16xi32>
    %lt3A_1028 = arith.cmpi slt, %rem3A_1027, %get3A_4 : vector<16xi32>
    %add3A_1029 = arith.constant 1 : i32
    %add3A_1030 = vector.broadcast %add3A_1029 : i32 to vector<16xi32>
    %add3A_1031 = arith.addi %get3A_1021, %add3A_1030 : vector<16xi32>
    %jit3A_1032 = arith.constant 0 : i32
    %broadcast_in_dim3A_1033 = vector.broadcast %jit3A_1032 : i32 to vector<16xi32>
    %select_n3A_1034 = arith.select %lt3A_1028, %add3A_1031, %broadcast_in_dim3A_1033 : vector<16xi1>, vector<16xi32>
    %swap3A_1035 = arith.constant 5 : i32
    %swap3A_1036 = arith.index_cast %swap3A_1035 : i32 to index
    %swap3A_1037 = arith.constant 16 : index
    %swap3A_1038 = tpu.vector_load %arg6[%swap3A_1036, %swap3A_1037] {strides = array<i32>} : memref<50x128xi32, #tpu.memory_space<vmem>>, vector<1x16xi32>,
    %swap3A_1039 = vector.shape_cast %swap3A_1038 : vector<1x16xi32> to vector<16xi32>
    %swap3A_1040 = vector.shape_cast %select_n3A_1034 : vector<16xi32> to vector<1x16xi32>
    tpu.vector_store %arg6[%swap3A_1036, %swap3A_1037], %swap3A_1040 {strides = array<i32>} : memref<50x128xi32, #tpu.memory_space<vmem>>, vector<1x16xi32>,
    %get3A_1041 = arith.constant 5 : i32
    %get3A_1042 = arith.index_cast %get3A_1041 : i32 to index
    %get3A_1043 = arith.constant 32 : index
    %get3A_1044 = tpu.vector_load %arg6[%get3A_1042, %get3A_1043] {strides = array<i32>} : memref<50x128xi32, #tpu.memory_space<vmem>>, vector<1x16xi32>,
    %get3A_1045 = vector.shape_cast %get3A_1044 : vector<1x16xi32> to vector<16xi32>
    %add3A_1046 = arith.constant 672 : i32
    %add3A_1047 = vector.broadcast %add3A_1046 : i32 to vector<16xi32>
    %add3A_1048 = arith.addi %add3A_1047, %iota3A : vector<16xi32>
    %rem3A_1049 = arith.constant 200 : i32
    %rem3A_1050 = vector.broadcast %rem3A_1049 : i32 to vector<16xi32>
    %rem3A_1051 = arith.remsi %add3A_1048, %rem3A_1050 : vector<16xi32>
    %lt3A_1052 = arith.cmpi slt, %rem3A_1051, %get3A_4 : vector<16xi32>
    %add3A_1053 = arith.constant 1 : i32
    %add3A_1054 = vector.broadcast %add3A_1053 : i32 to vector<16xi32>
    %add3A_1055 = arith.addi %get3A_1045, %add3A_1054 : vector<16xi32>
    %jit3A_1056 = arith.constant 0 : i32
    %broadcast_in_dim3A_1057 = vector.broadcast %jit3A_1056 : i32 to vector<16xi32>
    %select_n3A_1058 = arith.select %lt3A_1052, %add3A_1055, %broadcast_in_dim3A_1057 : vector<16xi1>, vector<16xi32>
    %swap3A_1059 = arith.constant 5 : i32
    %swap3A_1060 = arith.index_cast %swap3A_1059 : i32 to index
    %swap3A_1061 = arith.constant 32 : index
    %swap3A_1062 = tpu.vector_load %arg6[%swap3A_1060, %swap3A_1061] {strides = array<i32>} : memref<50x128xi32, #tpu.memory_space<vmem>>, vector<1x16xi32>,
    %swap3A_1063 = vector.shape_cast %swap3A_1062 : vector<1x16xi32> to vector<16xi32>
    %swap3A_1064 = vector.shape_cast %select_n3A_1058 : vector<16xi32> to vector<1x16xi32>
    tpu.vector_store %arg6[%swap3A_1060, %swap3A_1061], %swap3A_1064 {strides = array<i32>} : memref<50x128xi32, #tpu.memory_space<vmem>>, vector<1x16xi32>,
    %get3A_1065 = arith.constant 5 : i32
    %get3A_1066 = arith.index_cast %get3A_1065 : i32 to index
    %get3A_1067 = arith.constant 48 : index
    %get3A_1068 = tpu.vector_load %arg6[%get3A_1066, %get3A_1067] {strides = array<i32>} : memref<50x128xi32, #tpu.memory_space<vmem>>, vector<1x16xi32>,
    %get3A_1069 = vector.shape_cast %get3A_1068 : vector<1x16xi32> to vector<16xi32>
    %add3A_1070 = arith.constant 688 : i32
    %add3A_1071 = vector.broadcast %add3A_1070 : i32 to vector<16xi32>
    %add3A_1072 = arith.addi %add3A_1071, %iota3A : vector<16xi32>
    %rem3A_1073 = arith.constant 200 : i32
    %rem3A_1074 = vector.broadcast %rem3A_1073 : i32 to vector<16xi32>
    %rem3A_1075 = arith.remsi %add3A_1072, %rem3A_1074 : vector<16xi32>
    %lt3A_1076 = arith.cmpi slt, %rem3A_1075, %get3A_4 : vector<16xi32>
    %add3A_1077 = arith.constant 1 : i32
    %add3A_1078 = vector.broadcast %add3A_1077 : i32 to vector<16xi32>
    %add3A_1079 = arith.addi %get3A_1069, %add3A_1078 : vector<16xi32>
    %jit3A_1080 = arith.constant 0 : i32
    %broadcast_in_dim3A_1081 = vector.broadcast %jit3A_1080 : i32 to vector<16xi32>
    %select_n3A_1082 = arith.select %lt3A_1076, %add3A_1079, %broadcast_in_dim3A_1081 : vector<16xi1>, vector<16xi32>
    %swap3A_1083 = arith.constant 5 : i32
    %swap3A_1084 = arith.index_cast %swap3A_1083 : i32 to index
    %swap3A_1085 = arith.constant 48 : index
    %swap3A_1086 = tpu.vector_load %arg6[%swap3A_1084, %swap3A_1085] {strides = array<i32>} : memref<50x128xi32, #tpu.memory_space<vmem>>, vector<1x16xi32>,
    %swap3A_1087 = vector.shape_cast %swap3A_1086 : vector<1x16xi32> to vector<16xi32>
    %swap3A_1088 = vector.shape_cast %select_n3A_1082 : vector<16xi32> to vector<1x16xi32>
    tpu.vector_store %arg6[%swap3A_1084, %swap3A_1085], %swap3A_1088 {strides = array<i32>} : memref<50x128xi32, #tpu.memory_space<vmem>>, vector<1x16xi32>,
    %get3A_1089 = arith.constant 5 : i32
    %get3A_1090 = arith.index_cast %get3A_1089 : i32 to index
    %get3A_1091 = arith.constant 64 : index
    %get3A_1092 = tpu.vector_load %arg6[%get3A_1090, %get3A_1091] {strides = array<i32>} : memref<50x128xi32, #tpu.memory_space<vmem>>, vector<1x16xi32>,
    %get3A_1093 = vector.shape_cast %get3A_1092 : vector<1x16xi32> to vector<16xi32>
    %add3A_1094 = arith.constant 704 : i32
    %add3A_1095 = vector.broadcast %add3A_1094 : i32 to vector<16xi32>
    %add3A_1096 = arith.addi %add3A_1095, %iota3A : vector<16xi32>
    %rem3A_1097 = arith.constant 200 : i32
    %rem3A_1098 = vector.broadcast %rem3A_1097 : i32 to vector<16xi32>
    %rem3A_1099 = arith.remsi %add3A_1096, %rem3A_1098 : vector<16xi32>
    %lt3A_1100 = arith.cmpi slt, %rem3A_1099, %get3A_4 : vector<16xi32>
    %add3A_1101 = arith.constant 1 : i32
    %add3A_1102 = vector.broadcast %add3A_1101 : i32 to vector<16xi32>
    %add3A_1103 = arith.addi %get3A_1093, %add3A_1102 : vector<16xi32>
    %jit3A_1104 = arith.constant 0 : i32
    %broadcast_in_dim3A_1105 = vector.broadcast %jit3A_1104 : i32 to vector<16xi32>
    %select_n3A_1106 = arith.select %lt3A_1100, %add3A_1103, %broadcast_in_dim3A_1105 : vector<16xi1>, vector<16xi32>
    %swap3A_1107 = arith.constant 5 : i32
    %swap3A_1108 = arith.index_cast %swap3A_1107 : i32 to index
    %swap3A_1109 = arith.constant 64 : index
    %swap3A_1110 = tpu.vector_load %arg6[%swap3A_1108, %swap3A_1109] {strides = array<i32>} : memref<50x128xi32, #tpu.memory_space<vmem>>, vector<1x16xi32>,
    %swap3A_1111 = vector.shape_cast %swap3A_1110 : vector<1x16xi32> to vector<16xi32>
    %swap3A_1112 = vector.shape_cast %select_n3A_1106 : vector<16xi32> to vector<1x16xi32>
    tpu.vector_store %arg6[%swap3A_1108, %swap3A_1109], %swap3A_1112 {strides = array<i32>} : memref<50x128xi32, #tpu.memory_space<vmem>>, vector<1x16xi32>,
    %get3A_1113 = arith.constant 5 : i32
    %get3A_1114 = arith.index_cast %get3A_1113 : i32 to index
    %get3A_1115 = arith.constant 80 : index
    %get3A_1116 = tpu.vector_load %arg6[%get3A_1114, %get3A_1115] {strides = array<i32>} : memref<50x128xi32, #tpu.memory_space<vmem>>, vector<1x16xi32>,
    %get3A_1117 = vector.shape_cast %get3A_1116 : vector<1x16xi32> to vector<16xi32>
    %add3A_1118 = arith.constant 720 : i32
    %add3A_1119 = vector.broadcast %add3A_1118 : i32 to vector<16xi32>
    %add3A_1120 = arith.addi %add3A_1119, %iota3A : vector<16xi32>
    %rem3A_1121 = arith.constant 200 : i32
    %rem3A_1122 = vector.broadcast %rem3A_1121 : i32 to vector<16xi32>
    %rem3A_1123 = arith.remsi %add3A_1120, %rem3A_1122 : vector<16xi32>
    %lt3A_1124 = arith.cmpi slt, %rem3A_1123, %get3A_4 : vector<16xi32>
    %add3A_1125 = arith.constant 1 : i32
    %add3A_1126 = vector.broadcast %add3A_1125 : i32 to vector<16xi32>
    %add3A_1127 = arith.addi %get3A_1117, %add3A_1126 : vector<16xi32>
    %jit3A_1128 = arith.constant 0 : i32
    %broadcast_in_dim3A_1129 = vector.broadcast %jit3A_1128 : i32 to vector<16xi32>
    %select_n3A_1130 = arith.select %lt3A_1124, %add3A_1127, %broadcast_in_dim3A_1129 : vector<16xi1>, vector<16xi32>
    %swap3A_1131 = arith.constant 5 : i32
    %swap3A_1132 = arith.index_cast %swap3A_1131 : i32 to index
    %swap3A_1133 = arith.constant 80 : index
    %swap3A_1134 = tpu.vector_load %arg6[%swap3A_1132, %swap3A_1133] {strides = array<i32>} : memref<50x128xi32, #tpu.memory_space<vmem>>, vector<1x16xi32>,
    %swap3A_1135 = vector.shape_cast %swap3A_1134 : vector<1x16xi32> to vector<16xi32>
    %swap3A_1136 = vector.shape_cast %select_n3A_1130 : vector<16xi32> to vector<1x16xi32>
    tpu.vector_store %arg6[%swap3A_1132, %swap3A_1133], %swap3A_1136 {strides = array<i32>} : memref<50x128xi32, #tpu.memory_space<vmem>>, vector<1x16xi32>,
    %get3A_1137 = arith.constant 5 : i32
    %get3A_1138 = arith.index_cast %get3A_1137 : i32 to index
    %get3A_1139 = arith.constant 96 : index
    %get3A_1140 = tpu.vector_load %arg6[%get3A_1138, %get3A_1139] {strides = array<i32>} : memref<50x128xi32, #tpu.memory_space<vmem>>, vector<1x16xi32>,
    %get3A_1141 = vector.shape_cast %get3A_1140 : vector<1x16xi32> to vector<16xi32>
    %add3A_1142 = arith.constant 736 : i32
    %add3A_1143 = vector.broadcast %add3A_1142 : i32 to vector<16xi32>
    %add3A_1144 = arith.addi %add3A_1143, %iota3A : vector<16xi32>
    %rem3A_1145 = arith.constant 200 : i32
    %rem3A_1146 = vector.broadcast %rem3A_1145 : i32 to vector<16xi32>
    %rem3A_1147 = arith.remsi %add3A_1144, %rem3A_1146 : vector<16xi32>
    %lt3A_1148 = arith.cmpi slt, %rem3A_1147, %get3A_4 : vector<16xi32>
    %add3A_1149 = arith.constant 1 : i32
    %add3A_1150 = vector.broadcast %add3A_1149 : i32 to vector<16xi32>
    %add3A_1151 = arith.addi %get3A_1141, %add3A_1150 : vector<16xi32>
    %jit3A_1152 = arith.constant 0 : i32
    %broadcast_in_dim3A_1153 = vector.broadcast %jit3A_1152 : i32 to vector<16xi32>
    %select_n3A_1154 = arith.select %lt3A_1148, %add3A_1151, %broadcast_in_dim3A_1153 : vector<16xi1>, vector<16xi32>
    %swap3A_1155 = arith.constant 5 : i32
    %swap3A_1156 = arith.index_cast %swap3A_1155 : i32 to index
    %swap3A_1157 = arith.constant 96 : index
    %swap3A_1158 = tpu.vector_load %arg6[%swap3A_1156, %swap3A_1157] {strides = array<i32>} : memref<50x128xi32, #tpu.memory_space<vmem>>, vector<1x16xi32>,
    %swap3A_1159 = vector.shape_cast %swap3A_1158 : vector<1x16xi32> to vector<16xi32>
    %swap3A_1160 = vector.shape_cast %select_n3A_1154 : vector<16xi32> to vector<1x16xi32>
    tpu.vector_store %arg6[%swap3A_1156, %swap3A_1157], %swap3A_1160 {strides = array<i32>} : memref<50x128xi32, #tpu.memory_space<vmem>>, vector<1x16xi32>,
    %get3A_1161 = arith.constant 5 : i32
    %get3A_1162 = arith.index_cast %get3A_1161 : i32 to index
    %get3A_1163 = arith.constant 112 : index
    %get3A_1164 = tpu.vector_load %arg6[%get3A_1162, %get3A_1163] {strides = array<i32>} : memref<50x128xi32, #tpu.memory_space<vmem>>, vector<1x16xi32>,
    %get3A_1165 = vector.shape_cast %get3A_1164 : vector<1x16xi32> to vector<16xi32>
    %add3A_1166 = arith.constant 752 : i32
    %add3A_1167 = vector.broadcast %add3A_1166 : i32 to vector<16xi32>
    %add3A_1168 = arith.addi %add3A_1167, %iota3A : vector<16xi32>
    %rem3A_1169 = arith.constant 200 : i32
    %rem3A_1170 = vector.broadcast %rem3A_1169 : i32 to vector<16xi32>
    %rem3A_1171 = arith.remsi %add3A_1168, %rem3A_1170 : vector<16xi32>
    %lt3A_1172 = arith.cmpi slt, %rem3A_1171, %get3A_4 : vector<16xi32>
    %add3A_1173 = arith.constant 1 : i32
    %add3A_1174 = vector.broadcast %add3A_1173 : i32 to vector<16xi32>
    %add3A_1175 = arith.addi %get3A_1165, %add3A_1174 : vector<16xi32>
    %jit3A_1176 = arith.constant 0 : i32
    %broadcast_in_dim3A_1177 = vector.broadcast %jit3A_1176 : i32 to vector<16xi32>
    %select_n3A_1178 = arith.select %lt3A_1172, %add3A_1175, %broadcast_in_dim3A_1177 : vector<16xi1>, vector<16xi32>
    %swap3A_1179 = arith.constant 5 : i32
    %swap3A_1180 = arith.index_cast %swap3A_1179 : i32 to index
    %swap3A_1181 = arith.constant 112 : index
    %swap3A_1182 = tpu.vector_load %arg6[%swap3A_1180, %swap3A_1181] {strides = array<i32>} : memref<50x128xi32, #tpu.memory_space<vmem>>, vector<1x16xi32>,
    %swap3A_1183 = vector.shape_cast %swap3A_1182 : vector<1x16xi32> to vector<16xi32>
    %swap3A_1184 = vector.shape_cast %select_n3A_1178 : vector<16xi32> to vector<1x16xi32>
    tpu.vector_store %arg6[%swap3A_1180, %swap3A_1181], %swap3A_1184 {strides = array<i32>} : memref<50x128xi32, #tpu.memory_space<vmem>>, vector<1x16xi32>,
    %dma_start3A_1185 = arith.constant 5 : i32
    %dma_start3A_1186 = arith.constant 0 : i32
    %dma_start3A_1187 = tpu.memref_slice %arg6[%dma_start3A_1185, %dma_start3A_1186] : memref<50x128xi32, #tpu.memory_space<vmem>> -> memref<1x128xi32, #tpu.memory_space<vmem>>
    %dma_start3A_1188 = tpu.memref_squeeze %dma_start3A_1187 : memref<1x128xi32, #tpu.memory_space<vmem>> -> memref<128xi32, #tpu.memory_space<vmem>>
    %dma_start3A_1189 = arith.constant 0 : i32
    %dma_start3A_1190 = arith.constant 0 : i32
    %dma_start3A_1191 = tpu.memref_slice %arg2[%dma_start3A_1189, %dma_start3A_1190] : memref<100001x128xf32, #tpu.memory_space<hbm>> -> memref<100001x128xf32, #tpu.memory_space<hbm>>
    tpu.enqueue_indirect_dma source(%dma_start3A_1191 : memref<100001x128xf32, #tpu.memory_space<hbm>>) target(%arg13 : memref<128x128xf32, #tpu.memory_space<vmem>>) offsets(%dma_start3A_1188 : memref<128xi32, #tpu.memory_space<vmem>>) semaphore(%arg20 : memref<!tpu.dma_semaphore, #tpu.memory_space<semaphore_mem>>)
    %scan3A = arith.constant 0 : i32
    %scan3A_1192 = arith.constant 7 : i32
    %scan3A_1193 = arith.addi %scan3A, %scan3A_1192 : i32
    %scan3A_1194 = arith.constant 1 : i32
    scf.for %scan3A_1236 = %scan3A to %scan3A_1193 step %scan3A_1194  : i32 {
      %mul3A_1237 = arith.constant 7 : i32
      %mul3A_1238 = arith.muli %scan3A_1236, %mul3A_1237 : i32
      %add3A_1239 = arith.constant 0 : i32
      %add3A_1240 = arith.addi %add3A_1239, %mul3A_1238 : i32
      %add3A_1241 = arith.constant 0 : i32
      %add3A_1242 = arith.addi %add3A_1240, %add3A_1241 : i32
      %add3A_1243 = arith.constant 7 : i32
      %add3A_1244 = arith.addi %add3A_1242, %add3A_1243 : i32
      %sub3A = arith.constant 1 : i32
      %sub3A_1245 = arith.subi %add3A_1244, %sub3A : i32
      %lt3A_1246 = arith.constant 50 : i32
      %lt3A_1247 = arith.cmpi slt, %sub3A_1245, %lt3A_1246 : i32
      %convert_element_type3A = arith.extui %lt3A_1247 : i1 to i32
      %cond3A = arith.constant 0 : i32
      %cond3A_1248 = arith.cmpi ne, %convert_element_type3A, %cond3A : i32
      scf.if %cond3A_1248 {
        %mul3A_1448 = arith.constant 128 : i32
        %mul3A_1449 = arith.muli %sub3A_1245, %mul3A_1448 : i32
        %add3A_1450 = arith.constant 0 : i32
        %add3A_1451 = arith.addi %mul3A_1449, %add3A_1450 : i32
        %get3A_1452 = arith.index_cast %sub3A_1245 : i32 to index
        %get3A_1453 = arith.constant 0 : index
        %get3A_1454 = tpu.vector_load %arg6[%get3A_1452, %get3A_1453] {strides = array<i32>} : memref<50x128xi32, #tpu.memory_space<vmem>>, vector<1x16xi32>,
        %get3A_1455 = vector.shape_cast %get3A_1454 : vector<1x16xi32> to vector<16xi32>
        %add3A_1456 = vector.broadcast %add3A_1451 : i32 to vector<16xi32>
        %add3A_1457 = arith.addi %add3A_1456, %iota3A : vector<16xi32>
        %rem3A_1458 = arith.constant 200 : i32
        %rem3A_1459 = vector.broadcast %rem3A_1458 : i32 to vector<16xi32>
        %rem3A_1460 = arith.remsi %add3A_1457, %rem3A_1459 : vector<16xi32>
        %lt3A_1461 = arith.cmpi slt, %rem3A_1460, %get3A_4 : vector<16xi32>
        %add3A_1462 = arith.constant 1 : i32
        %add3A_1463 = vector.broadcast %add3A_1462 : i32 to vector<16xi32>
        %add3A_1464 = arith.addi %get3A_1455, %add3A_1463 : vector<16xi32>
        %jit3A_1465 = arith.constant 0 : i32
        %broadcast_in_dim3A_1466 = vector.broadcast %jit3A_1465 : i32 to vector<16xi32>
        %select_n3A_1467 = arith.select %lt3A_1461, %add3A_1464, %broadcast_in_dim3A_1466 : vector<16xi1>, vector<16xi32>
        %swap3A_1468 = arith.index_cast %sub3A_1245 : i32 to index
        %swap3A_1469 = arith.constant 0 : index
        %swap3A_1470 = tpu.vector_load %arg6[%swap3A_1468, %swap3A_1469] {strides = array<i32>} : memref<50x128xi32, #tpu.memory_space<vmem>>, vector<1x16xi32>,
        %swap3A_1471 = vector.shape_cast %swap3A_1470 : vector<1x16xi32> to vector<16xi32>
        %swap3A_1472 = vector.shape_cast %select_n3A_1467 : vector<16xi32> to vector<1x16xi32>
        tpu.vector_store %arg6[%swap3A_1468, %swap3A_1469], %swap3A_1472 {strides = array<i32>} : memref<50x128xi32, #tpu.memory_space<vmem>>, vector<1x16xi32>,
        %mul3A_1473 = arith.constant 128 : i32
        %mul3A_1474 = arith.muli %sub3A_1245, %mul3A_1473 : i32
        %add3A_1475 = arith.constant 16 : i32
        %add3A_1476 = arith.addi %mul3A_1474, %add3A_1475 : i32
        %get3A_1477 = arith.index_cast %sub3A_1245 : i32 to index
        %get3A_1478 = arith.constant 16 : index
        %get3A_1479 = tpu.vector_load %arg6[%get3A_1477, %get3A_1478] {strides = array<i32>} : memref<50x128xi32, #tpu.memory_space<vmem>>, vector<1x16xi32>,
        %get3A_1480 = vector.shape_cast %get3A_1479 : vector<1x16xi32> to vector<16xi32>
        %add3A_1481 = vector.broadcast %add3A_1476 : i32 to vector<16xi32>
        %add3A_1482 = arith.addi %add3A_1481, %iota3A : vector<16xi32>
        %rem3A_1483 = arith.constant 200 : i32
        %rem3A_1484 = vector.broadcast %rem3A_1483 : i32 to vector<16xi32>
        %rem3A_1485 = arith.remsi %add3A_1482, %rem3A_1484 : vector<16xi32>
        %lt3A_1486 = arith.cmpi slt, %rem3A_1485, %get3A_4 : vector<16xi32>
        %add3A_1487 = arith.constant 1 : i32
        %add3A_1488 = vector.broadcast %add3A_1487 : i32 to vector<16xi32>
        %add3A_1489 = arith.addi %get3A_1480, %add3A_1488 : vector<16xi32>
        %jit3A_1490 = arith.constant 0 : i32
        %broadcast_in_dim3A_1491 = vector.broadcast %jit3A_1490 : i32 to vector<16xi32>
        %select_n3A_1492 = arith.select %lt3A_1486, %add3A_1489, %broadcast_in_dim3A_1491 : vector<16xi1>, vector<16xi32>
        %swap3A_1493 = arith.index_cast %sub3A_1245 : i32 to index
        %swap3A_1494 = arith.constant 16 : index
        %swap3A_1495 = tpu.vector_load %arg6[%swap3A_1493, %swap3A_1494] {strides = array<i32>} : memref<50x128xi32, #tpu.memory_space<vmem>>, vector<1x16xi32>,
        %swap3A_1496 = vector.shape_cast %swap3A_1495 : vector<1x16xi32> to vector<16xi32>
        %swap3A_1497 = vector.shape_cast %select_n3A_1492 : vector<16xi32> to vector<1x16xi32>
        tpu.vector_store %arg6[%swap3A_1493, %swap3A_1494], %swap3A_1497 {strides = array<i32>} : memref<50x128xi32, #tpu.memory_space<vmem>>, vector<1x16xi32>,
        %mul3A_1498 = arith.constant 128 : i32
        %mul3A_1499 = arith.muli %sub3A_1245, %mul3A_1498 : i32
        %add3A_1500 = arith.constant 32 : i32
        %add3A_1501 = arith.addi %mul3A_1499, %add3A_1500 : i32
        %get3A_1502 = arith.index_cast %sub3A_1245 : i32 to index
        %get3A_1503 = arith.constant 32 : index
        %get3A_1504 = tpu.vector_load %arg6[%get3A_1502, %get3A_1503] {strides = array<i32>} : memref<50x128xi32, #tpu.memory_space<vmem>>, vector<1x16xi32>,
        %get3A_1505 = vector.shape_cast %get3A_1504 : vector<1x16xi32> to vector<16xi32>
        %add3A_1506 = vector.broadcast %add3A_1501 : i32 to vector<16xi32>
        %add3A_1507 = arith.addi %add3A_1506, %iota3A : vector<16xi32>
        %rem3A_1508 = arith.constant 200 : i32
        %rem3A_1509 = vector.broadcast %rem3A_1508 : i32 to vector<16xi32>
        %rem3A_1510 = arith.remsi %add3A_1507, %rem3A_1509 : vector<16xi32>
        %lt3A_1511 = arith.cmpi slt, %rem3A_1510, %get3A_4 : vector<16xi32>
        %add3A_1512 = arith.constant 1 : i32
        %add3A_1513 = vector.broadcast %add3A_1512 : i32 to vector<16xi32>
        %add3A_1514 = arith.addi %get3A_1505, %add3A_1513 : vector<16xi32>
        %jit3A_1515 = arith.constant 0 : i32
        %broadcast_in_dim3A_1516 = vector.broadcast %jit3A_1515 : i32 to vector<16xi32>
        %select_n3A_1517 = arith.select %lt3A_1511, %add3A_1514, %broadcast_in_dim3A_1516 : vector<16xi1>, vector<16xi32>
        %swap3A_1518 = arith.index_cast %sub3A_1245 : i32 to index
        %swap3A_1519 = arith.constant 32 : index
        %swap3A_1520 = tpu.vector_load %arg6[%swap3A_1518, %swap3A_1519] {strides = array<i32>} : memref<50x128xi32, #tpu.memory_space<vmem>>, vector<1x16xi32>,
        %swap3A_1521 = vector.shape_cast %swap3A_1520 : vector<1x16xi32> to vector<16xi32>
        %swap3A_1522 = vector.shape_cast %select_n3A_1517 : vector<16xi32> to vector<1x16xi32>
        tpu.vector_store %arg6[%swap3A_1518, %swap3A_1519], %swap3A_1522 {strides = array<i32>} : memref<50x128xi32, #tpu.memory_space<vmem>>, vector<1x16xi32>,
        %mul3A_1523 = arith.constant 128 : i32
        %mul3A_1524 = arith.muli %sub3A_1245, %mul3A_1523 : i32
        %add3A_1525 = arith.constant 48 : i32
        %add3A_1526 = arith.addi %mul3A_1524, %add3A_1525 : i32
        %get3A_1527 = arith.index_cast %sub3A_1245 : i32 to index
        %get3A_1528 = arith.constant 48 : index
        %get3A_1529 = tpu.vector_load %arg6[%get3A_1527, %get3A_1528] {strides = array<i32>} : memref<50x128xi32, #tpu.memory_space<vmem>>, vector<1x16xi32>,
        %get3A_1530 = vector.shape_cast %get3A_1529 : vector<1x16xi32> to vector<16xi32>
        %add3A_1531 = vector.broadcast %add3A_1526 : i32 to vector<16xi32>
        %add3A_1532 = arith.addi %add3A_1531, %iota3A : vector<16xi32>
        %rem3A_1533 = arith.constant 200 : i32
        %rem3A_1534 = vector.broadcast %rem3A_1533 : i32 to vector<16xi32>
        %rem3A_1535 = arith.remsi %add3A_1532, %rem3A_1534 : vector<16xi32>
        %lt3A_1536 = arith.cmpi slt, %rem3A_1535, %get3A_4 : vector<16xi32>
        %add3A_1537 = arith.constant 1 : i32
        %add3A_1538 = vector.broadcast %add3A_1537 : i32 to vector<16xi32>
        %add3A_1539 = arith.addi %get3A_1530, %add3A_1538 : vector<16xi32>
        %jit3A_1540 = arith.constant 0 : i32
        %broadcast_in_dim3A_1541 = vector.broadcast %jit3A_1540 : i32 to vector<16xi32>
        %select_n3A_1542 = arith.select %lt3A_1536, %add3A_1539, %broadcast_in_dim3A_1541 : vector<16xi1>, vector<16xi32>
        %swap3A_1543 = arith.index_cast %sub3A_1245 : i32 to index
        %swap3A_1544 = arith.constant 48 : index
        %swap3A_1545 = tpu.vector_load %arg6[%swap3A_1543, %swap3A_1544] {strides = array<i32>} : memref<50x128xi32, #tpu.memory_space<vmem>>, vector<1x16xi32>,
        %swap3A_1546 = vector.shape_cast %swap3A_1545 : vector<1x16xi32> to vector<16xi32>
        %swap3A_1547 = vector.shape_cast %select_n3A_1542 : vector<16xi32> to vector<1x16xi32>
        tpu.vector_store %arg6[%swap3A_1543, %swap3A_1544], %swap3A_1547 {strides = array<i32>} : memref<50x128xi32, #tpu.memory_space<vmem>>, vector<1x16xi32>,
        %mul3A_1548 = arith.constant 128 : i32
        %mul3A_1549 = arith.muli %sub3A_1245, %mul3A_1548 : i32
        %add3A_1550 = arith.constant 64 : i32
        %add3A_1551 = arith.addi %mul3A_1549, %add3A_1550 : i32
        %get3A_1552 = arith.index_cast %sub3A_1245 : i32 to index
        %get3A_1553 = arith.constant 64 : index
        %get3A_1554 = tpu.vector_load %arg6[%get3A_1552, %get3A_1553] {strides = array<i32>} : memref<50x128xi32, #tpu.memory_space<vmem>>, vector<1x16xi32>,
        %get3A_1555 = vector.shape_cast %get3A_1554 : vector<1x16xi32> to vector<16xi32>
        %add3A_1556 = vector.broadcast %add3A_1551 : i32 to vector<16xi32>
        %add3A_1557 = arith.addi %add3A_1556, %iota3A : vector<16xi32>
        %rem3A_1558 = arith.constant 200 : i32
        %rem3A_1559 = vector.broadcast %rem3A_1558 : i32 to vector<16xi32>
        %rem3A_1560 = arith.remsi %add3A_1557, %rem3A_1559 : vector<16xi32>
        %lt3A_1561 = arith.cmpi slt, %rem3A_1560, %get3A_4 : vector<16xi32>
        %add3A_1562 = arith.constant 1 : i32
        %add3A_1563 = vector.broadcast %add3A_1562 : i32 to vector<16xi32>
        %add3A_1564 = arith.addi %get3A_1555, %add3A_1563 : vector<16xi32>
        %jit3A_1565 = arith.constant 0 : i32
        %broadcast_in_dim3A_1566 = vector.broadcast %jit3A_1565 : i32 to vector<16xi32>
        %select_n3A_1567 = arith.select %lt3A_1561, %add3A_1564, %broadcast_in_dim3A_1566 : vector<16xi1>, vector<16xi32>
        %swap3A_1568 = arith.index_cast %sub3A_1245 : i32 to index
        %swap3A_1569 = arith.constant 64 : index
        %swap3A_1570 = tpu.vector_load %arg6[%swap3A_1568, %swap3A_1569] {strides = array<i32>} : memref<50x128xi32, #tpu.memory_space<vmem>>, vector<1x16xi32>,
        %swap3A_1571 = vector.shape_cast %swap3A_1570 : vector<1x16xi32> to vector<16xi32>
        %swap3A_1572 = vector.shape_cast %select_n3A_1567 : vector<16xi32> to vector<1x16xi32>
        tpu.vector_store %arg6[%swap3A_1568, %swap3A_1569], %swap3A_1572 {strides = array<i32>} : memref<50x128xi32, #tpu.memory_space<vmem>>, vector<1x16xi32>,
        %mul3A_1573 = arith.constant 128 : i32
        %mul3A_1574 = arith.muli %sub3A_1245, %mul3A_1573 : i32
        %add3A_1575 = arith.constant 80 : i32
        %add3A_1576 = arith.addi %mul3A_1574, %add3A_1575 : i32
        %get3A_1577 = arith.index_cast %sub3A_1245 : i32 to index
        %get3A_1578 = arith.constant 80 : index
        %get3A_1579 = tpu.vector_load %arg6[%get3A_1577, %get3A_1578] {strides = array<i32>} : memref<50x128xi32, #tpu.memory_space<vmem>>, vector<1x16xi32>,
        %get3A_1580 = vector.shape_cast %get3A_1579 : vector<1x16xi32> to vector<16xi32>
        %add3A_1581 = vector.broadcast %add3A_1576 : i32 to vector<16xi32>
        %add3A_1582 = arith.addi %add3A_1581, %iota3A : vector<16xi32>
        %rem3A_1583 = arith.constant 200 : i32
        %rem3A_1584 = vector.broadcast %rem3A_1583 : i32 to vector<16xi32>
        %rem3A_1585 = arith.remsi %add3A_1582, %rem3A_1584 : vector<16xi32>
        %lt3A_1586 = arith.cmpi slt, %rem3A_1585, %get3A_4 : vector<16xi32>
        %add3A_1587 = arith.constant 1 : i32
        %add3A_1588 = vector.broadcast %add3A_1587 : i32 to vector<16xi32>
        %add3A_1589 = arith.addi %get3A_1580, %add3A_1588 : vector<16xi32>
        %jit3A_1590 = arith.constant 0 : i32
        %broadcast_in_dim3A_1591 = vector.broadcast %jit3A_1590 : i32 to vector<16xi32>
        %select_n3A_1592 = arith.select %lt3A_1586, %add3A_1589, %broadcast_in_dim3A_1591 : vector<16xi1>, vector<16xi32>
        %swap3A_1593 = arith.index_cast %sub3A_1245 : i32 to index
        %swap3A_1594 = arith.constant 80 : index
        %swap3A_1595 = tpu.vector_load %arg6[%swap3A_1593, %swap3A_1594] {strides = array<i32>} : memref<50x128xi32, #tpu.memory_space<vmem>>, vector<1x16xi32>,
        %swap3A_1596 = vector.shape_cast %swap3A_1595 : vector<1x16xi32> to vector<16xi32>
        %swap3A_1597 = vector.shape_cast %select_n3A_1592 : vector<16xi32> to vector<1x16xi32>
        tpu.vector_store %arg6[%swap3A_1593, %swap3A_1594], %swap3A_1597 {strides = array<i32>} : memref<50x128xi32, #tpu.memory_space<vmem>>, vector<1x16xi32>,
        %mul3A_1598 = arith.constant 128 : i32
        %mul3A_1599 = arith.muli %sub3A_1245, %mul3A_1598 : i32
        %add3A_1600 = arith.constant 96 : i32
        %add3A_1601 = arith.addi %mul3A_1599, %add3A_1600 : i32
        %get3A_1602 = arith.index_cast %sub3A_1245 : i32 to index
        %get3A_1603 = arith.constant 96 : index
        %get3A_1604 = tpu.vector_load %arg6[%get3A_1602, %get3A_1603] {strides = array<i32>} : memref<50x128xi32, #tpu.memory_space<vmem>>, vector<1x16xi32>,
        %get3A_1605 = vector.shape_cast %get3A_1604 : vector<1x16xi32> to vector<16xi32>
        %add3A_1606 = vector.broadcast %add3A_1601 : i32 to vector<16xi32>
        %add3A_1607 = arith.addi %add3A_1606, %iota3A : vector<16xi32>
        %rem3A_1608 = arith.constant 200 : i32
        %rem3A_1609 = vector.broadcast %rem3A_1608 : i32 to vector<16xi32>
        %rem3A_1610 = arith.remsi %add3A_1607, %rem3A_1609 : vector<16xi32>
        %lt3A_1611 = arith.cmpi slt, %rem3A_1610, %get3A_4 : vector<16xi32>
        %add3A_1612 = arith.constant 1 : i32
        %add3A_1613 = vector.broadcast %add3A_1612 : i32 to vector<16xi32>
        %add3A_1614 = arith.addi %get3A_1605, %add3A_1613 : vector<16xi32>
        %jit3A_1615 = arith.constant 0 : i32
        %broadcast_in_dim3A_1616 = vector.broadcast %jit3A_1615 : i32 to vector<16xi32>
        %select_n3A_1617 = arith.select %lt3A_1611, %add3A_1614, %broadcast_in_dim3A_1616 : vector<16xi1>, vector<16xi32>
        %swap3A_1618 = arith.index_cast %sub3A_1245 : i32 to index
        %swap3A_1619 = arith.constant 96 : index
        %swap3A_1620 = tpu.vector_load %arg6[%swap3A_1618, %swap3A_1619] {strides = array<i32>} : memref<50x128xi32, #tpu.memory_space<vmem>>, vector<1x16xi32>,
        %swap3A_1621 = vector.shape_cast %swap3A_1620 : vector<1x16xi32> to vector<16xi32>
        %swap3A_1622 = vector.shape_cast %select_n3A_1617 : vector<16xi32> to vector<1x16xi32>
        tpu.vector_store %arg6[%swap3A_1618, %swap3A_1619], %swap3A_1622 {strides = array<i32>} : memref<50x128xi32, #tpu.memory_space<vmem>>, vector<1x16xi32>,
        %mul3A_1623 = arith.constant 128 : i32
        %mul3A_1624 = arith.muli %sub3A_1245, %mul3A_1623 : i32
        %add3A_1625 = arith.constant 112 : i32
        %add3A_1626 = arith.addi %mul3A_1624, %add3A_1625 : i32
        %get3A_1627 = arith.index_cast %sub3A_1245 : i32 to index
        %get3A_1628 = arith.constant 112 : index
        %get3A_1629 = tpu.vector_load %arg6[%get3A_1627, %get3A_1628] {strides = array<i32>} : memref<50x128xi32, #tpu.memory_space<vmem>>, vector<1x16xi32>,
        %get3A_1630 = vector.shape_cast %get3A_1629 : vector<1x16xi32> to vector<16xi32>
        %add3A_1631 = vector.broadcast %add3A_1626 : i32 to vector<16xi32>
        %add3A_1632 = arith.addi %add3A_1631, %iota3A : vector<16xi32>
        %rem3A_1633 = arith.constant 200 : i32
        %rem3A_1634 = vector.broadcast %rem3A_1633 : i32 to vector<16xi32>
        %rem3A_1635 = arith.remsi %add3A_1632, %rem3A_1634 : vector<16xi32>
        %lt3A_1636 = arith.cmpi slt, %rem3A_1635, %get3A_4 : vector<16xi32>
        %add3A_1637 = arith.constant 1 : i32
        %add3A_1638 = vector.broadcast %add3A_1637 : i32 to vector<16xi32>
        %add3A_1639 = arith.addi %get3A_1630, %add3A_1638 : vector<16xi32>
        %jit3A_1640 = arith.constant 0 : i32
        %broadcast_in_dim3A_1641 = vector.broadcast %jit3A_1640 : i32 to vector<16xi32>
        %select_n3A_1642 = arith.select %lt3A_1636, %add3A_1639, %broadcast_in_dim3A_1641 : vector<16xi1>, vector<16xi32>
        %swap3A_1643 = arith.index_cast %sub3A_1245 : i32 to index
        %swap3A_1644 = arith.constant 112 : index
        %swap3A_1645 = tpu.vector_load %arg6[%swap3A_1643, %swap3A_1644] {strides = array<i32>} : memref<50x128xi32, #tpu.memory_space<vmem>>, vector<1x16xi32>,
        %swap3A_1646 = vector.shape_cast %swap3A_1645 : vector<1x16xi32> to vector<16xi32>
        %swap3A_1647 = vector.shape_cast %select_n3A_1642 : vector<16xi32> to vector<1x16xi32>
        tpu.vector_store %arg6[%swap3A_1643, %swap3A_1644], %swap3A_1647 {strides = array<i32>} : memref<50x128xi32, #tpu.memory_space<vmem>>, vector<1x16xi32>,
      } else {
      }
      %dma_wait3A_1249 = arith.constant 0 : i32
      %dma_wait3A_1250 = arith.constant 0 : i32
      %dma_wait3A_1251 = tpu.memref_slice %arg6[%dma_wait3A_1249, %dma_wait3A_1250] : memref<50x128xi32, #tpu.memory_space<vmem>> -> memref<1x128xi32, #tpu.memory_space<vmem>>
      %dma_wait3A_1252 = tpu.memref_squeeze %dma_wait3A_1251 : memref<1x128xi32, #tpu.memory_space<vmem>> -> memref<128xi32, #tpu.memory_space<vmem>>
      %dma_wait3A_1253 = arith.constant 0 : i32
      %dma_wait3A_1254 = arith.constant 0 : i32
      %dma_wait3A_1255 = tpu.memref_slice %arg2[%dma_wait3A_1253, %dma_wait3A_1254] : memref<100001x128xf32, #tpu.memory_space<hbm>> -> memref<100001x128xf32, #tpu.memory_space<hbm>>
      tpu.wait_indirect_dma semaphore(%arg15 : memref<!tpu.dma_semaphore, #tpu.memory_space<semaphore_mem>>) src(%dma_wait3A_1255 : memref<100001x128xf32, #tpu.memory_space<hbm>>) dst(%arg8 : memref<128x128xf32, #tpu.memory_space<vmem>>)
      %mul3A_1256 = arith.constant 128 : i32
      %mul3A_1257 = arith.muli %add3A_1242, %mul3A_1256 : i32
      %add3A_1258 = arith.addi %mul3A_2, %mul3A_1257 : i32
      %dma_start3A_1259 = arith.constant 0 : i32
      %dma_start3A_1260 = tpu.memref_slice %arg5[%add3A_1258, %dma_start3A_1259] : memref<204800x128xf32, #tpu.memory_space<hbm>> -> memref<128x128xf32, #tpu.memory_space<hbm>>
      %dma_start3A_1261 = arith.constant 0 : i32
      %dma_start3A_1262 = tpu.memref_slice %arg5[%add3A_1258, %dma_start3A_1261] : memref<204800x128xf32, #tpu.memory_space<hbm>> -> memref<128x128xf32, #tpu.memory_space<hbm>>
      tpu.enqueue_dma source(%arg8 : memref<128x128xf32, #tpu.memory_space<vmem>>) target(%dma_start3A_1262 : memref<128x128xf32, #tpu.memory_space<hbm>>) target_semaphore(%arg22 : memref<!tpu.dma_semaphore, #tpu.memory_space<semaphore_mem>>)
      %lt3A_1263 = arith.constant 50 : i32
      %lt3A_1264 = arith.cmpi slt, %sub3A_1245, %lt3A_1263 : i32
      %convert_element_type3A_1265 = arith.extui %lt3A_1264 : i1 to i32
      %cond3A_1266 = arith.constant 0 : i32
      %cond3A_1267 = arith.cmpi ne, %convert_element_type3A_1265, %cond3A_1266 : i32
      scf.if %cond3A_1267 {
        %ge3A = arith.constant 1 : i32
        %ge3A_1448 = arith.cmpi sge, %add3A_1242, %ge3A : i32
        %convert_element_type3A_1449 = arith.extui %ge3A_1448 : i1 to i32
        %cond3A_1450 = arith.constant 0 : i32
        %cond3A_1451 = arith.cmpi ne, %convert_element_type3A_1449, %cond3A_1450 : i32
        scf.if %cond3A_1451 {
          %dma_wait3A_1458 = arith.constant 0 : i32
          %dma_wait3A_1459 = tpu.memref_slice %arg5[%mul3A_2, %dma_wait3A_1458] : memref<204800x128xf32, #tpu.memory_space<hbm>> -> memref<128x128xf32, #tpu.memory_space<hbm>>
          %dma_wait3A_1460 = arith.constant 0 : i32
          %dma_wait3A_1461 = tpu.memref_slice %arg5[%mul3A_2, %dma_wait3A_1460] : memref<204800x128xf32, #tpu.memory_space<hbm>> -> memref<128x128xf32, #tpu.memory_space<hbm>>
          tpu.wait_dma2 semaphore(%arg28 : memref<!tpu.dma_semaphore, #tpu.memory_space<semaphore_mem>>) src(%arg14 : memref<128x128xf32, #tpu.memory_space<vmem>>) dst(%dma_wait3A_1461 : memref<128x128xf32, #tpu.memory_space<hbm>>)
        } else {
        }
        %dma_start3A_1452 = arith.constant 0 : i32
        %dma_start3A_1453 = tpu.memref_slice %arg6[%sub3A_1245, %dma_start3A_1452] : memref<50x128xi32, #tpu.memory_space<vmem>> -> memref<1x128xi32, #tpu.memory_space<vmem>>
        %dma_start3A_1454 = tpu.memref_squeeze %dma_start3A_1453 : memref<1x128xi32, #tpu.memory_space<vmem>> -> memref<128xi32, #tpu.memory_space<vmem>>
        %dma_start3A_1455 = arith.constant 0 : i32
        %dma_start3A_1456 = arith.constant 0 : i32
        %dma_start3A_1457 = tpu.memref_slice %arg2[%dma_start3A_1455, %dma_start3A_1456] : memref<100001x128xf32, #tpu.memory_space<hbm>> -> memref<100001x128xf32, #tpu.memory_space<hbm>>
        tpu.enqueue_indirect_dma source(%dma_start3A_1457 : memref<100001x128xf32, #tpu.memory_space<hbm>>) target(%arg14 : memref<128x128xf32, #tpu.memory_space<vmem>>) offsets(%dma_start3A_1454 : memref<128xi32, #tpu.memory_space<vmem>>) semaphore(%arg21 : memref<!tpu.dma_semaphore, #tpu.memory_space<semaphore_mem>>)
      } else {
      }
      %add3A_1268 = arith.constant 1 : i32
      %add3A_1269 = arith.addi %add3A_1240, %add3A_1268 : i32
      %add3A_1270 = arith.constant 7 : i32
      %add3A_1271 = arith.addi %add3A_1269, %add3A_1270 : i32
      %sub3A_1272 = arith.constant 1 : i32
      %sub3A_1273 = arith.subi %add3A_1271, %sub3A_1272 : i32
      %lt3A_1274 = arith.constant 50 : i32
      %lt3A_1275 = arith.cmpi slt, %sub3A_1273, %lt3A_1274 : i32
      %convert_element_type3A_1276 = arith.extui %lt3A_1275 : i1 to i32
      %cond3A_1277 = arith.constant 0 : i32
      %cond3A_1278 = arith.cmpi ne, %convert_element_type3A_1276, %cond3A_1277 : i32
      scf.if %cond3A_1278 {
        %mul3A_1448 = arith.constant 128 : i32
        %mul3A_1449 = arith.muli %sub3A_1273, %mul3A_1448 : i32
        %add3A_1450 = arith.constant 0 : i32
        %add3A_1451 = arith.addi %mul3A_1449, %add3A_1450 : i32
        %get3A_1452 = arith.index_cast %sub3A_1273 : i32 to index
        %get3A_1453 = arith.constant 0 : index
        %get3A_1454 = tpu.vector_load %arg6[%get3A_1452, %get3A_1453] {strides = array<i32>} : memref<50x128xi32, #tpu.memory_space<vmem>>, vector<1x16xi32>,
        %get3A_1455 = vector.shape_cast %get3A_1454 : vector<1x16xi32> to vector<16xi32>
        %add3A_1456 = vector.broadcast %add3A_1451 : i32 to vector<16xi32>
        %add3A_1457 = arith.addi %add3A_1456, %iota3A : vector<16xi32>
        %rem3A_1458 = arith.constant 200 : i32
        %rem3A_1459 = vector.broadcast %rem3A_1458 : i32 to vector<16xi32>
        %rem3A_1460 = arith.remsi %add3A_1457, %rem3A_1459 : vector<16xi32>
        %lt3A_1461 = arith.cmpi slt, %rem3A_1460, %get3A_4 : vector<16xi32>
        %add3A_1462 = arith.constant 1 : i32
        %add3A_1463 = vector.broadcast %add3A_1462 : i32 to vector<16xi32>
        %add3A_1464 = arith.addi %get3A_1455, %add3A_1463 : vector<16xi32>
        %jit3A_1465 = arith.constant 0 : i32
        %broadcast_in_dim3A_1466 = vector.broadcast %jit3A_1465 : i32 to vector<16xi32>
        %select_n3A_1467 = arith.select %lt3A_1461, %add3A_1464, %broadcast_in_dim3A_1466 : vector<16xi1>, vector<16xi32>
        %swap3A_1468 = arith.index_cast %sub3A_1273 : i32 to index
        %swap3A_1469 = arith.constant 0 : index
        %swap3A_1470 = tpu.vector_load %arg6[%swap3A_1468, %swap3A_1469] {strides = array<i32>} : memref<50x128xi32, #tpu.memory_space<vmem>>, vector<1x16xi32>,
        %swap3A_1471 = vector.shape_cast %swap3A_1470 : vector<1x16xi32> to vector<16xi32>
        %swap3A_1472 = vector.shape_cast %select_n3A_1467 : vector<16xi32> to vector<1x16xi32>
        tpu.vector_store %arg6[%swap3A_1468, %swap3A_1469], %swap3A_1472 {strides = array<i32>} : memref<50x128xi32, #tpu.memory_space<vmem>>, vector<1x16xi32>,
        %mul3A_1473 = arith.constant 128 : i32
        %mul3A_1474 = arith.muli %sub3A_1273, %mul3A_1473 : i32
        %add3A_1475 = arith.constant 16 : i32
        %add3A_1476 = arith.addi %mul3A_1474, %add3A_1475 : i32
        %get3A_1477 = arith.index_cast %sub3A_1273 : i32 to index
        %get3A_1478 = arith.constant 16 : index
        %get3A_1479 = tpu.vector_load %arg6[%get3A_1477, %get3A_1478] {strides = array<i32>} : memref<50x128xi32, #tpu.memory_space<vmem>>, vector<1x16xi32>,
        %get3A_1480 = vector.shape_cast %get3A_1479 : vector<1x16xi32> to vector<16xi32>
        %add3A_1481 = vector.broadcast %add3A_1476 : i32 to vector<16xi32>
        %add3A_1482 = arith.addi %add3A_1481, %iota3A : vector<16xi32>
        %rem3A_1483 = arith.constant 200 : i32
        %rem3A_1484 = vector.broadcast %rem3A_1483 : i32 to vector<16xi32>
        %rem3A_1485 = arith.remsi %add3A_1482, %rem3A_1484 : vector<16xi32>
        %lt3A_1486 = arith.cmpi slt, %rem3A_1485, %get3A_4 : vector<16xi32>
        %add3A_1487 = arith.constant 1 : i32
        %add3A_1488 = vector.broadcast %add3A_1487 : i32 to vector<16xi32>
        %add3A_1489 = arith.addi %get3A_1480, %add3A_1488 : vector<16xi32>
        %jit3A_1490 = arith.constant 0 : i32
        %broadcast_in_dim3A_1491 = vector.broadcast %jit3A_1490 : i32 to vector<16xi32>
        %select_n3A_1492 = arith.select %lt3A_1486, %add3A_1489, %broadcast_in_dim3A_1491 : vector<16xi1>, vector<16xi32>
        %swap3A_1493 = arith.index_cast %sub3A_1273 : i32 to index
        %swap3A_1494 = arith.constant 16 : index
        %swap3A_1495 = tpu.vector_load %arg6[%swap3A_1493, %swap3A_1494] {strides = array<i32>} : memref<50x128xi32, #tpu.memory_space<vmem>>, vector<1x16xi32>,
        %swap3A_1496 = vector.shape_cast %swap3A_1495 : vector<1x16xi32> to vector<16xi32>
        %swap3A_1497 = vector.shape_cast %select_n3A_1492 : vector<16xi32> to vector<1x16xi32>
        tpu.vector_store %arg6[%swap3A_1493, %swap3A_1494], %swap3A_1497 {strides = array<i32>} : memref<50x128xi32, #tpu.memory_space<vmem>>, vector<1x16xi32>,
        %mul3A_1498 = arith.constant 128 : i32
        %mul3A_1499 = arith.muli %sub3A_1273, %mul3A_1498 : i32
        %add3A_1500 = arith.constant 32 : i32
        %add3A_1501 = arith.addi %mul3A_1499, %add3A_1500 : i32
        %get3A_1502 = arith.index_cast %sub3A_1273 : i32 to index
        %get3A_1503 = arith.constant 32 : index
        %get3A_1504 = tpu.vector_load %arg6[%get3A_1502, %get3A_1503] {strides = array<i32>} : memref<50x128xi32, #tpu.memory_space<vmem>>, vector<1x16xi32>,
        %get3A_1505 = vector.shape_cast %get3A_1504 : vector<1x16xi32> to vector<16xi32>
        %add3A_1506 = vector.broadcast %add3A_1501 : i32 to vector<16xi32>
        %add3A_1507 = arith.addi %add3A_1506, %iota3A : vector<16xi32>
        %rem3A_1508 = arith.constant 200 : i32
        %rem3A_1509 = vector.broadcast %rem3A_1508 : i32 to vector<16xi32>
        %rem3A_1510 = arith.remsi %add3A_1507, %rem3A_1509 : vector<16xi32>
        %lt3A_1511 = arith.cmpi slt, %rem3A_1510, %get3A_4 : vector<16xi32>
        %add3A_1512 = arith.constant 1 : i32
        %add3A_1513 = vector.broadcast %add3A_1512 : i32 to vector<16xi32>
        %add3A_1514 = arith.addi %get3A_1505, %add3A_1513 : vector<16xi32>
        %jit3A_1515 = arith.constant 0 : i32
        %broadcast_in_dim3A_1516 = vector.broadcast %jit3A_1515 : i32 to vector<16xi32>
        %select_n3A_1517 = arith.select %lt3A_1511, %add3A_1514, %broadcast_in_dim3A_1516 : vector<16xi1>, vector<16xi32>
        %swap3A_1518 = arith.index_cast %sub3A_1273 : i32 to index
        %swap3A_1519 = arith.constant 32 : index
        %swap3A_1520 = tpu.vector_load %arg6[%swap3A_1518, %swap3A_1519] {strides = array<i32>} : memref<50x128xi32, #tpu.memory_space<vmem>>, vector<1x16xi32>,
        %swap3A_1521 = vector.shape_cast %swap3A_1520 : vector<1x16xi32> to vector<16xi32>
        %swap3A_1522 = vector.shape_cast %select_n3A_1517 : vector<16xi32> to vector<1x16xi32>
        tpu.vector_store %arg6[%swap3A_1518, %swap3A_1519], %swap3A_1522 {strides = array<i32>} : memref<50x128xi32, #tpu.memory_space<vmem>>, vector<1x16xi32>,
        %mul3A_1523 = arith.constant 128 : i32
        %mul3A_1524 = arith.muli %sub3A_1273, %mul3A_1523 : i32
        %add3A_1525 = arith.constant 48 : i32
        %add3A_1526 = arith.addi %mul3A_1524, %add3A_1525 : i32
        %get3A_1527 = arith.index_cast %sub3A_1273 : i32 to index
        %get3A_1528 = arith.constant 48 : index
        %get3A_1529 = tpu.vector_load %arg6[%get3A_1527, %get3A_1528] {strides = array<i32>} : memref<50x128xi32, #tpu.memory_space<vmem>>, vector<1x16xi32>,
        %get3A_1530 = vector.shape_cast %get3A_1529 : vector<1x16xi32> to vector<16xi32>
        %add3A_1531 = vector.broadcast %add3A_1526 : i32 to vector<16xi32>
        %add3A_1532 = arith.addi %add3A_1531, %iota3A : vector<16xi32>
        %rem3A_1533 = arith.constant 200 : i32
        %rem3A_1534 = vector.broadcast %rem3A_1533 : i32 to vector<16xi32>
        %rem3A_1535 = arith.remsi %add3A_1532, %rem3A_1534 : vector<16xi32>
        %lt3A_1536 = arith.cmpi slt, %rem3A_1535, %get3A_4 : vector<16xi32>
        %add3A_1537 = arith.constant 1 : i32
        %add3A_1538 = vector.broadcast %add3A_1537 : i32 to vector<16xi32>
        %add3A_1539 = arith.addi %get3A_1530, %add3A_1538 : vector<16xi32>
        %jit3A_1540 = arith.constant 0 : i32
        %broadcast_in_dim3A_1541 = vector.broadcast %jit3A_1540 : i32 to vector<16xi32>
        %select_n3A_1542 = arith.select %lt3A_1536, %add3A_1539, %broadcast_in_dim3A_1541 : vector<16xi1>, vector<16xi32>
        %swap3A_1543 = arith.index_cast %sub3A_1273 : i32 to index
        %swap3A_1544 = arith.constant 48 : index
        %swap3A_1545 = tpu.vector_load %arg6[%swap3A_1543, %swap3A_1544] {strides = array<i32>} : memref<50x128xi32, #tpu.memory_space<vmem>>, vector<1x16xi32>,
        %swap3A_1546 = vector.shape_cast %swap3A_1545 : vector<1x16xi32> to vector<16xi32>
        %swap3A_1547 = vector.shape_cast %select_n3A_1542 : vector<16xi32> to vector<1x16xi32>
        tpu.vector_store %arg6[%swap3A_1543, %swap3A_1544], %swap3A_1547 {strides = array<i32>} : memref<50x128xi32, #tpu.memory_space<vmem>>, vector<1x16xi32>,
        %mul3A_1548 = arith.constant 128 : i32
        %mul3A_1549 = arith.muli %sub3A_1273, %mul3A_1548 : i32
        %add3A_1550 = arith.constant 64 : i32
        %add3A_1551 = arith.addi %mul3A_1549, %add3A_1550 : i32
        %get3A_1552 = arith.index_cast %sub3A_1273 : i32 to index
        %get3A_1553 = arith.constant 64 : index
        %get3A_1554 = tpu.vector_load %arg6[%get3A_1552, %get3A_1553] {strides = array<i32>} : memref<50x128xi32, #tpu.memory_space<vmem>>, vector<1x16xi32>,
        %get3A_1555 = vector.shape_cast %get3A_1554 : vector<1x16xi32> to vector<16xi32>
        %add3A_1556 = vector.broadcast %add3A_1551 : i32 to vector<16xi32>
        %add3A_1557 = arith.addi %add3A_1556, %iota3A : vector<16xi32>
        %rem3A_1558 = arith.constant 200 : i32
        %rem3A_1559 = vector.broadcast %rem3A_1558 : i32 to vector<16xi32>
        %rem3A_1560 = arith.remsi %add3A_1557, %rem3A_1559 : vector<16xi32>
        %lt3A_1561 = arith.cmpi slt, %rem3A_1560, %get3A_4 : vector<16xi32>
        %add3A_1562 = arith.constant 1 : i32
        %add3A_1563 = vector.broadcast %add3A_1562 : i32 to vector<16xi32>
        %add3A_1564 = arith.addi %get3A_1555, %add3A_1563 : vector<16xi32>
        %jit3A_1565 = arith.constant 0 : i32
        %broadcast_in_dim3A_1566 = vector.broadcast %jit3A_1565 : i32 to vector<16xi32>
        %select_n3A_1567 = arith.select %lt3A_1561, %add3A_1564, %broadcast_in_dim3A_1566 : vector<16xi1>, vector<16xi32>
        %swap3A_1568 = arith.index_cast %sub3A_1273 : i32 to index
        %swap3A_1569 = arith.constant 64 : index
        %swap3A_1570 = tpu.vector_load %arg6[%swap3A_1568, %swap3A_1569] {strides = array<i32>} : memref<50x128xi32, #tpu.memory_space<vmem>>, vector<1x16xi32>,
        %swap3A_1571 = vector.shape_cast %swap3A_1570 : vector<1x16xi32> to vector<16xi32>
        %swap3A_1572 = vector.shape_cast %select_n3A_1567 : vector<16xi32> to vector<1x16xi32>
        tpu.vector_store %arg6[%swap3A_1568, %swap3A_1569], %swap3A_1572 {strides = array<i32>} : memref<50x128xi32, #tpu.memory_space<vmem>>, vector<1x16xi32>,
        %mul3A_1573 = arith.constant 128 : i32
        %mul3A_1574 = arith.muli %sub3A_1273, %mul3A_1573 : i32
        %add3A_1575 = arith.constant 80 : i32
        %add3A_1576 = arith.addi %mul3A_1574, %add3A_1575 : i32
        %get3A_1577 = arith.index_cast %sub3A_1273 : i32 to index
        %get3A_1578 = arith.constant 80 : index
        %get3A_1579 = tpu.vector_load %arg6[%get3A_1577, %get3A_1578] {strides = array<i32>} : memref<50x128xi32, #tpu.memory_space<vmem>>, vector<1x16xi32>,
        %get3A_1580 = vector.shape_cast %get3A_1579 : vector<1x16xi32> to vector<16xi32>
        %add3A_1581 = vector.broadcast %add3A_1576 : i32 to vector<16xi32>
        %add3A_1582 = arith.addi %add3A_1581, %iota3A : vector<16xi32>
        %rem3A_1583 = arith.constant 200 : i32
        %rem3A_1584 = vector.broadcast %rem3A_1583 : i32 to vector<16xi32>
        %rem3A_1585 = arith.remsi %add3A_1582, %rem3A_1584 : vector<16xi32>
        %lt3A_1586 = arith.cmpi slt, %rem3A_1585, %get3A_4 : vector<16xi32>
        %add3A_1587 = arith.constant 1 : i32
        %add3A_1588 = vector.broadcast %add3A_1587 : i32 to vector<16xi32>
        %add3A_1589 = arith.addi %get3A_1580, %add3A_1588 : vector<16xi32>
        %jit3A_1590 = arith.constant 0 : i32
        %broadcast_in_dim3A_1591 = vector.broadcast %jit3A_1590 : i32 to vector<16xi32>
        %select_n3A_1592 = arith.select %lt3A_1586, %add3A_1589, %broadcast_in_dim3A_1591 : vector<16xi1>, vector<16xi32>
        %swap3A_1593 = arith.index_cast %sub3A_1273 : i32 to index
        %swap3A_1594 = arith.constant 80 : index
        %swap3A_1595 = tpu.vector_load %arg6[%swap3A_1593, %swap3A_1594] {strides = array<i32>} : memref<50x128xi32, #tpu.memory_space<vmem>>, vector<1x16xi32>,
        %swap3A_1596 = vector.shape_cast %swap3A_1595 : vector<1x16xi32> to vector<16xi32>
        %swap3A_1597 = vector.shape_cast %select_n3A_1592 : vector<16xi32> to vector<1x16xi32>
        tpu.vector_store %arg6[%swap3A_1593, %swap3A_1594], %swap3A_1597 {strides = array<i32>} : memref<50x128xi32, #tpu.memory_space<vmem>>, vector<1x16xi32>,
        %mul3A_1598 = arith.constant 128 : i32
        %mul3A_1599 = arith.muli %sub3A_1273, %mul3A_1598 : i32
        %add3A_1600 = arith.constant 96 : i32
        %add3A_1601 = arith.addi %mul3A_1599, %add3A_1600 : i32
        %get3A_1602 = arith.index_cast %sub3A_1273 : i32 to index
        %get3A_1603 = arith.constant 96 : index
        %get3A_1604 = tpu.vector_load %arg6[%get3A_1602, %get3A_1603] {strides = array<i32>} : memref<50x128xi32, #tpu.memory_space<vmem>>, vector<1x16xi32>,
        %get3A_1605 = vector.shape_cast %get3A_1604 : vector<1x16xi32> to vector<16xi32>
        %add3A_1606 = vector.broadcast %add3A_1601 : i32 to vector<16xi32>
        %add3A_1607 = arith.addi %add3A_1606, %iota3A : vector<16xi32>
        %rem3A_1608 = arith.constant 200 : i32
        %rem3A_1609 = vector.broadcast %rem3A_1608 : i32 to vector<16xi32>
        %rem3A_1610 = arith.remsi %add3A_1607, %rem3A_1609 : vector<16xi32>
        %lt3A_1611 = arith.cmpi slt, %rem3A_1610, %get3A_4 : vector<16xi32>
        %add3A_1612 = arith.constant 1 : i32
        %add3A_1613 = vector.broadcast %add3A_1612 : i32 to vector<16xi32>
        %add3A_1614 = arith.addi %get3A_1605, %add3A_1613 : vector<16xi32>
        %jit3A_1615 = arith.constant 0 : i32
        %broadcast_in_dim3A_1616 = vector.broadcast %jit3A_1615 : i32 to vector<16xi32>
        %select_n3A_1617 = arith.select %lt3A_1611, %add3A_1614, %broadcast_in_dim3A_1616 : vector<16xi1>, vector<16xi32>
        %swap3A_1618 = arith.index_cast %sub3A_1273 : i32 to index
        %swap3A_1619 = arith.constant 96 : index
        %swap3A_1620 = tpu.vector_load %arg6[%swap3A_1618, %swap3A_1619] {strides = array<i32>} : memref<50x128xi32, #tpu.memory_space<vmem>>, vector<1x16xi32>,
        %swap3A_1621 = vector.shape_cast %swap3A_1620 : vector<1x16xi32> to vector<16xi32>
        %swap3A_1622 = vector.shape_cast %select_n3A_1617 : vector<16xi32> to vector<1x16xi32>
        tpu.vector_store %arg6[%swap3A_1618, %swap3A_1619], %swap3A_1622 {strides = array<i32>} : memref<50x128xi32, #tpu.memory_space<vmem>>, vector<1x16xi32>,
        %mul3A_1623 = arith.constant 128 : i32
        %mul3A_1624 = arith.muli %sub3A_1273, %mul3A_1623 : i32
        %add3A_1625 = arith.constant 112 : i32
        %add3A_1626 = arith.addi %mul3A_1624, %add3A_1625 : i32
        %get3A_1627 = arith.index_cast %sub3A_1273 : i32 to index
        %get3A_1628 = arith.constant 112 : index
        %get3A_1629 = tpu.vector_load %arg6[%get3A_1627, %get3A_1628] {strides = array<i32>} : memref<50x128xi32, #tpu.memory_space<vmem>>, vector<1x16xi32>,
        %get3A_1630 = vector.shape_cast %get3A_1629 : vector<1x16xi32> to vector<16xi32>
        %add3A_1631 = vector.broadcast %add3A_1626 : i32 to vector<16xi32>
        %add3A_1632 = arith.addi %add3A_1631, %iota3A : vector<16xi32>
        %rem3A_1633 = arith.constant 200 : i32
        %rem3A_1634 = vector.broadcast %rem3A_1633 : i32 to vector<16xi32>
        %rem3A_1635 = arith.remsi %add3A_1632, %rem3A_1634 : vector<16xi32>
        %lt3A_1636 = arith.cmpi slt, %rem3A_1635, %get3A_4 : vector<16xi32>
        %add3A_1637 = arith.constant 1 : i32
        %add3A_1638 = vector.broadcast %add3A_1637 : i32 to vector<16xi32>
        %add3A_1639 = arith.addi %get3A_1630, %add3A_1638 : vector<16xi32>
        %jit3A_1640 = arith.constant 0 : i32
        %broadcast_in_dim3A_1641 = vector.broadcast %jit3A_1640 : i32 to vector<16xi32>
        %select_n3A_1642 = arith.select %lt3A_1636, %add3A_1639, %broadcast_in_dim3A_1641 : vector<16xi1>, vector<16xi32>
        %swap3A_1643 = arith.index_cast %sub3A_1273 : i32 to index
        %swap3A_1644 = arith.constant 112 : index
        %swap3A_1645 = tpu.vector_load %arg6[%swap3A_1643, %swap3A_1644] {strides = array<i32>} : memref<50x128xi32, #tpu.memory_space<vmem>>, vector<1x16xi32>,
        %swap3A_1646 = vector.shape_cast %swap3A_1645 : vector<1x16xi32> to vector<16xi32>
        %swap3A_1647 = vector.shape_cast %select_n3A_1642 : vector<16xi32> to vector<1x16xi32>
        tpu.vector_store %arg6[%swap3A_1643, %swap3A_1644], %swap3A_1647 {strides = array<i32>} : memref<50x128xi32, #tpu.memory_space<vmem>>, vector<1x16xi32>,
      } else {
      }
      %dma_wait3A_1279 = arith.constant 0 : i32
      %dma_wait3A_1280 = arith.constant 0 : i32
      %dma_wait3A_1281 = tpu.memref_slice %arg6[%dma_wait3A_1279, %dma_wait3A_1280] : memref<50x128xi32, #tpu.memory_space<vmem>> -> memref<1x128xi32, #tpu.memory_space<vmem>>
      %dma_wait3A_1282 = tpu.memref_squeeze %dma_wait3A_1281 : memref<1x128xi32, #tpu.memory_space<vmem>> -> memref<128xi32, #tpu.memory_space<vmem>>
      %dma_wait3A_1283 = arith.constant 0 : i32
      %dma_wait3A_1284 = arith.constant 0 : i32
      %dma_wait3A_1285 = tpu.memref_slice %arg2[%dma_wait3A_1283, %dma_wait3A_1284] : memref<100001x128xf32, #tpu.memory_space<hbm>> -> memref<100001x128xf32, #tpu.memory_space<hbm>>
      tpu.wait_indirect_dma semaphore(%arg16 : memref<!tpu.dma_semaphore, #tpu.memory_space<semaphore_mem>>) src(%dma_wait3A_1285 : memref<100001x128xf32, #tpu.memory_space<hbm>>) dst(%arg9 : memref<128x128xf32, #tpu.memory_space<vmem>>)
      %mul3A_1286 = arith.constant 128 : i32
      %mul3A_1287 = arith.muli %add3A_1269, %mul3A_1286 : i32
      %add3A_1288 = arith.addi %mul3A_2, %mul3A_1287 : i32
      %dma_start3A_1289 = arith.constant 0 : i32
      %dma_start3A_1290 = tpu.memref_slice %arg5[%add3A_1288, %dma_start3A_1289] : memref<204800x128xf32, #tpu.memory_space<hbm>> -> memref<128x128xf32, #tpu.memory_space<hbm>>
      %dma_start3A_1291 = arith.constant 0 : i32
      %dma_start3A_1292 = tpu.memref_slice %arg5[%add3A_1288, %dma_start3A_1291] : memref<204800x128xf32, #tpu.memory_space<hbm>> -> memref<128x128xf32, #tpu.memory_space<hbm>>
      tpu.enqueue_dma source(%arg9 : memref<128x128xf32, #tpu.memory_space<vmem>>) target(%dma_start3A_1292 : memref<128x128xf32, #tpu.memory_space<hbm>>) target_semaphore(%arg23 : memref<!tpu.dma_semaphore, #tpu.memory_space<semaphore_mem>>)
      %lt3A_1293 = arith.constant 50 : i32
      %lt3A_1294 = arith.cmpi slt, %sub3A_1273, %lt3A_1293 : i32
      %convert_element_type3A_1295 = arith.extui %lt3A_1294 : i1 to i32
      %cond3A_1296 = arith.constant 0 : i32
      %cond3A_1297 = arith.cmpi ne, %convert_element_type3A_1295, %cond3A_1296 : i32
      scf.if %cond3A_1297 {
        %ge3A = arith.constant 1 : i32
        %ge3A_1448 = arith.cmpi sge, %add3A_1269, %ge3A : i32
        %convert_element_type3A_1449 = arith.extui %ge3A_1448 : i1 to i32
        %cond3A_1450 = arith.constant 0 : i32
        %cond3A_1451 = arith.cmpi ne, %convert_element_type3A_1449, %cond3A_1450 : i32
        scf.if %cond3A_1451 {
          %dma_wait3A_1458 = arith.constant 0 : i32
          %dma_wait3A_1459 = tpu.memref_slice %arg5[%mul3A_2, %dma_wait3A_1458] : memref<204800x128xf32, #tpu.memory_space<hbm>> -> memref<128x128xf32, #tpu.memory_space<hbm>>
          %dma_wait3A_1460 = arith.constant 0 : i32
          %dma_wait3A_1461 = tpu.memref_slice %arg5[%mul3A_2, %dma_wait3A_1460] : memref<204800x128xf32, #tpu.memory_space<hbm>> -> memref<128x128xf32, #tpu.memory_space<hbm>>
          tpu.wait_dma2 semaphore(%arg22 : memref<!tpu.dma_semaphore, #tpu.memory_space<semaphore_mem>>) src(%arg8 : memref<128x128xf32, #tpu.memory_space<vmem>>) dst(%dma_wait3A_1461 : memref<128x128xf32, #tpu.memory_space<hbm>>)
        } else {
        }
        %dma_start3A_1452 = arith.constant 0 : i32
        %dma_start3A_1453 = tpu.memref_slice %arg6[%sub3A_1273, %dma_start3A_1452] : memref<50x128xi32, #tpu.memory_space<vmem>> -> memref<1x128xi32, #tpu.memory_space<vmem>>
        %dma_start3A_1454 = tpu.memref_squeeze %dma_start3A_1453 : memref<1x128xi32, #tpu.memory_space<vmem>> -> memref<128xi32, #tpu.memory_space<vmem>>
        %dma_start3A_1455 = arith.constant 0 : i32
        %dma_start3A_1456 = arith.constant 0 : i32
        %dma_start3A_1457 = tpu.memref_slice %arg2[%dma_start3A_1455, %dma_start3A_1456] : memref<100001x128xf32, #tpu.memory_space<hbm>> -> memref<100001x128xf32, #tpu.memory_space<hbm>>
        tpu.enqueue_indirect_dma source(%dma_start3A_1457 : memref<100001x128xf32, #tpu.memory_space<hbm>>) target(%arg8 : memref<128x128xf32, #tpu.memory_space<vmem>>) offsets(%dma_start3A_1454 : memref<128xi32, #tpu.memory_space<vmem>>) semaphore(%arg15 : memref<!tpu.dma_semaphore, #tpu.memory_space<semaphore_mem>>)
      } else {
      }
      %add3A_1298 = arith.constant 2 : i32
      %add3A_1299 = arith.addi %add3A_1240, %add3A_1298 : i32
      %add3A_1300 = arith.constant 7 : i32
      %add3A_1301 = arith.addi %add3A_1299, %add3A_1300 : i32
      %sub3A_1302 = arith.constant 1 : i32
      %sub3A_1303 = arith.subi %add3A_1301, %sub3A_1302 : i32
      %lt3A_1304 = arith.constant 50 : i32
      %lt3A_1305 = arith.cmpi slt, %sub3A_1303, %lt3A_1304 : i32
      %convert_element_type3A_1306 = arith.extui %lt3A_1305 : i1 to i32
      %cond3A_1307 = arith.constant 0 : i32
      %cond3A_1308 = arith.cmpi ne, %convert_element_type3A_1306, %cond3A_1307 : i32
      scf.if %cond3A_1308 {
        %mul3A_1448 = arith.constant 128 : i32
        %mul3A_1449 = arith.muli %sub3A_1303, %mul3A_1448 : i32
        %add3A_1450 = arith.constant 0 : i32
        %add3A_1451 = arith.addi %mul3A_1449, %add3A_1450 : i32
        %get3A_1452 = arith.index_cast %sub3A_1303 : i32 to index
        %get3A_1453 = arith.constant 0 : index
        %get3A_1454 = tpu.vector_load %arg6[%get3A_1452, %get3A_1453] {strides = array<i32>} : memref<50x128xi32, #tpu.memory_space<vmem>>, vector<1x16xi32>,
        %get3A_1455 = vector.shape_cast %get3A_1454 : vector<1x16xi32> to vector<16xi32>
        %add3A_1456 = vector.broadcast %add3A_1451 : i32 to vector<16xi32>
        %add3A_1457 = arith.addi %add3A_1456, %iota3A : vector<16xi32>
        %rem3A_1458 = arith.constant 200 : i32
        %rem3A_1459 = vector.broadcast %rem3A_1458 : i32 to vector<16xi32>
        %rem3A_1460 = arith.remsi %add3A_1457, %rem3A_1459 : vector<16xi32>
        %lt3A_1461 = arith.cmpi slt, %rem3A_1460, %get3A_4 : vector<16xi32>
        %add3A_1462 = arith.constant 1 : i32
        %add3A_1463 = vector.broadcast %add3A_1462 : i32 to vector<16xi32>
        %add3A_1464 = arith.addi %get3A_1455, %add3A_1463 : vector<16xi32>
        %jit3A_1465 = arith.constant 0 : i32
        %broadcast_in_dim3A_1466 = vector.broadcast %jit3A_1465 : i32 to vector<16xi32>
        %select_n3A_1467 = arith.select %lt3A_1461, %add3A_1464, %broadcast_in_dim3A_1466 : vector<16xi1>, vector<16xi32>
        %swap3A_1468 = arith.index_cast %sub3A_1303 : i32 to index
        %swap3A_1469 = arith.constant 0 : index
        %swap3A_1470 = tpu.vector_load %arg6[%swap3A_1468, %swap3A_1469] {strides = array<i32>} : memref<50x128xi32, #tpu.memory_space<vmem>>, vector<1x16xi32>,
        %swap3A_1471 = vector.shape_cast %swap3A_1470 : vector<1x16xi32> to vector<16xi32>
        %swap3A_1472 = vector.shape_cast %select_n3A_1467 : vector<16xi32> to vector<1x16xi32>
        tpu.vector_store %arg6[%swap3A_1468, %swap3A_1469], %swap3A_1472 {strides = array<i32>} : memref<50x128xi32, #tpu.memory_space<vmem>>, vector<1x16xi32>,
        %mul3A_1473 = arith.constant 128 : i32
        %mul3A_1474 = arith.muli %sub3A_1303, %mul3A_1473 : i32
        %add3A_1475 = arith.constant 16 : i32
        %add3A_1476 = arith.addi %mul3A_1474, %add3A_1475 : i32
        %get3A_1477 = arith.index_cast %sub3A_1303 : i32 to index
        %get3A_1478 = arith.constant 16 : index
        %get3A_1479 = tpu.vector_load %arg6[%get3A_1477, %get3A_1478] {strides = array<i32>} : memref<50x128xi32, #tpu.memory_space<vmem>>, vector<1x16xi32>,
        %get3A_1480 = vector.shape_cast %get3A_1479 : vector<1x16xi32> to vector<16xi32>
        %add3A_1481 = vector.broadcast %add3A_1476 : i32 to vector<16xi32>
        %add3A_1482 = arith.addi %add3A_1481, %iota3A : vector<16xi32>
        %rem3A_1483 = arith.constant 200 : i32
        %rem3A_1484 = vector.broadcast %rem3A_1483 : i32 to vector<16xi32>
        %rem3A_1485 = arith.remsi %add3A_1482, %rem3A_1484 : vector<16xi32>
        %lt3A_1486 = arith.cmpi slt, %rem3A_1485, %get3A_4 : vector<16xi32>
        %add3A_1487 = arith.constant 1 : i32
        %add3A_1488 = vector.broadcast %add3A_1487 : i32 to vector<16xi32>
        %add3A_1489 = arith.addi %get3A_1480, %add3A_1488 : vector<16xi32>
        %jit3A_1490 = arith.constant 0 : i32
        %broadcast_in_dim3A_1491 = vector.broadcast %jit3A_1490 : i32 to vector<16xi32>
        %select_n3A_1492 = arith.select %lt3A_1486, %add3A_1489, %broadcast_in_dim3A_1491 : vector<16xi1>, vector<16xi32>
        %swap3A_1493 = arith.index_cast %sub3A_1303 : i32 to index
        %swap3A_1494 = arith.constant 16 : index
        %swap3A_1495 = tpu.vector_load %arg6[%swap3A_1493, %swap3A_1494] {strides = array<i32>} : memref<50x128xi32, #tpu.memory_space<vmem>>, vector<1x16xi32>,
        %swap3A_1496 = vector.shape_cast %swap3A_1495 : vector<1x16xi32> to vector<16xi32>
        %swap3A_1497 = vector.shape_cast %select_n3A_1492 : vector<16xi32> to vector<1x16xi32>
        tpu.vector_store %arg6[%swap3A_1493, %swap3A_1494], %swap3A_1497 {strides = array<i32>} : memref<50x128xi32, #tpu.memory_space<vmem>>, vector<1x16xi32>,
        %mul3A_1498 = arith.constant 128 : i32
        %mul3A_1499 = arith.muli %sub3A_1303, %mul3A_1498 : i32
        %add3A_1500 = arith.constant 32 : i32
        %add3A_1501 = arith.addi %mul3A_1499, %add3A_1500 : i32
        %get3A_1502 = arith.index_cast %sub3A_1303 : i32 to index
        %get3A_1503 = arith.constant 32 : index
        %get3A_1504 = tpu.vector_load %arg6[%get3A_1502, %get3A_1503] {strides = array<i32>} : memref<50x128xi32, #tpu.memory_space<vmem>>, vector<1x16xi32>,
        %get3A_1505 = vector.shape_cast %get3A_1504 : vector<1x16xi32> to vector<16xi32>
        %add3A_1506 = vector.broadcast %add3A_1501 : i32 to vector<16xi32>
        %add3A_1507 = arith.addi %add3A_1506, %iota3A : vector<16xi32>
        %rem3A_1508 = arith.constant 200 : i32
        %rem3A_1509 = vector.broadcast %rem3A_1508 : i32 to vector<16xi32>
        %rem3A_1510 = arith.remsi %add3A_1507, %rem3A_1509 : vector<16xi32>
        %lt3A_1511 = arith.cmpi slt, %rem3A_1510, %get3A_4 : vector<16xi32>
        %add3A_1512 = arith.constant 1 : i32
        %add3A_1513 = vector.broadcast %add3A_1512 : i32 to vector<16xi32>
        %add3A_1514 = arith.addi %get3A_1505, %add3A_1513 : vector<16xi32>
        %jit3A_1515 = arith.constant 0 : i32
        %broadcast_in_dim3A_1516 = vector.broadcast %jit3A_1515 : i32 to vector<16xi32>
        %select_n3A_1517 = arith.select %lt3A_1511, %add3A_1514, %broadcast_in_dim3A_1516 : vector<16xi1>, vector<16xi32>
        %swap3A_1518 = arith.index_cast %sub3A_1303 : i32 to index
        %swap3A_1519 = arith.constant 32 : index
        %swap3A_1520 = tpu.vector_load %arg6[%swap3A_1518, %swap3A_1519] {strides = array<i32>} : memref<50x128xi32, #tpu.memory_space<vmem>>, vector<1x16xi32>,
        %swap3A_1521 = vector.shape_cast %swap3A_1520 : vector<1x16xi32> to vector<16xi32>
        %swap3A_1522 = vector.shape_cast %select_n3A_1517 : vector<16xi32> to vector<1x16xi32>
        tpu.vector_store %arg6[%swap3A_1518, %swap3A_1519], %swap3A_1522 {strides = array<i32>} : memref<50x128xi32, #tpu.memory_space<vmem>>, vector<1x16xi32>,
        %mul3A_1523 = arith.constant 128 : i32
        %mul3A_1524 = arith.muli %sub3A_1303, %mul3A_1523 : i32
        %add3A_1525 = arith.constant 48 : i32
        %add3A_1526 = arith.addi %mul3A_1524, %add3A_1525 : i32
        %get3A_1527 = arith.index_cast %sub3A_1303 : i32 to index
        %get3A_1528 = arith.constant 48 : index
        %get3A_1529 = tpu.vector_load %arg6[%get3A_1527, %get3A_1528] {strides = array<i32>} : memref<50x128xi32, #tpu.memory_space<vmem>>, vector<1x16xi32>,
        %get3A_1530 = vector.shape_cast %get3A_1529 : vector<1x16xi32> to vector<16xi32>
        %add3A_1531 = vector.broadcast %add3A_1526 : i32 to vector<16xi32>
        %add3A_1532 = arith.addi %add3A_1531, %iota3A : vector<16xi32>
        %rem3A_1533 = arith.constant 200 : i32
        %rem3A_1534 = vector.broadcast %rem3A_1533 : i32 to vector<16xi32>
        %rem3A_1535 = arith.remsi %add3A_1532, %rem3A_1534 : vector<16xi32>
        %lt3A_1536 = arith.cmpi slt, %rem3A_1535, %get3A_4 : vector<16xi32>
        %add3A_1537 = arith.constant 1 : i32
        %add3A_1538 = vector.broadcast %add3A_1537 : i32 to vector<16xi32>
        %add3A_1539 = arith.addi %get3A_1530, %add3A_1538 : vector<16xi32>
        %jit3A_1540 = arith.constant 0 : i32
        %broadcast_in_dim3A_1541 = vector.broadcast %jit3A_1540 : i32 to vector<16xi32>
        %select_n3A_1542 = arith.select %lt3A_1536, %add3A_1539, %broadcast_in_dim3A_1541 : vector<16xi1>, vector<16xi32>
        %swap3A_1543 = arith.index_cast %sub3A_1303 : i32 to index
        %swap3A_1544 = arith.constant 48 : index
        %swap3A_1545 = tpu.vector_load %arg6[%swap3A_1543, %swap3A_1544] {strides = array<i32>} : memref<50x128xi32, #tpu.memory_space<vmem>>, vector<1x16xi32>,
        %swap3A_1546 = vector.shape_cast %swap3A_1545 : vector<1x16xi32> to vector<16xi32>
        %swap3A_1547 = vector.shape_cast %select_n3A_1542 : vector<16xi32> to vector<1x16xi32>
        tpu.vector_store %arg6[%swap3A_1543, %swap3A_1544], %swap3A_1547 {strides = array<i32>} : memref<50x128xi32, #tpu.memory_space<vmem>>, vector<1x16xi32>,
        %mul3A_1548 = arith.constant 128 : i32
        %mul3A_1549 = arith.muli %sub3A_1303, %mul3A_1548 : i32
        %add3A_1550 = arith.constant 64 : i32
        %add3A_1551 = arith.addi %mul3A_1549, %add3A_1550 : i32
        %get3A_1552 = arith.index_cast %sub3A_1303 : i32 to index
        %get3A_1553 = arith.constant 64 : index
        %get3A_1554 = tpu.vector_load %arg6[%get3A_1552, %get3A_1553] {strides = array<i32>} : memref<50x128xi32, #tpu.memory_space<vmem>>, vector<1x16xi32>,
        %get3A_1555 = vector.shape_cast %get3A_1554 : vector<1x16xi32> to vector<16xi32>
        %add3A_1556 = vector.broadcast %add3A_1551 : i32 to vector<16xi32>
        %add3A_1557 = arith.addi %add3A_1556, %iota3A : vector<16xi32>
        %rem3A_1558 = arith.constant 200 : i32
        %rem3A_1559 = vector.broadcast %rem3A_1558 : i32 to vector<16xi32>
        %rem3A_1560 = arith.remsi %add3A_1557, %rem3A_1559 : vector<16xi32>
        %lt3A_1561 = arith.cmpi slt, %rem3A_1560, %get3A_4 : vector<16xi32>
        %add3A_1562 = arith.constant 1 : i32
        %add3A_1563 = vector.broadcast %add3A_1562 : i32 to vector<16xi32>
        %add3A_1564 = arith.addi %get3A_1555, %add3A_1563 : vector<16xi32>
        %jit3A_1565 = arith.constant 0 : i32
        %broadcast_in_dim3A_1566 = vector.broadcast %jit3A_1565 : i32 to vector<16xi32>
        %select_n3A_1567 = arith.select %lt3A_1561, %add3A_1564, %broadcast_in_dim3A_1566 : vector<16xi1>, vector<16xi32>
        %swap3A_1568 = arith.index_cast %sub3A_1303 : i32 to index
        %swap3A_1569 = arith.constant 64 : index
        %swap3A_1570 = tpu.vector_load %arg6[%swap3A_1568, %swap3A_1569] {strides = array<i32>} : memref<50x128xi32, #tpu.memory_space<vmem>>, vector<1x16xi32>,
        %swap3A_1571 = vector.shape_cast %swap3A_1570 : vector<1x16xi32> to vector<16xi32>
        %swap3A_1572 = vector.shape_cast %select_n3A_1567 : vector<16xi32> to vector<1x16xi32>
        tpu.vector_store %arg6[%swap3A_1568, %swap3A_1569], %swap3A_1572 {strides = array<i32>} : memref<50x128xi32, #tpu.memory_space<vmem>>, vector<1x16xi32>,
        %mul3A_1573 = arith.constant 128 : i32
        %mul3A_1574 = arith.muli %sub3A_1303, %mul3A_1573 : i32
        %add3A_1575 = arith.constant 80 : i32
        %add3A_1576 = arith.addi %mul3A_1574, %add3A_1575 : i32
        %get3A_1577 = arith.index_cast %sub3A_1303 : i32 to index
        %get3A_1578 = arith.constant 80 : index
        %get3A_1579 = tpu.vector_load %arg6[%get3A_1577, %get3A_1578] {strides = array<i32>} : memref<50x128xi32, #tpu.memory_space<vmem>>, vector<1x16xi32>,
        %get3A_1580 = vector.shape_cast %get3A_1579 : vector<1x16xi32> to vector<16xi32>
        %add3A_1581 = vector.broadcast %add3A_1576 : i32 to vector<16xi32>
        %add3A_1582 = arith.addi %add3A_1581, %iota3A : vector<16xi32>
        %rem3A_1583 = arith.constant 200 : i32
        %rem3A_1584 = vector.broadcast %rem3A_1583 : i32 to vector<16xi32>
        %rem3A_1585 = arith.remsi %add3A_1582, %rem3A_1584 : vector<16xi32>
        %lt3A_1586 = arith.cmpi slt, %rem3A_1585, %get3A_4 : vector<16xi32>
        %add3A_1587 = arith.constant 1 : i32
        %add3A_1588 = vector.broadcast %add3A_1587 : i32 to vector<16xi32>
        %add3A_1589 = arith.addi %get3A_1580, %add3A_1588 : vector<16xi32>
        %jit3A_1590 = arith.constant 0 : i32
        %broadcast_in_dim3A_1591 = vector.broadcast %jit3A_1590 : i32 to vector<16xi32>
        %select_n3A_1592 = arith.select %lt3A_1586, %add3A_1589, %broadcast_in_dim3A_1591 : vector<16xi1>, vector<16xi32>
        %swap3A_1593 = arith.index_cast %sub3A_1303 : i32 to index
        %swap3A_1594 = arith.constant 80 : index
        %swap3A_1595 = tpu.vector_load %arg6[%swap3A_1593, %swap3A_1594] {strides = array<i32>} : memref<50x128xi32, #tpu.memory_space<vmem>>, vector<1x16xi32>,
        %swap3A_1596 = vector.shape_cast %swap3A_1595 : vector<1x16xi32> to vector<16xi32>
        %swap3A_1597 = vector.shape_cast %select_n3A_1592 : vector<16xi32> to vector<1x16xi32>
        tpu.vector_store %arg6[%swap3A_1593, %swap3A_1594], %swap3A_1597 {strides = array<i32>} : memref<50x128xi32, #tpu.memory_space<vmem>>, vector<1x16xi32>,
        %mul3A_1598 = arith.constant 128 : i32
        %mul3A_1599 = arith.muli %sub3A_1303, %mul3A_1598 : i32
        %add3A_1600 = arith.constant 96 : i32
        %add3A_1601 = arith.addi %mul3A_1599, %add3A_1600 : i32
        %get3A_1602 = arith.index_cast %sub3A_1303 : i32 to index
        %get3A_1603 = arith.constant 96 : index
        %get3A_1604 = tpu.vector_load %arg6[%get3A_1602, %get3A_1603] {strides = array<i32>} : memref<50x128xi32, #tpu.memory_space<vmem>>, vector<1x16xi32>,
        %get3A_1605 = vector.shape_cast %get3A_1604 : vector<1x16xi32> to vector<16xi32>
        %add3A_1606 = vector.broadcast %add3A_1601 : i32 to vector<16xi32>
        %add3A_1607 = arith.addi %add3A_1606, %iota3A : vector<16xi32>
        %rem3A_1608 = arith.constant 200 : i32
        %rem3A_1609 = vector.broadcast %rem3A_1608 : i32 to vector<16xi32>
        %rem3A_1610 = arith.remsi %add3A_1607, %rem3A_1609 : vector<16xi32>
        %lt3A_1611 = arith.cmpi slt, %rem3A_1610, %get3A_4 : vector<16xi32>
        %add3A_1612 = arith.constant 1 : i32
        %add3A_1613 = vector.broadcast %add3A_1612 : i32 to vector<16xi32>
        %add3A_1614 = arith.addi %get3A_1605, %add3A_1613 : vector<16xi32>
        %jit3A_1615 = arith.constant 0 : i32
        %broadcast_in_dim3A_1616 = vector.broadcast %jit3A_1615 : i32 to vector<16xi32>
        %select_n3A_1617 = arith.select %lt3A_1611, %add3A_1614, %broadcast_in_dim3A_1616 : vector<16xi1>, vector<16xi32>
        %swap3A_1618 = arith.index_cast %sub3A_1303 : i32 to index
        %swap3A_1619 = arith.constant 96 : index
        %swap3A_1620 = tpu.vector_load %arg6[%swap3A_1618, %swap3A_1619] {strides = array<i32>} : memref<50x128xi32, #tpu.memory_space<vmem>>, vector<1x16xi32>,
        %swap3A_1621 = vector.shape_cast %swap3A_1620 : vector<1x16xi32> to vector<16xi32>
        %swap3A_1622 = vector.shape_cast %select_n3A_1617 : vector<16xi32> to vector<1x16xi32>
        tpu.vector_store %arg6[%swap3A_1618, %swap3A_1619], %swap3A_1622 {strides = array<i32>} : memref<50x128xi32, #tpu.memory_space<vmem>>, vector<1x16xi32>,
        %mul3A_1623 = arith.constant 128 : i32
        %mul3A_1624 = arith.muli %sub3A_1303, %mul3A_1623 : i32
        %add3A_1625 = arith.constant 112 : i32
        %add3A_1626 = arith.addi %mul3A_1624, %add3A_1625 : i32
        %get3A_1627 = arith.index_cast %sub3A_1303 : i32 to index
        %get3A_1628 = arith.constant 112 : index
        %get3A_1629 = tpu.vector_load %arg6[%get3A_1627, %get3A_1628] {strides = array<i32>} : memref<50x128xi32, #tpu.memory_space<vmem>>, vector<1x16xi32>,
        %get3A_1630 = vector.shape_cast %get3A_1629 : vector<1x16xi32> to vector<16xi32>
        %add3A_1631 = vector.broadcast %add3A_1626 : i32 to vector<16xi32>
        %add3A_1632 = arith.addi %add3A_1631, %iota3A : vector<16xi32>
        %rem3A_1633 = arith.constant 200 : i32
        %rem3A_1634 = vector.broadcast %rem3A_1633 : i32 to vector<16xi32>
        %rem3A_1635 = arith.remsi %add3A_1632, %rem3A_1634 : vector<16xi32>
        %lt3A_1636 = arith.cmpi slt, %rem3A_1635, %get3A_4 : vector<16xi32>
        %add3A_1637 = arith.constant 1 : i32
        %add3A_1638 = vector.broadcast %add3A_1637 : i32 to vector<16xi32>
        %add3A_1639 = arith.addi %get3A_1630, %add3A_1638 : vector<16xi32>
        %jit3A_1640 = arith.constant 0 : i32
        %broadcast_in_dim3A_1641 = vector.broadcast %jit3A_1640 : i32 to vector<16xi32>
        %select_n3A_1642 = arith.select %lt3A_1636, %add3A_1639, %broadcast_in_dim3A_1641 : vector<16xi1>, vector<16xi32>
        %swap3A_1643 = arith.index_cast %sub3A_1303 : i32 to index
        %swap3A_1644 = arith.constant 112 : index
        %swap3A_1645 = tpu.vector_load %arg6[%swap3A_1643, %swap3A_1644] {strides = array<i32>} : memref<50x128xi32, #tpu.memory_space<vmem>>, vector<1x16xi32>,
        %swap3A_1646 = vector.shape_cast %swap3A_1645 : vector<1x16xi32> to vector<16xi32>
        %swap3A_1647 = vector.shape_cast %select_n3A_1642 : vector<16xi32> to vector<1x16xi32>
        tpu.vector_store %arg6[%swap3A_1643, %swap3A_1644], %swap3A_1647 {strides = array<i32>} : memref<50x128xi32, #tpu.memory_space<vmem>>, vector<1x16xi32>,
      } else {
      }
      %dma_wait3A_1309 = arith.constant 0 : i32
      %dma_wait3A_1310 = arith.constant 0 : i32
      %dma_wait3A_1311 = tpu.memref_slice %arg6[%dma_wait3A_1309, %dma_wait3A_1310] : memref<50x128xi32, #tpu.memory_space<vmem>> -> memref<1x128xi32, #tpu.memory_space<vmem>>
      %dma_wait3A_1312 = tpu.memref_squeeze %dma_wait3A_1311 : memref<1x128xi32, #tpu.memory_space<vmem>> -> memref<128xi32, #tpu.memory_space<vmem>>
      %dma_wait3A_1313 = arith.constant 0 : i32
      %dma_wait3A_1314 = arith.constant 0 : i32
      %dma_wait3A_1315 = tpu.memref_slice %arg2[%dma_wait3A_1313, %dma_wait3A_1314] : memref<100001x128xf32, #tpu.memory_space<hbm>> -> memref<100001x128xf32, #tpu.memory_space<hbm>>
      tpu.wait_indirect_dma semaphore(%arg17 : memref<!tpu.dma_semaphore, #tpu.memory_space<semaphore_mem>>) src(%dma_wait3A_1315 : memref<100001x128xf32, #tpu.memory_space<hbm>>) dst(%arg10 : memref<128x128xf32, #tpu.memory_space<vmem>>)
      %mul3A_1316 = arith.constant 128 : i32
      %mul3A_1317 = arith.muli %add3A_1299, %mul3A_1316 : i32
      %add3A_1318 = arith.addi %mul3A_2, %mul3A_1317 : i32
      %dma_start3A_1319 = arith.constant 0 : i32
      %dma_start3A_1320 = tpu.memref_slice %arg5[%add3A_1318, %dma_start3A_1319] : memref<204800x128xf32, #tpu.memory_space<hbm>> -> memref<128x128xf32, #tpu.memory_space<hbm>>
      %dma_start3A_1321 = arith.constant 0 : i32
      %dma_start3A_1322 = tpu.memref_slice %arg5[%add3A_1318, %dma_start3A_1321] : memref<204800x128xf32, #tpu.memory_space<hbm>> -> memref<128x128xf32, #tpu.memory_space<hbm>>
      tpu.enqueue_dma source(%arg10 : memref<128x128xf32, #tpu.memory_space<vmem>>) target(%dma_start3A_1322 : memref<128x128xf32, #tpu.memory_space<hbm>>) target_semaphore(%arg24 : memref<!tpu.dma_semaphore, #tpu.memory_space<semaphore_mem>>)
      %lt3A_1323 = arith.constant 50 : i32
      %lt3A_1324 = arith.cmpi slt, %sub3A_1303, %lt3A_1323 : i32
      %convert_element_type3A_1325 = arith.extui %lt3A_1324 : i1 to i32
      %cond3A_1326 = arith.constant 0 : i32
      %cond3A_1327 = arith.cmpi ne, %convert_element_type3A_1325, %cond3A_1326 : i32
      scf.if %cond3A_1327 {
        %ge3A = arith.constant 1 : i32
        %ge3A_1448 = arith.cmpi sge, %add3A_1299, %ge3A : i32
        %convert_element_type3A_1449 = arith.extui %ge3A_1448 : i1 to i32
        %cond3A_1450 = arith.constant 0 : i32
        %cond3A_1451 = arith.cmpi ne, %convert_element_type3A_1449, %cond3A_1450 : i32
        scf.if %cond3A_1451 {
          %dma_wait3A_1458 = arith.constant 0 : i32
          %dma_wait3A_1459 = tpu.memref_slice %arg5[%mul3A_2, %dma_wait3A_1458] : memref<204800x128xf32, #tpu.memory_space<hbm>> -> memref<128x128xf32, #tpu.memory_space<hbm>>
          %dma_wait3A_1460 = arith.constant 0 : i32
          %dma_wait3A_1461 = tpu.memref_slice %arg5[%mul3A_2, %dma_wait3A_1460] : memref<204800x128xf32, #tpu.memory_space<hbm>> -> memref<128x128xf32, #tpu.memory_space<hbm>>
          tpu.wait_dma2 semaphore(%arg23 : memref<!tpu.dma_semaphore, #tpu.memory_space<semaphore_mem>>) src(%arg9 : memref<128x128xf32, #tpu.memory_space<vmem>>) dst(%dma_wait3A_1461 : memref<128x128xf32, #tpu.memory_space<hbm>>)
        } else {
        }
        %dma_start3A_1452 = arith.constant 0 : i32
        %dma_start3A_1453 = tpu.memref_slice %arg6[%sub3A_1303, %dma_start3A_1452] : memref<50x128xi32, #tpu.memory_space<vmem>> -> memref<1x128xi32, #tpu.memory_space<vmem>>
        %dma_start3A_1454 = tpu.memref_squeeze %dma_start3A_1453 : memref<1x128xi32, #tpu.memory_space<vmem>> -> memref<128xi32, #tpu.memory_space<vmem>>
        %dma_start3A_1455 = arith.constant 0 : i32
        %dma_start3A_1456 = arith.constant 0 : i32
        %dma_start3A_1457 = tpu.memref_slice %arg2[%dma_start3A_1455, %dma_start3A_1456] : memref<100001x128xf32, #tpu.memory_space<hbm>> -> memref<100001x128xf32, #tpu.memory_space<hbm>>
        tpu.enqueue_indirect_dma source(%dma_start3A_1457 : memref<100001x128xf32, #tpu.memory_space<hbm>>) target(%arg9 : memref<128x128xf32, #tpu.memory_space<vmem>>) offsets(%dma_start3A_1454 : memref<128xi32, #tpu.memory_space<vmem>>) semaphore(%arg16 : memref<!tpu.dma_semaphore, #tpu.memory_space<semaphore_mem>>)
      } else {
      }
      %add3A_1328 = arith.constant 3 : i32
      %add3A_1329 = arith.addi %add3A_1240, %add3A_1328 : i32
      %add3A_1330 = arith.constant 7 : i32
      %add3A_1331 = arith.addi %add3A_1329, %add3A_1330 : i32
      %sub3A_1332 = arith.constant 1 : i32
      %sub3A_1333 = arith.subi %add3A_1331, %sub3A_1332 : i32
      %lt3A_1334 = arith.constant 50 : i32
      %lt3A_1335 = arith.cmpi slt, %sub3A_1333, %lt3A_1334 : i32
      %convert_element_type3A_1336 = arith.extui %lt3A_1335 : i1 to i32
      %cond3A_1337 = arith.constant 0 : i32
      %cond3A_1338 = arith.cmpi ne, %convert_element_type3A_1336, %cond3A_1337 : i32
      scf.if %cond3A_1338 {
        %mul3A_1448 = arith.constant 128 : i32
        %mul3A_1449 = arith.muli %sub3A_1333, %mul3A_1448 : i32
        %add3A_1450 = arith.constant 0 : i32
        %add3A_1451 = arith.addi %mul3A_1449, %add3A_1450 : i32
        %get3A_1452 = arith.index_cast %sub3A_1333 : i32 to index
        %get3A_1453 = arith.constant 0 : index
        %get3A_1454 = tpu.vector_load %arg6[%get3A_1452, %get3A_1453] {strides = array<i32>} : memref<50x128xi32, #tpu.memory_space<vmem>>, vector<1x16xi32>,
        %get3A_1455 = vector.shape_cast %get3A_1454 : vector<1x16xi32> to vector<16xi32>
        %add3A_1456 = vector.broadcast %add3A_1451 : i32 to vector<16xi32>
        %add3A_1457 = arith.addi %add3A_1456, %iota3A : vector<16xi32>
        %rem3A_1458 = arith.constant 200 : i32
        %rem3A_1459 = vector.broadcast %rem3A_1458 : i32 to vector<16xi32>
        %rem3A_1460 = arith.remsi %add3A_1457, %rem3A_1459 : vector<16xi32>
        %lt3A_1461 = arith.cmpi slt, %rem3A_1460, %get3A_4 : vector<16xi32>
        %add3A_1462 = arith.constant 1 : i32
        %add3A_1463 = vector.broadcast %add3A_1462 : i32 to vector<16xi32>
        %add3A_1464 = arith.addi %get3A_1455, %add3A_1463 : vector<16xi32>
        %jit3A_1465 = arith.constant 0 : i32
        %broadcast_in_dim3A_1466 = vector.broadcast %jit3A_1465 : i32 to vector<16xi32>
        %select_n3A_1467 = arith.select %lt3A_1461, %add3A_1464, %broadcast_in_dim3A_1466 : vector<16xi1>, vector<16xi32>
        %swap3A_1468 = arith.index_cast %sub3A_1333 : i32 to index
        %swap3A_1469 = arith.constant 0 : index
        %swap3A_1470 = tpu.vector_load %arg6[%swap3A_1468, %swap3A_1469] {strides = array<i32>} : memref<50x128xi32, #tpu.memory_space<vmem>>, vector<1x16xi32>,
        %swap3A_1471 = vector.shape_cast %swap3A_1470 : vector<1x16xi32> to vector<16xi32>
        %swap3A_1472 = vector.shape_cast %select_n3A_1467 : vector<16xi32> to vector<1x16xi32>
        tpu.vector_store %arg6[%swap3A_1468, %swap3A_1469], %swap3A_1472 {strides = array<i32>} : memref<50x128xi32, #tpu.memory_space<vmem>>, vector<1x16xi32>,
        %mul3A_1473 = arith.constant 128 : i32
        %mul3A_1474 = arith.muli %sub3A_1333, %mul3A_1473 : i32
        %add3A_1475 = arith.constant 16 : i32
        %add3A_1476 = arith.addi %mul3A_1474, %add3A_1475 : i32
        %get3A_1477 = arith.index_cast %sub3A_1333 : i32 to index
        %get3A_1478 = arith.constant 16 : index
        %get3A_1479 = tpu.vector_load %arg6[%get3A_1477, %get3A_1478] {strides = array<i32>} : memref<50x128xi32, #tpu.memory_space<vmem>>, vector<1x16xi32>,
        %get3A_1480 = vector.shape_cast %get3A_1479 : vector<1x16xi32> to vector<16xi32>
        %add3A_1481 = vector.broadcast %add3A_1476 : i32 to vector<16xi32>
        %add3A_1482 = arith.addi %add3A_1481, %iota3A : vector<16xi32>
        %rem3A_1483 = arith.constant 200 : i32
        %rem3A_1484 = vector.broadcast %rem3A_1483 : i32 to vector<16xi32>
        %rem3A_1485 = arith.remsi %add3A_1482, %rem3A_1484 : vector<16xi32>
        %lt3A_1486 = arith.cmpi slt, %rem3A_1485, %get3A_4 : vector<16xi32>
        %add3A_1487 = arith.constant 1 : i32
        %add3A_1488 = vector.broadcast %add3A_1487 : i32 to vector<16xi32>
        %add3A_1489 = arith.addi %get3A_1480, %add3A_1488 : vector<16xi32>
        %jit3A_1490 = arith.constant 0 : i32
        %broadcast_in_dim3A_1491 = vector.broadcast %jit3A_1490 : i32 to vector<16xi32>
        %select_n3A_1492 = arith.select %lt3A_1486, %add3A_1489, %broadcast_in_dim3A_1491 : vector<16xi1>, vector<16xi32>
        %swap3A_1493 = arith.index_cast %sub3A_1333 : i32 to index
        %swap3A_1494 = arith.constant 16 : index
        %swap3A_1495 = tpu.vector_load %arg6[%swap3A_1493, %swap3A_1494] {strides = array<i32>} : memref<50x128xi32, #tpu.memory_space<vmem>>, vector<1x16xi32>,
        %swap3A_1496 = vector.shape_cast %swap3A_1495 : vector<1x16xi32> to vector<16xi32>
        %swap3A_1497 = vector.shape_cast %select_n3A_1492 : vector<16xi32> to vector<1x16xi32>
        tpu.vector_store %arg6[%swap3A_1493, %swap3A_1494], %swap3A_1497 {strides = array<i32>} : memref<50x128xi32, #tpu.memory_space<vmem>>, vector<1x16xi32>,
        %mul3A_1498 = arith.constant 128 : i32
        %mul3A_1499 = arith.muli %sub3A_1333, %mul3A_1498 : i32
        %add3A_1500 = arith.constant 32 : i32
        %add3A_1501 = arith.addi %mul3A_1499, %add3A_1500 : i32
        %get3A_1502 = arith.index_cast %sub3A_1333 : i32 to index
        %get3A_1503 = arith.constant 32 : index
        %get3A_1504 = tpu.vector_load %arg6[%get3A_1502, %get3A_1503] {strides = array<i32>} : memref<50x128xi32, #tpu.memory_space<vmem>>, vector<1x16xi32>,
        %get3A_1505 = vector.shape_cast %get3A_1504 : vector<1x16xi32> to vector<16xi32>
        %add3A_1506 = vector.broadcast %add3A_1501 : i32 to vector<16xi32>
        %add3A_1507 = arith.addi %add3A_1506, %iota3A : vector<16xi32>
        %rem3A_1508 = arith.constant 200 : i32
        %rem3A_1509 = vector.broadcast %rem3A_1508 : i32 to vector<16xi32>
        %rem3A_1510 = arith.remsi %add3A_1507, %rem3A_1509 : vector<16xi32>
        %lt3A_1511 = arith.cmpi slt, %rem3A_1510, %get3A_4 : vector<16xi32>
        %add3A_1512 = arith.constant 1 : i32
        %add3A_1513 = vector.broadcast %add3A_1512 : i32 to vector<16xi32>
        %add3A_1514 = arith.addi %get3A_1505, %add3A_1513 : vector<16xi32>
        %jit3A_1515 = arith.constant 0 : i32
        %broadcast_in_dim3A_1516 = vector.broadcast %jit3A_1515 : i32 to vector<16xi32>
        %select_n3A_1517 = arith.select %lt3A_1511, %add3A_1514, %broadcast_in_dim3A_1516 : vector<16xi1>, vector<16xi32>
        %swap3A_1518 = arith.index_cast %sub3A_1333 : i32 to index
        %swap3A_1519 = arith.constant 32 : index
        %swap3A_1520 = tpu.vector_load %arg6[%swap3A_1518, %swap3A_1519] {strides = array<i32>} : memref<50x128xi32, #tpu.memory_space<vmem>>, vector<1x16xi32>,
        %swap3A_1521 = vector.shape_cast %swap3A_1520 : vector<1x16xi32> to vector<16xi32>
        %swap3A_1522 = vector.shape_cast %select_n3A_1517 : vector<16xi32> to vector<1x16xi32>
        tpu.vector_store %arg6[%swap3A_1518, %swap3A_1519], %swap3A_1522 {strides = array<i32>} : memref<50x128xi32, #tpu.memory_space<vmem>>, vector<1x16xi32>,
        %mul3A_1523 = arith.constant 128 : i32
        %mul3A_1524 = arith.muli %sub3A_1333, %mul3A_1523 : i32
        %add3A_1525 = arith.constant 48 : i32
        %add3A_1526 = arith.addi %mul3A_1524, %add3A_1525 : i32
        %get3A_1527 = arith.index_cast %sub3A_1333 : i32 to index
        %get3A_1528 = arith.constant 48 : index
        %get3A_1529 = tpu.vector_load %arg6[%get3A_1527, %get3A_1528] {strides = array<i32>} : memref<50x128xi32, #tpu.memory_space<vmem>>, vector<1x16xi32>,
        %get3A_1530 = vector.shape_cast %get3A_1529 : vector<1x16xi32> to vector<16xi32>
        %add3A_1531 = vector.broadcast %add3A_1526 : i32 to vector<16xi32>
        %add3A_1532 = arith.addi %add3A_1531, %iota3A : vector<16xi32>
        %rem3A_1533 = arith.constant 200 : i32
        %rem3A_1534 = vector.broadcast %rem3A_1533 : i32 to vector<16xi32>
        %rem3A_1535 = arith.remsi %add3A_1532, %rem3A_1534 : vector<16xi32>
        %lt3A_1536 = arith.cmpi slt, %rem3A_1535, %get3A_4 : vector<16xi32>
        %add3A_1537 = arith.constant 1 : i32
        %add3A_1538 = vector.broadcast %add3A_1537 : i32 to vector<16xi32>
        %add3A_1539 = arith.addi %get3A_1530, %add3A_1538 : vector<16xi32>
        %jit3A_1540 = arith.constant 0 : i32
        %broadcast_in_dim3A_1541 = vector.broadcast %jit3A_1540 : i32 to vector<16xi32>
        %select_n3A_1542 = arith.select %lt3A_1536, %add3A_1539, %broadcast_in_dim3A_1541 : vector<16xi1>, vector<16xi32>
        %swap3A_1543 = arith.index_cast %sub3A_1333 : i32 to index
        %swap3A_1544 = arith.constant 48 : index
        %swap3A_1545 = tpu.vector_load %arg6[%swap3A_1543, %swap3A_1544] {strides = array<i32>} : memref<50x128xi32, #tpu.memory_space<vmem>>, vector<1x16xi32>,
        %swap3A_1546 = vector.shape_cast %swap3A_1545 : vector<1x16xi32> to vector<16xi32>
        %swap3A_1547 = vector.shape_cast %select_n3A_1542 : vector<16xi32> to vector<1x16xi32>
        tpu.vector_store %arg6[%swap3A_1543, %swap3A_1544], %swap3A_1547 {strides = array<i32>} : memref<50x128xi32, #tpu.memory_space<vmem>>, vector<1x16xi32>,
        %mul3A_1548 = arith.constant 128 : i32
        %mul3A_1549 = arith.muli %sub3A_1333, %mul3A_1548 : i32
        %add3A_1550 = arith.constant 64 : i32
        %add3A_1551 = arith.addi %mul3A_1549, %add3A_1550 : i32
        %get3A_1552 = arith.index_cast %sub3A_1333 : i32 to index
        %get3A_1553 = arith.constant 64 : index
        %get3A_1554 = tpu.vector_load %arg6[%get3A_1552, %get3A_1553] {strides = array<i32>} : memref<50x128xi32, #tpu.memory_space<vmem>>, vector<1x16xi32>,
        %get3A_1555 = vector.shape_cast %get3A_1554 : vector<1x16xi32> to vector<16xi32>
        %add3A_1556 = vector.broadcast %add3A_1551 : i32 to vector<16xi32>
        %add3A_1557 = arith.addi %add3A_1556, %iota3A : vector<16xi32>
        %rem3A_1558 = arith.constant 200 : i32
        %rem3A_1559 = vector.broadcast %rem3A_1558 : i32 to vector<16xi32>
        %rem3A_1560 = arith.remsi %add3A_1557, %rem3A_1559 : vector<16xi32>
        %lt3A_1561 = arith.cmpi slt, %rem3A_1560, %get3A_4 : vector<16xi32>
        %add3A_1562 = arith.constant 1 : i32
        %add3A_1563 = vector.broadcast %add3A_1562 : i32 to vector<16xi32>
        %add3A_1564 = arith.addi %get3A_1555, %add3A_1563 : vector<16xi32>
        %jit3A_1565 = arith.constant 0 : i32
        %broadcast_in_dim3A_1566 = vector.broadcast %jit3A_1565 : i32 to vector<16xi32>
        %select_n3A_1567 = arith.select %lt3A_1561, %add3A_1564, %broadcast_in_dim3A_1566 : vector<16xi1>, vector<16xi32>
        %swap3A_1568 = arith.index_cast %sub3A_1333 : i32 to index
        %swap3A_1569 = arith.constant 64 : index
        %swap3A_1570 = tpu.vector_load %arg6[%swap3A_1568, %swap3A_1569] {strides = array<i32>} : memref<50x128xi32, #tpu.memory_space<vmem>>, vector<1x16xi32>,
        %swap3A_1571 = vector.shape_cast %swap3A_1570 : vector<1x16xi32> to vector<16xi32>
        %swap3A_1572 = vector.shape_cast %select_n3A_1567 : vector<16xi32> to vector<1x16xi32>
        tpu.vector_store %arg6[%swap3A_1568, %swap3A_1569], %swap3A_1572 {strides = array<i32>} : memref<50x128xi32, #tpu.memory_space<vmem>>, vector<1x16xi32>,
        %mul3A_1573 = arith.constant 128 : i32
        %mul3A_1574 = arith.muli %sub3A_1333, %mul3A_1573 : i32
        %add3A_1575 = arith.constant 80 : i32
        %add3A_1576 = arith.addi %mul3A_1574, %add3A_1575 : i32
        %get3A_1577 = arith.index_cast %sub3A_1333 : i32 to index
        %get3A_1578 = arith.constant 80 : index
        %get3A_1579 = tpu.vector_load %arg6[%get3A_1577, %get3A_1578] {strides = array<i32>} : memref<50x128xi32, #tpu.memory_space<vmem>>, vector<1x16xi32>,
        %get3A_1580 = vector.shape_cast %get3A_1579 : vector<1x16xi32> to vector<16xi32>
        %add3A_1581 = vector.broadcast %add3A_1576 : i32 to vector<16xi32>
        %add3A_1582 = arith.addi %add3A_1581, %iota3A : vector<16xi32>
        %rem3A_1583 = arith.constant 200 : i32
        %rem3A_1584 = vector.broadcast %rem3A_1583 : i32 to vector<16xi32>
        %rem3A_1585 = arith.remsi %add3A_1582, %rem3A_1584 : vector<16xi32>
        %lt3A_1586 = arith.cmpi slt, %rem3A_1585, %get3A_4 : vector<16xi32>
        %add3A_1587 = arith.constant 1 : i32
        %add3A_1588 = vector.broadcast %add3A_1587 : i32 to vector<16xi32>
        %add3A_1589 = arith.addi %get3A_1580, %add3A_1588 : vector<16xi32>
        %jit3A_1590 = arith.constant 0 : i32
        %broadcast_in_dim3A_1591 = vector.broadcast %jit3A_1590 : i32 to vector<16xi32>
        %select_n3A_1592 = arith.select %lt3A_1586, %add3A_1589, %broadcast_in_dim3A_1591 : vector<16xi1>, vector<16xi32>
        %swap3A_1593 = arith.index_cast %sub3A_1333 : i32 to index
        %swap3A_1594 = arith.constant 80 : index
        %swap3A_1595 = tpu.vector_load %arg6[%swap3A_1593, %swap3A_1594] {strides = array<i32>} : memref<50x128xi32, #tpu.memory_space<vmem>>, vector<1x16xi32>,
        %swap3A_1596 = vector.shape_cast %swap3A_1595 : vector<1x16xi32> to vector<16xi32>
        %swap3A_1597 = vector.shape_cast %select_n3A_1592 : vector<16xi32> to vector<1x16xi32>
        tpu.vector_store %arg6[%swap3A_1593, %swap3A_1594], %swap3A_1597 {strides = array<i32>} : memref<50x128xi32, #tpu.memory_space<vmem>>, vector<1x16xi32>,
        %mul3A_1598 = arith.constant 128 : i32
        %mul3A_1599 = arith.muli %sub3A_1333, %mul3A_1598 : i32
        %add3A_1600 = arith.constant 96 : i32
        %add3A_1601 = arith.addi %mul3A_1599, %add3A_1600 : i32
        %get3A_1602 = arith.index_cast %sub3A_1333 : i32 to index
        %get3A_1603 = arith.constant 96 : index
        %get3A_1604 = tpu.vector_load %arg6[%get3A_1602, %get3A_1603] {strides = array<i32>} : memref<50x128xi32, #tpu.memory_space<vmem>>, vector<1x16xi32>,
        %get3A_1605 = vector.shape_cast %get3A_1604 : vector<1x16xi32> to vector<16xi32>
        %add3A_1606 = vector.broadcast %add3A_1601 : i32 to vector<16xi32>
        %add3A_1607 = arith.addi %add3A_1606, %iota3A : vector<16xi32>
        %rem3A_1608 = arith.constant 200 : i32
        %rem3A_1609 = vector.broadcast %rem3A_1608 : i32 to vector<16xi32>
        %rem3A_1610 = arith.remsi %add3A_1607, %rem3A_1609 : vector<16xi32>
        %lt3A_1611 = arith.cmpi slt, %rem3A_1610, %get3A_4 : vector<16xi32>
        %add3A_1612 = arith.constant 1 : i32
        %add3A_1613 = vector.broadcast %add3A_1612 : i32 to vector<16xi32>
        %add3A_1614 = arith.addi %get3A_1605, %add3A_1613 : vector<16xi32>
        %jit3A_1615 = arith.constant 0 : i32
        %broadcast_in_dim3A_1616 = vector.broadcast %jit3A_1615 : i32 to vector<16xi32>
        %select_n3A_1617 = arith.select %lt3A_1611, %add3A_1614, %broadcast_in_dim3A_1616 : vector<16xi1>, vector<16xi32>
        %swap3A_1618 = arith.index_cast %sub3A_1333 : i32 to index
        %swap3A_1619 = arith.constant 96 : index
        %swap3A_1620 = tpu.vector_load %arg6[%swap3A_1618, %swap3A_1619] {strides = array<i32>} : memref<50x128xi32, #tpu.memory_space<vmem>>, vector<1x16xi32>,
        %swap3A_1621 = vector.shape_cast %swap3A_1620 : vector<1x16xi32> to vector<16xi32>
        %swap3A_1622 = vector.shape_cast %select_n3A_1617 : vector<16xi32> to vector<1x16xi32>
        tpu.vector_store %arg6[%swap3A_1618, %swap3A_1619], %swap3A_1622 {strides = array<i32>} : memref<50x128xi32, #tpu.memory_space<vmem>>, vector<1x16xi32>,
        %mul3A_1623 = arith.constant 128 : i32
        %mul3A_1624 = arith.muli %sub3A_1333, %mul3A_1623 : i32
        %add3A_1625 = arith.constant 112 : i32
        %add3A_1626 = arith.addi %mul3A_1624, %add3A_1625 : i32
        %get3A_1627 = arith.index_cast %sub3A_1333 : i32 to index
        %get3A_1628 = arith.constant 112 : index
        %get3A_1629 = tpu.vector_load %arg6[%get3A_1627, %get3A_1628] {strides = array<i32>} : memref<50x128xi32, #tpu.memory_space<vmem>>, vector<1x16xi32>,
        %get3A_1630 = vector.shape_cast %get3A_1629 : vector<1x16xi32> to vector<16xi32>
        %add3A_1631 = vector.broadcast %add3A_1626 : i32 to vector<16xi32>
        %add3A_1632 = arith.addi %add3A_1631, %iota3A : vector<16xi32>
        %rem3A_1633 = arith.constant 200 : i32
        %rem3A_1634 = vector.broadcast %rem3A_1633 : i32 to vector<16xi32>
        %rem3A_1635 = arith.remsi %add3A_1632, %rem3A_1634 : vector<16xi32>
        %lt3A_1636 = arith.cmpi slt, %rem3A_1635, %get3A_4 : vector<16xi32>
        %add3A_1637 = arith.constant 1 : i32
        %add3A_1638 = vector.broadcast %add3A_1637 : i32 to vector<16xi32>
        %add3A_1639 = arith.addi %get3A_1630, %add3A_1638 : vector<16xi32>
        %jit3A_1640 = arith.constant 0 : i32
        %broadcast_in_dim3A_1641 = vector.broadcast %jit3A_1640 : i32 to vector<16xi32>
        %select_n3A_1642 = arith.select %lt3A_1636, %add3A_1639, %broadcast_in_dim3A_1641 : vector<16xi1>, vector<16xi32>
        %swap3A_1643 = arith.index_cast %sub3A_1333 : i32 to index
        %swap3A_1644 = arith.constant 112 : index
        %swap3A_1645 = tpu.vector_load %arg6[%swap3A_1643, %swap3A_1644] {strides = array<i32>} : memref<50x128xi32, #tpu.memory_space<vmem>>, vector<1x16xi32>,
        %swap3A_1646 = vector.shape_cast %swap3A_1645 : vector<1x16xi32> to vector<16xi32>
        %swap3A_1647 = vector.shape_cast %select_n3A_1642 : vector<16xi32> to vector<1x16xi32>
        tpu.vector_store %arg6[%swap3A_1643, %swap3A_1644], %swap3A_1647 {strides = array<i32>} : memref<50x128xi32, #tpu.memory_space<vmem>>, vector<1x16xi32>,
      } else {
      }
      %dma_wait3A_1339 = arith.constant 0 : i32
      %dma_wait3A_1340 = arith.constant 0 : i32
      %dma_wait3A_1341 = tpu.memref_slice %arg6[%dma_wait3A_1339, %dma_wait3A_1340] : memref<50x128xi32, #tpu.memory_space<vmem>> -> memref<1x128xi32, #tpu.memory_space<vmem>>
      %dma_wait3A_1342 = tpu.memref_squeeze %dma_wait3A_1341 : memref<1x128xi32, #tpu.memory_space<vmem>> -> memref<128xi32, #tpu.memory_space<vmem>>
      %dma_wait3A_1343 = arith.constant 0 : i32
      %dma_wait3A_1344 = arith.constant 0 : i32
      %dma_wait3A_1345 = tpu.memref_slice %arg2[%dma_wait3A_1343, %dma_wait3A_1344] : memref<100001x128xf32, #tpu.memory_space<hbm>> -> memref<100001x128xf32, #tpu.memory_space<hbm>>
      tpu.wait_indirect_dma semaphore(%arg18 : memref<!tpu.dma_semaphore, #tpu.memory_space<semaphore_mem>>) src(%dma_wait3A_1345 : memref<100001x128xf32, #tpu.memory_space<hbm>>) dst(%arg11 : memref<128x128xf32, #tpu.memory_space<vmem>>)
      %mul3A_1346 = arith.constant 128 : i32
      %mul3A_1347 = arith.muli %add3A_1329, %mul3A_1346 : i32
      %add3A_1348 = arith.addi %mul3A_2, %mul3A_1347 : i32
      %dma_start3A_1349 = arith.constant 0 : i32
      %dma_start3A_1350 = tpu.memref_slice %arg5[%add3A_1348, %dma_start3A_1349] : memref<204800x128xf32, #tpu.memory_space<hbm>> -> memref<128x128xf32, #tpu.memory_space<hbm>>
      %dma_start3A_1351 = arith.constant 0 : i32
      %dma_start3A_1352 = tpu.memref_slice %arg5[%add3A_1348, %dma_start3A_1351] : memref<204800x128xf32, #tpu.memory_space<hbm>> -> memref<128x128xf32, #tpu.memory_space<hbm>>
      tpu.enqueue_dma source(%arg11 : memref<128x128xf32, #tpu.memory_space<vmem>>) target(%dma_start3A_1352 : memref<128x128xf32, #tpu.memory_space<hbm>>) target_semaphore(%arg25 : memref<!tpu.dma_semaphore, #tpu.memory_space<semaphore_mem>>)
      %lt3A_1353 = arith.constant 50 : i32
      %lt3A_1354 = arith.cmpi slt, %sub3A_1333, %lt3A_1353 : i32
      %convert_element_type3A_1355 = arith.extui %lt3A_1354 : i1 to i32
      %cond3A_1356 = arith.constant 0 : i32
      %cond3A_1357 = arith.cmpi ne, %convert_element_type3A_1355, %cond3A_1356 : i32
      scf.if %cond3A_1357 {
        %ge3A = arith.constant 1 : i32
        %ge3A_1448 = arith.cmpi sge, %add3A_1329, %ge3A : i32
        %convert_element_type3A_1449 = arith.extui %ge3A_1448 : i1 to i32
        %cond3A_1450 = arith.constant 0 : i32
        %cond3A_1451 = arith.cmpi ne, %convert_element_type3A_1449, %cond3A_1450 : i32
        scf.if %cond3A_1451 {
          %dma_wait3A_1458 = arith.constant 0 : i32
          %dma_wait3A_1459 = tpu.memref_slice %arg5[%mul3A_2, %dma_wait3A_1458] : memref<204800x128xf32, #tpu.memory_space<hbm>> -> memref<128x128xf32, #tpu.memory_space<hbm>>
          %dma_wait3A_1460 = arith.constant 0 : i32
          %dma_wait3A_1461 = tpu.memref_slice %arg5[%mul3A_2, %dma_wait3A_1460] : memref<204800x128xf32, #tpu.memory_space<hbm>> -> memref<128x128xf32, #tpu.memory_space<hbm>>
          tpu.wait_dma2 semaphore(%arg24 : memref<!tpu.dma_semaphore, #tpu.memory_space<semaphore_mem>>) src(%arg10 : memref<128x128xf32, #tpu.memory_space<vmem>>) dst(%dma_wait3A_1461 : memref<128x128xf32, #tpu.memory_space<hbm>>)
        } else {
        }
        %dma_start3A_1452 = arith.constant 0 : i32
        %dma_start3A_1453 = tpu.memref_slice %arg6[%sub3A_1333, %dma_start3A_1452] : memref<50x128xi32, #tpu.memory_space<vmem>> -> memref<1x128xi32, #tpu.memory_space<vmem>>
        %dma_start3A_1454 = tpu.memref_squeeze %dma_start3A_1453 : memref<1x128xi32, #tpu.memory_space<vmem>> -> memref<128xi32, #tpu.memory_space<vmem>>
        %dma_start3A_1455 = arith.constant 0 : i32
        %dma_start3A_1456 = arith.constant 0 : i32
        %dma_start3A_1457 = tpu.memref_slice %arg2[%dma_start3A_1455, %dma_start3A_1456] : memref<100001x128xf32, #tpu.memory_space<hbm>> -> memref<100001x128xf32, #tpu.memory_space<hbm>>
        tpu.enqueue_indirect_dma source(%dma_start3A_1457 : memref<100001x128xf32, #tpu.memory_space<hbm>>) target(%arg10 : memref<128x128xf32, #tpu.memory_space<vmem>>) offsets(%dma_start3A_1454 : memref<128xi32, #tpu.memory_space<vmem>>) semaphore(%arg17 : memref<!tpu.dma_semaphore, #tpu.memory_space<semaphore_mem>>)
      } else {
      }
      %add3A_1358 = arith.constant 4 : i32
      %add3A_1359 = arith.addi %add3A_1240, %add3A_1358 : i32
      %add3A_1360 = arith.constant 7 : i32
      %add3A_1361 = arith.addi %add3A_1359, %add3A_1360 : i32
      %sub3A_1362 = arith.constant 1 : i32
      %sub3A_1363 = arith.subi %add3A_1361, %sub3A_1362 : i32
      %lt3A_1364 = arith.constant 50 : i32
      %lt3A_1365 = arith.cmpi slt, %sub3A_1363, %lt3A_1364 : i32
      %convert_element_type3A_1366 = arith.extui %lt3A_1365 : i1 to i32
      %cond3A_1367 = arith.constant 0 : i32
      %cond3A_1368 = arith.cmpi ne, %convert_element_type3A_1366, %cond3A_1367 : i32
      scf.if %cond3A_1368 {
        %mul3A_1448 = arith.constant 128 : i32
        %mul3A_1449 = arith.muli %sub3A_1363, %mul3A_1448 : i32
        %add3A_1450 = arith.constant 0 : i32
        %add3A_1451 = arith.addi %mul3A_1449, %add3A_1450 : i32
        %get3A_1452 = arith.index_cast %sub3A_1363 : i32 to index
        %get3A_1453 = arith.constant 0 : index
        %get3A_1454 = tpu.vector_load %arg6[%get3A_1452, %get3A_1453] {strides = array<i32>} : memref<50x128xi32, #tpu.memory_space<vmem>>, vector<1x16xi32>,
        %get3A_1455 = vector.shape_cast %get3A_1454 : vector<1x16xi32> to vector<16xi32>
        %add3A_1456 = vector.broadcast %add3A_1451 : i32 to vector<16xi32>
        %add3A_1457 = arith.addi %add3A_1456, %iota3A : vector<16xi32>
        %rem3A_1458 = arith.constant 200 : i32
        %rem3A_1459 = vector.broadcast %rem3A_1458 : i32 to vector<16xi32>
        %rem3A_1460 = arith.remsi %add3A_1457, %rem3A_1459 : vector<16xi32>
        %lt3A_1461 = arith.cmpi slt, %rem3A_1460, %get3A_4 : vector<16xi32>
        %add3A_1462 = arith.constant 1 : i32
        %add3A_1463 = vector.broadcast %add3A_1462 : i32 to vector<16xi32>
        %add3A_1464 = arith.addi %get3A_1455, %add3A_1463 : vector<16xi32>
        %jit3A_1465 = arith.constant 0 : i32
        %broadcast_in_dim3A_1466 = vector.broadcast %jit3A_1465 : i32 to vector<16xi32>
        %select_n3A_1467 = arith.select %lt3A_1461, %add3A_1464, %broadcast_in_dim3A_1466 : vector<16xi1>, vector<16xi32>
        %swap3A_1468 = arith.index_cast %sub3A_1363 : i32 to index
        %swap3A_1469 = arith.constant 0 : index
        %swap3A_1470 = tpu.vector_load %arg6[%swap3A_1468, %swap3A_1469] {strides = array<i32>} : memref<50x128xi32, #tpu.memory_space<vmem>>, vector<1x16xi32>,
        %swap3A_1471 = vector.shape_cast %swap3A_1470 : vector<1x16xi32> to vector<16xi32>
        %swap3A_1472 = vector.shape_cast %select_n3A_1467 : vector<16xi32> to vector<1x16xi32>
        tpu.vector_store %arg6[%swap3A_1468, %swap3A_1469], %swap3A_1472 {strides = array<i32>} : memref<50x128xi32, #tpu.memory_space<vmem>>, vector<1x16xi32>,
        %mul3A_1473 = arith.constant 128 : i32
        %mul3A_1474 = arith.muli %sub3A_1363, %mul3A_1473 : i32
        %add3A_1475 = arith.constant 16 : i32
        %add3A_1476 = arith.addi %mul3A_1474, %add3A_1475 : i32
        %get3A_1477 = arith.index_cast %sub3A_1363 : i32 to index
        %get3A_1478 = arith.constant 16 : index
        %get3A_1479 = tpu.vector_load %arg6[%get3A_1477, %get3A_1478] {strides = array<i32>} : memref<50x128xi32, #tpu.memory_space<vmem>>, vector<1x16xi32>,
        %get3A_1480 = vector.shape_cast %get3A_1479 : vector<1x16xi32> to vector<16xi32>
        %add3A_1481 = vector.broadcast %add3A_1476 : i32 to vector<16xi32>
        %add3A_1482 = arith.addi %add3A_1481, %iota3A : vector<16xi32>
        %rem3A_1483 = arith.constant 200 : i32
        %rem3A_1484 = vector.broadcast %rem3A_1483 : i32 to vector<16xi32>
        %rem3A_1485 = arith.remsi %add3A_1482, %rem3A_1484 : vector<16xi32>
        %lt3A_1486 = arith.cmpi slt, %rem3A_1485, %get3A_4 : vector<16xi32>
        %add3A_1487 = arith.constant 1 : i32
        %add3A_1488 = vector.broadcast %add3A_1487 : i32 to vector<16xi32>
        %add3A_1489 = arith.addi %get3A_1480, %add3A_1488 : vector<16xi32>
        %jit3A_1490 = arith.constant 0 : i32
        %broadcast_in_dim3A_1491 = vector.broadcast %jit3A_1490 : i32 to vector<16xi32>
        %select_n3A_1492 = arith.select %lt3A_1486, %add3A_1489, %broadcast_in_dim3A_1491 : vector<16xi1>, vector<16xi32>
        %swap3A_1493 = arith.index_cast %sub3A_1363 : i32 to index
        %swap3A_1494 = arith.constant 16 : index
        %swap3A_1495 = tpu.vector_load %arg6[%swap3A_1493, %swap3A_1494] {strides = array<i32>} : memref<50x128xi32, #tpu.memory_space<vmem>>, vector<1x16xi32>,
        %swap3A_1496 = vector.shape_cast %swap3A_1495 : vector<1x16xi32> to vector<16xi32>
        %swap3A_1497 = vector.shape_cast %select_n3A_1492 : vector<16xi32> to vector<1x16xi32>
        tpu.vector_store %arg6[%swap3A_1493, %swap3A_1494], %swap3A_1497 {strides = array<i32>} : memref<50x128xi32, #tpu.memory_space<vmem>>, vector<1x16xi32>,
        %mul3A_1498 = arith.constant 128 : i32
        %mul3A_1499 = arith.muli %sub3A_1363, %mul3A_1498 : i32
        %add3A_1500 = arith.constant 32 : i32
        %add3A_1501 = arith.addi %mul3A_1499, %add3A_1500 : i32
        %get3A_1502 = arith.index_cast %sub3A_1363 : i32 to index
        %get3A_1503 = arith.constant 32 : index
        %get3A_1504 = tpu.vector_load %arg6[%get3A_1502, %get3A_1503] {strides = array<i32>} : memref<50x128xi32, #tpu.memory_space<vmem>>, vector<1x16xi32>,
        %get3A_1505 = vector.shape_cast %get3A_1504 : vector<1x16xi32> to vector<16xi32>
        %add3A_1506 = vector.broadcast %add3A_1501 : i32 to vector<16xi32>
        %add3A_1507 = arith.addi %add3A_1506, %iota3A : vector<16xi32>
        %rem3A_1508 = arith.constant 200 : i32
        %rem3A_1509 = vector.broadcast %rem3A_1508 : i32 to vector<16xi32>
        %rem3A_1510 = arith.remsi %add3A_1507, %rem3A_1509 : vector<16xi32>
        %lt3A_1511 = arith.cmpi slt, %rem3A_1510, %get3A_4 : vector<16xi32>
        %add3A_1512 = arith.constant 1 : i32
        %add3A_1513 = vector.broadcast %add3A_1512 : i32 to vector<16xi32>
        %add3A_1514 = arith.addi %get3A_1505, %add3A_1513 : vector<16xi32>
        %jit3A_1515 = arith.constant 0 : i32
        %broadcast_in_dim3A_1516 = vector.broadcast %jit3A_1515 : i32 to vector<16xi32>
        %select_n3A_1517 = arith.select %lt3A_1511, %add3A_1514, %broadcast_in_dim3A_1516 : vector<16xi1>, vector<16xi32>
        %swap3A_1518 = arith.index_cast %sub3A_1363 : i32 to index
        %swap3A_1519 = arith.constant 32 : index
        %swap3A_1520 = tpu.vector_load %arg6[%swap3A_1518, %swap3A_1519] {strides = array<i32>} : memref<50x128xi32, #tpu.memory_space<vmem>>, vector<1x16xi32>,
        %swap3A_1521 = vector.shape_cast %swap3A_1520 : vector<1x16xi32> to vector<16xi32>
        %swap3A_1522 = vector.shape_cast %select_n3A_1517 : vector<16xi32> to vector<1x16xi32>
        tpu.vector_store %arg6[%swap3A_1518, %swap3A_1519], %swap3A_1522 {strides = array<i32>} : memref<50x128xi32, #tpu.memory_space<vmem>>, vector<1x16xi32>,
        %mul3A_1523 = arith.constant 128 : i32
        %mul3A_1524 = arith.muli %sub3A_1363, %mul3A_1523 : i32
        %add3A_1525 = arith.constant 48 : i32
        %add3A_1526 = arith.addi %mul3A_1524, %add3A_1525 : i32
        %get3A_1527 = arith.index_cast %sub3A_1363 : i32 to index
        %get3A_1528 = arith.constant 48 : index
        %get3A_1529 = tpu.vector_load %arg6[%get3A_1527, %get3A_1528] {strides = array<i32>} : memref<50x128xi32, #tpu.memory_space<vmem>>, vector<1x16xi32>,
        %get3A_1530 = vector.shape_cast %get3A_1529 : vector<1x16xi32> to vector<16xi32>
        %add3A_1531 = vector.broadcast %add3A_1526 : i32 to vector<16xi32>
        %add3A_1532 = arith.addi %add3A_1531, %iota3A : vector<16xi32>
        %rem3A_1533 = arith.constant 200 : i32
        %rem3A_1534 = vector.broadcast %rem3A_1533 : i32 to vector<16xi32>
        %rem3A_1535 = arith.remsi %add3A_1532, %rem3A_1534 : vector<16xi32>
        %lt3A_1536 = arith.cmpi slt, %rem3A_1535, %get3A_4 : vector<16xi32>
        %add3A_1537 = arith.constant 1 : i32
        %add3A_1538 = vector.broadcast %add3A_1537 : i32 to vector<16xi32>
        %add3A_1539 = arith.addi %get3A_1530, %add3A_1538 : vector<16xi32>
        %jit3A_1540 = arith.constant 0 : i32
        %broadcast_in_dim3A_1541 = vector.broadcast %jit3A_1540 : i32 to vector<16xi32>
        %select_n3A_1542 = arith.select %lt3A_1536, %add3A_1539, %broadcast_in_dim3A_1541 : vector<16xi1>, vector<16xi32>
        %swap3A_1543 = arith.index_cast %sub3A_1363 : i32 to index
        %swap3A_1544 = arith.constant 48 : index
        %swap3A_1545 = tpu.vector_load %arg6[%swap3A_1543, %swap3A_1544] {strides = array<i32>} : memref<50x128xi32, #tpu.memory_space<vmem>>, vector<1x16xi32>,
        %swap3A_1546 = vector.shape_cast %swap3A_1545 : vector<1x16xi32> to vector<16xi32>
        %swap3A_1547 = vector.shape_cast %select_n3A_1542 : vector<16xi32> to vector<1x16xi32>
        tpu.vector_store %arg6[%swap3A_1543, %swap3A_1544], %swap3A_1547 {strides = array<i32>} : memref<50x128xi32, #tpu.memory_space<vmem>>, vector<1x16xi32>,
        %mul3A_1548 = arith.constant 128 : i32
        %mul3A_1549 = arith.muli %sub3A_1363, %mul3A_1548 : i32
        %add3A_1550 = arith.constant 64 : i32
        %add3A_1551 = arith.addi %mul3A_1549, %add3A_1550 : i32
        %get3A_1552 = arith.index_cast %sub3A_1363 : i32 to index
        %get3A_1553 = arith.constant 64 : index
        %get3A_1554 = tpu.vector_load %arg6[%get3A_1552, %get3A_1553] {strides = array<i32>} : memref<50x128xi32, #tpu.memory_space<vmem>>, vector<1x16xi32>,
        %get3A_1555 = vector.shape_cast %get3A_1554 : vector<1x16xi32> to vector<16xi32>
        %add3A_1556 = vector.broadcast %add3A_1551 : i32 to vector<16xi32>
        %add3A_1557 = arith.addi %add3A_1556, %iota3A : vector<16xi32>
        %rem3A_1558 = arith.constant 200 : i32
        %rem3A_1559 = vector.broadcast %rem3A_1558 : i32 to vector<16xi32>
        %rem3A_1560 = arith.remsi %add3A_1557, %rem3A_1559 : vector<16xi32>
        %lt3A_1561 = arith.cmpi slt, %rem3A_1560, %get3A_4 : vector<16xi32>
        %add3A_1562 = arith.constant 1 : i32
        %add3A_1563 = vector.broadcast %add3A_1562 : i32 to vector<16xi32>
        %add3A_1564 = arith.addi %get3A_1555, %add3A_1563 : vector<16xi32>
        %jit3A_1565 = arith.constant 0 : i32
        %broadcast_in_dim3A_1566 = vector.broadcast %jit3A_1565 : i32 to vector<16xi32>
        %select_n3A_1567 = arith.select %lt3A_1561, %add3A_1564, %broadcast_in_dim3A_1566 : vector<16xi1>, vector<16xi32>
        %swap3A_1568 = arith.index_cast %sub3A_1363 : i32 to index
        %swap3A_1569 = arith.constant 64 : index
        %swap3A_1570 = tpu.vector_load %arg6[%swap3A_1568, %swap3A_1569] {strides = array<i32>} : memref<50x128xi32, #tpu.memory_space<vmem>>, vector<1x16xi32>,
        %swap3A_1571 = vector.shape_cast %swap3A_1570 : vector<1x16xi32> to vector<16xi32>
        %swap3A_1572 = vector.shape_cast %select_n3A_1567 : vector<16xi32> to vector<1x16xi32>
        tpu.vector_store %arg6[%swap3A_1568, %swap3A_1569], %swap3A_1572 {strides = array<i32>} : memref<50x128xi32, #tpu.memory_space<vmem>>, vector<1x16xi32>,
        %mul3A_1573 = arith.constant 128 : i32
        %mul3A_1574 = arith.muli %sub3A_1363, %mul3A_1573 : i32
        %add3A_1575 = arith.constant 80 : i32
        %add3A_1576 = arith.addi %mul3A_1574, %add3A_1575 : i32
        %get3A_1577 = arith.index_cast %sub3A_1363 : i32 to index
        %get3A_1578 = arith.constant 80 : index
        %get3A_1579 = tpu.vector_load %arg6[%get3A_1577, %get3A_1578] {strides = array<i32>} : memref<50x128xi32, #tpu.memory_space<vmem>>, vector<1x16xi32>,
        %get3A_1580 = vector.shape_cast %get3A_1579 : vector<1x16xi32> to vector<16xi32>
        %add3A_1581 = vector.broadcast %add3A_1576 : i32 to vector<16xi32>
        %add3A_1582 = arith.addi %add3A_1581, %iota3A : vector<16xi32>
        %rem3A_1583 = arith.constant 200 : i32
        %rem3A_1584 = vector.broadcast %rem3A_1583 : i32 to vector<16xi32>
        %rem3A_1585 = arith.remsi %add3A_1582, %rem3A_1584 : vector<16xi32>
        %lt3A_1586 = arith.cmpi slt, %rem3A_1585, %get3A_4 : vector<16xi32>
        %add3A_1587 = arith.constant 1 : i32
        %add3A_1588 = vector.broadcast %add3A_1587 : i32 to vector<16xi32>
        %add3A_1589 = arith.addi %get3A_1580, %add3A_1588 : vector<16xi32>
        %jit3A_1590 = arith.constant 0 : i32
        %broadcast_in_dim3A_1591 = vector.broadcast %jit3A_1590 : i32 to vector<16xi32>
        %select_n3A_1592 = arith.select %lt3A_1586, %add3A_1589, %broadcast_in_dim3A_1591 : vector<16xi1>, vector<16xi32>
        %swap3A_1593 = arith.index_cast %sub3A_1363 : i32 to index
        %swap3A_1594 = arith.constant 80 : index
        %swap3A_1595 = tpu.vector_load %arg6[%swap3A_1593, %swap3A_1594] {strides = array<i32>} : memref<50x128xi32, #tpu.memory_space<vmem>>, vector<1x16xi32>,
        %swap3A_1596 = vector.shape_cast %swap3A_1595 : vector<1x16xi32> to vector<16xi32>
        %swap3A_1597 = vector.shape_cast %select_n3A_1592 : vector<16xi32> to vector<1x16xi32>
        tpu.vector_store %arg6[%swap3A_1593, %swap3A_1594], %swap3A_1597 {strides = array<i32>} : memref<50x128xi32, #tpu.memory_space<vmem>>, vector<1x16xi32>,
        %mul3A_1598 = arith.constant 128 : i32
        %mul3A_1599 = arith.muli %sub3A_1363, %mul3A_1598 : i32
        %add3A_1600 = arith.constant 96 : i32
        %add3A_1601 = arith.addi %mul3A_1599, %add3A_1600 : i32
        %get3A_1602 = arith.index_cast %sub3A_1363 : i32 to index
        %get3A_1603 = arith.constant 96 : index
        %get3A_1604 = tpu.vector_load %arg6[%get3A_1602, %get3A_1603] {strides = array<i32>} : memref<50x128xi32, #tpu.memory_space<vmem>>, vector<1x16xi32>,
        %get3A_1605 = vector.shape_cast %get3A_1604 : vector<1x16xi32> to vector<16xi32>
        %add3A_1606 = vector.broadcast %add3A_1601 : i32 to vector<16xi32>
        %add3A_1607 = arith.addi %add3A_1606, %iota3A : vector<16xi32>
        %rem3A_1608 = arith.constant 200 : i32
        %rem3A_1609 = vector.broadcast %rem3A_1608 : i32 to vector<16xi32>
        %rem3A_1610 = arith.remsi %add3A_1607, %rem3A_1609 : vector<16xi32>
        %lt3A_1611 = arith.cmpi slt, %rem3A_1610, %get3A_4 : vector<16xi32>
        %add3A_1612 = arith.constant 1 : i32
        %add3A_1613 = vector.broadcast %add3A_1612 : i32 to vector<16xi32>
        %add3A_1614 = arith.addi %get3A_1605, %add3A_1613 : vector<16xi32>
        %jit3A_1615 = arith.constant 0 : i32
        %broadcast_in_dim3A_1616 = vector.broadcast %jit3A_1615 : i32 to vector<16xi32>
        %select_n3A_1617 = arith.select %lt3A_1611, %add3A_1614, %broadcast_in_dim3A_1616 : vector<16xi1>, vector<16xi32>
        %swap3A_1618 = arith.index_cast %sub3A_1363 : i32 to index
        %swap3A_1619 = arith.constant 96 : index
        %swap3A_1620 = tpu.vector_load %arg6[%swap3A_1618, %swap3A_1619] {strides = array<i32>} : memref<50x128xi32, #tpu.memory_space<vmem>>, vector<1x16xi32>,
        %swap3A_1621 = vector.shape_cast %swap3A_1620 : vector<1x16xi32> to vector<16xi32>
        %swap3A_1622 = vector.shape_cast %select_n3A_1617 : vector<16xi32> to vector<1x16xi32>
        tpu.vector_store %arg6[%swap3A_1618, %swap3A_1619], %swap3A_1622 {strides = array<i32>} : memref<50x128xi32, #tpu.memory_space<vmem>>, vector<1x16xi32>,
        %mul3A_1623 = arith.constant 128 : i32
        %mul3A_1624 = arith.muli %sub3A_1363, %mul3A_1623 : i32
        %add3A_1625 = arith.constant 112 : i32
        %add3A_1626 = arith.addi %mul3A_1624, %add3A_1625 : i32
        %get3A_1627 = arith.index_cast %sub3A_1363 : i32 to index
        %get3A_1628 = arith.constant 112 : index
        %get3A_1629 = tpu.vector_load %arg6[%get3A_1627, %get3A_1628] {strides = array<i32>} : memref<50x128xi32, #tpu.memory_space<vmem>>, vector<1x16xi32>,
        %get3A_1630 = vector.shape_cast %get3A_1629 : vector<1x16xi32> to vector<16xi32>
        %add3A_1631 = vector.broadcast %add3A_1626 : i32 to vector<16xi32>
        %add3A_1632 = arith.addi %add3A_1631, %iota3A : vector<16xi32>
        %rem3A_1633 = arith.constant 200 : i32
        %rem3A_1634 = vector.broadcast %rem3A_1633 : i32 to vector<16xi32>
        %rem3A_1635 = arith.remsi %add3A_1632, %rem3A_1634 : vector<16xi32>
        %lt3A_1636 = arith.cmpi slt, %rem3A_1635, %get3A_4 : vector<16xi32>
        %add3A_1637 = arith.constant 1 : i32
        %add3A_1638 = vector.broadcast %add3A_1637 : i32 to vector<16xi32>
        %add3A_1639 = arith.addi %get3A_1630, %add3A_1638 : vector<16xi32>
        %jit3A_1640 = arith.constant 0 : i32
        %broadcast_in_dim3A_1641 = vector.broadcast %jit3A_1640 : i32 to vector<16xi32>
        %select_n3A_1642 = arith.select %lt3A_1636, %add3A_1639, %broadcast_in_dim3A_1641 : vector<16xi1>, vector<16xi32>
        %swap3A_1643 = arith.index_cast %sub3A_1363 : i32 to index
        %swap3A_1644 = arith.constant 112 : index
        %swap3A_1645 = tpu.vector_load %arg6[%swap3A_1643, %swap3A_1644] {strides = array<i32>} : memref<50x128xi32, #tpu.memory_space<vmem>>, vector<1x16xi32>,
        %swap3A_1646 = vector.shape_cast %swap3A_1645 : vector<1x16xi32> to vector<16xi32>
        %swap3A_1647 = vector.shape_cast %select_n3A_1642 : vector<16xi32> to vector<1x16xi32>
        tpu.vector_store %arg6[%swap3A_1643, %swap3A_1644], %swap3A_1647 {strides = array<i32>} : memref<50x128xi32, #tpu.memory_space<vmem>>, vector<1x16xi32>,
      } else {
      }
      %dma_wait3A_1369 = arith.constant 0 : i32
      %dma_wait3A_1370 = arith.constant 0 : i32
      %dma_wait3A_1371 = tpu.memref_slice %arg6[%dma_wait3A_1369, %dma_wait3A_1370] : memref<50x128xi32, #tpu.memory_space<vmem>> -> memref<1x128xi32, #tpu.memory_space<vmem>>
      %dma_wait3A_1372 = tpu.memref_squeeze %dma_wait3A_1371 : memref<1x128xi32, #tpu.memory_space<vmem>> -> memref<128xi32, #tpu.memory_space<vmem>>
      %dma_wait3A_1373 = arith.constant 0 : i32
      %dma_wait3A_1374 = arith.constant 0 : i32
      %dma_wait3A_1375 = tpu.memref_slice %arg2[%dma_wait3A_1373, %dma_wait3A_1374] : memref<100001x128xf32, #tpu.memory_space<hbm>> -> memref<100001x128xf32, #tpu.memory_space<hbm>>
      tpu.wait_indirect_dma semaphore(%arg19 : memref<!tpu.dma_semaphore, #tpu.memory_space<semaphore_mem>>) src(%dma_wait3A_1375 : memref<100001x128xf32, #tpu.memory_space<hbm>>) dst(%arg12 : memref<128x128xf32, #tpu.memory_space<vmem>>)
      %mul3A_1376 = arith.constant 128 : i32
      %mul3A_1377 = arith.muli %add3A_1359, %mul3A_1376 : i32
      %add3A_1378 = arith.addi %mul3A_2, %mul3A_1377 : i32
      %dma_start3A_1379 = arith.constant 0 : i32
      %dma_start3A_1380 = tpu.memref_slice %arg5[%add3A_1378, %dma_start3A_1379] : memref<204800x128xf32, #tpu.memory_space<hbm>> -> memref<128x128xf32, #tpu.memory_space<hbm>>
      %dma_start3A_1381 = arith.constant 0 : i32
      %dma_start3A_1382 = tpu.memref_slice %arg5[%add3A_1378, %dma_start3A_1381] : memref<204800x128xf32, #tpu.memory_space<hbm>> -> memref<128x128xf32, #tpu.memory_space<hbm>>
      tpu.enqueue_dma source(%arg12 : memref<128x128xf32, #tpu.memory_space<vmem>>) target(%dma_start3A_1382 : memref<128x128xf32, #tpu.memory_space<hbm>>) target_semaphore(%arg26 : memref<!tpu.dma_semaphore, #tpu.memory_space<semaphore_mem>>)
      %lt3A_1383 = arith.constant 50 : i32
      %lt3A_1384 = arith.cmpi slt, %sub3A_1363, %lt3A_1383 : i32
      %convert_element_type3A_1385 = arith.extui %lt3A_1384 : i1 to i32
      %cond3A_1386 = arith.constant 0 : i32
      %cond3A_1387 = arith.cmpi ne, %convert_element_type3A_1385, %cond3A_1386 : i32
      scf.if %cond3A_1387 {
        %ge3A = arith.constant 1 : i32
        %ge3A_1448 = arith.cmpi sge, %add3A_1359, %ge3A : i32
        %convert_element_type3A_1449 = arith.extui %ge3A_1448 : i1 to i32
        %cond3A_1450 = arith.constant 0 : i32
        %cond3A_1451 = arith.cmpi ne, %convert_element_type3A_1449, %cond3A_1450 : i32
        scf.if %cond3A_1451 {
          %dma_wait3A_1458 = arith.constant 0 : i32
          %dma_wait3A_1459 = tpu.memref_slice %arg5[%mul3A_2, %dma_wait3A_1458] : memref<204800x128xf32, #tpu.memory_space<hbm>> -> memref<128x128xf32, #tpu.memory_space<hbm>>
          %dma_wait3A_1460 = arith.constant 0 : i32
          %dma_wait3A_1461 = tpu.memref_slice %arg5[%mul3A_2, %dma_wait3A_1460] : memref<204800x128xf32, #tpu.memory_space<hbm>> -> memref<128x128xf32, #tpu.memory_space<hbm>>
          tpu.wait_dma2 semaphore(%arg25 : memref<!tpu.dma_semaphore, #tpu.memory_space<semaphore_mem>>) src(%arg11 : memref<128x128xf32, #tpu.memory_space<vmem>>) dst(%dma_wait3A_1461 : memref<128x128xf32, #tpu.memory_space<hbm>>)
        } else {
        }
        %dma_start3A_1452 = arith.constant 0 : i32
        %dma_start3A_1453 = tpu.memref_slice %arg6[%sub3A_1363, %dma_start3A_1452] : memref<50x128xi32, #tpu.memory_space<vmem>> -> memref<1x128xi32, #tpu.memory_space<vmem>>
        %dma_start3A_1454 = tpu.memref_squeeze %dma_start3A_1453 : memref<1x128xi32, #tpu.memory_space<vmem>> -> memref<128xi32, #tpu.memory_space<vmem>>
        %dma_start3A_1455 = arith.constant 0 : i32
        %dma_start3A_1456 = arith.constant 0 : i32
        %dma_start3A_1457 = tpu.memref_slice %arg2[%dma_start3A_1455, %dma_start3A_1456] : memref<100001x128xf32, #tpu.memory_space<hbm>> -> memref<100001x128xf32, #tpu.memory_space<hbm>>
        tpu.enqueue_indirect_dma source(%dma_start3A_1457 : memref<100001x128xf32, #tpu.memory_space<hbm>>) target(%arg11 : memref<128x128xf32, #tpu.memory_space<vmem>>) offsets(%dma_start3A_1454 : memref<128xi32, #tpu.memory_space<vmem>>) semaphore(%arg18 : memref<!tpu.dma_semaphore, #tpu.memory_space<semaphore_mem>>)
      } else {
      }
      %add3A_1388 = arith.constant 5 : i32
      %add3A_1389 = arith.addi %add3A_1240, %add3A_1388 : i32
      %add3A_1390 = arith.constant 7 : i32
      %add3A_1391 = arith.addi %add3A_1389, %add3A_1390 : i32
      %sub3A_1392 = arith.constant 1 : i32
      %sub3A_1393 = arith.subi %add3A_1391, %sub3A_1392 : i32
      %lt3A_1394 = arith.constant 50 : i32
      %lt3A_1395 = arith.cmpi slt, %sub3A_1393, %lt3A_1394 : i32
      %convert_element_type3A_1396 = arith.extui %lt3A_1395 : i1 to i32
      %cond3A_1397 = arith.constant 0 : i32
      %cond3A_1398 = arith.cmpi ne, %convert_element_type3A_1396, %cond3A_1397 : i32
      scf.if %cond3A_1398 {
        %mul3A_1448 = arith.constant 128 : i32
        %mul3A_1449 = arith.muli %sub3A_1393, %mul3A_1448 : i32
        %add3A_1450 = arith.constant 0 : i32
        %add3A_1451 = arith.addi %mul3A_1449, %add3A_1450 : i32
        %get3A_1452 = arith.index_cast %sub3A_1393 : i32 to index
        %get3A_1453 = arith.constant 0 : index
        %get3A_1454 = tpu.vector_load %arg6[%get3A_1452, %get3A_1453] {strides = array<i32>} : memref<50x128xi32, #tpu.memory_space<vmem>>, vector<1x16xi32>,
        %get3A_1455 = vector.shape_cast %get3A_1454 : vector<1x16xi32> to vector<16xi32>
        %add3A_1456 = vector.broadcast %add3A_1451 : i32 to vector<16xi32>
        %add3A_1457 = arith.addi %add3A_1456, %iota3A : vector<16xi32>
        %rem3A_1458 = arith.constant 200 : i32
        %rem3A_1459 = vector.broadcast %rem3A_1458 : i32 to vector<16xi32>
        %rem3A_1460 = arith.remsi %add3A_1457, %rem3A_1459 : vector<16xi32>
        %lt3A_1461 = arith.cmpi slt, %rem3A_1460, %get3A_4 : vector<16xi32>
        %add3A_1462 = arith.constant 1 : i32
        %add3A_1463 = vector.broadcast %add3A_1462 : i32 to vector<16xi32>
        %add3A_1464 = arith.addi %get3A_1455, %add3A_1463 : vector<16xi32>
        %jit3A_1465 = arith.constant 0 : i32
        %broadcast_in_dim3A_1466 = vector.broadcast %jit3A_1465 : i32 to vector<16xi32>
        %select_n3A_1467 = arith.select %lt3A_1461, %add3A_1464, %broadcast_in_dim3A_1466 : vector<16xi1>, vector<16xi32>
        %swap3A_1468 = arith.index_cast %sub3A_1393 : i32 to index
        %swap3A_1469 = arith.constant 0 : index
        %swap3A_1470 = tpu.vector_load %arg6[%swap3A_1468, %swap3A_1469] {strides = array<i32>} : memref<50x128xi32, #tpu.memory_space<vmem>>, vector<1x16xi32>,
        %swap3A_1471 = vector.shape_cast %swap3A_1470 : vector<1x16xi32> to vector<16xi32>
        %swap3A_1472 = vector.shape_cast %select_n3A_1467 : vector<16xi32> to vector<1x16xi32>
        tpu.vector_store %arg6[%swap3A_1468, %swap3A_1469], %swap3A_1472 {strides = array<i32>} : memref<50x128xi32, #tpu.memory_space<vmem>>, vector<1x16xi32>,
        %mul3A_1473 = arith.constant 128 : i32
        %mul3A_1474 = arith.muli %sub3A_1393, %mul3A_1473 : i32
        %add3A_1475 = arith.constant 16 : i32
        %add3A_1476 = arith.addi %mul3A_1474, %add3A_1475 : i32
        %get3A_1477 = arith.index_cast %sub3A_1393 : i32 to index
        %get3A_1478 = arith.constant 16 : index
        %get3A_1479 = tpu.vector_load %arg6[%get3A_1477, %get3A_1478] {strides = array<i32>} : memref<50x128xi32, #tpu.memory_space<vmem>>, vector<1x16xi32>,
        %get3A_1480 = vector.shape_cast %get3A_1479 : vector<1x16xi32> to vector<16xi32>
        %add3A_1481 = vector.broadcast %add3A_1476 : i32 to vector<16xi32>
        %add3A_1482 = arith.addi %add3A_1481, %iota3A : vector<16xi32>
        %rem3A_1483 = arith.constant 200 : i32
        %rem3A_1484 = vector.broadcast %rem3A_1483 : i32 to vector<16xi32>
        %rem3A_1485 = arith.remsi %add3A_1482, %rem3A_1484 : vector<16xi32>
        %lt3A_1486 = arith.cmpi slt, %rem3A_1485, %get3A_4 : vector<16xi32>
        %add3A_1487 = arith.constant 1 : i32
        %add3A_1488 = vector.broadcast %add3A_1487 : i32 to vector<16xi32>
        %add3A_1489 = arith.addi %get3A_1480, %add3A_1488 : vector<16xi32>
        %jit3A_1490 = arith.constant 0 : i32
        %broadcast_in_dim3A_1491 = vector.broadcast %jit3A_1490 : i32 to vector<16xi32>
        %select_n3A_1492 = arith.select %lt3A_1486, %add3A_1489, %broadcast_in_dim3A_1491 : vector<16xi1>, vector<16xi32>
        %swap3A_1493 = arith.index_cast %sub3A_1393 : i32 to index
        %swap3A_1494 = arith.constant 16 : index
        %swap3A_1495 = tpu.vector_load %arg6[%swap3A_1493, %swap3A_1494] {strides = array<i32>} : memref<50x128xi32, #tpu.memory_space<vmem>>, vector<1x16xi32>,
        %swap3A_1496 = vector.shape_cast %swap3A_1495 : vector<1x16xi32> to vector<16xi32>
        %swap3A_1497 = vector.shape_cast %select_n3A_1492 : vector<16xi32> to vector<1x16xi32>
        tpu.vector_store %arg6[%swap3A_1493, %swap3A_1494], %swap3A_1497 {strides = array<i32>} : memref<50x128xi32, #tpu.memory_space<vmem>>, vector<1x16xi32>,
        %mul3A_1498 = arith.constant 128 : i32
        %mul3A_1499 = arith.muli %sub3A_1393, %mul3A_1498 : i32
        %add3A_1500 = arith.constant 32 : i32
        %add3A_1501 = arith.addi %mul3A_1499, %add3A_1500 : i32
        %get3A_1502 = arith.index_cast %sub3A_1393 : i32 to index
        %get3A_1503 = arith.constant 32 : index
        %get3A_1504 = tpu.vector_load %arg6[%get3A_1502, %get3A_1503] {strides = array<i32>} : memref<50x128xi32, #tpu.memory_space<vmem>>, vector<1x16xi32>,
        %get3A_1505 = vector.shape_cast %get3A_1504 : vector<1x16xi32> to vector<16xi32>
        %add3A_1506 = vector.broadcast %add3A_1501 : i32 to vector<16xi32>
        %add3A_1507 = arith.addi %add3A_1506, %iota3A : vector<16xi32>
        %rem3A_1508 = arith.constant 200 : i32
        %rem3A_1509 = vector.broadcast %rem3A_1508 : i32 to vector<16xi32>
        %rem3A_1510 = arith.remsi %add3A_1507, %rem3A_1509 : vector<16xi32>
        %lt3A_1511 = arith.cmpi slt, %rem3A_1510, %get3A_4 : vector<16xi32>
        %add3A_1512 = arith.constant 1 : i32
        %add3A_1513 = vector.broadcast %add3A_1512 : i32 to vector<16xi32>
        %add3A_1514 = arith.addi %get3A_1505, %add3A_1513 : vector<16xi32>
        %jit3A_1515 = arith.constant 0 : i32
        %broadcast_in_dim3A_1516 = vector.broadcast %jit3A_1515 : i32 to vector<16xi32>
        %select_n3A_1517 = arith.select %lt3A_1511, %add3A_1514, %broadcast_in_dim3A_1516 : vector<16xi1>, vector<16xi32>
        %swap3A_1518 = arith.index_cast %sub3A_1393 : i32 to index
        %swap3A_1519 = arith.constant 32 : index
        %swap3A_1520 = tpu.vector_load %arg6[%swap3A_1518, %swap3A_1519] {strides = array<i32>} : memref<50x128xi32, #tpu.memory_space<vmem>>, vector<1x16xi32>,
        %swap3A_1521 = vector.shape_cast %swap3A_1520 : vector<1x16xi32> to vector<16xi32>
        %swap3A_1522 = vector.shape_cast %select_n3A_1517 : vector<16xi32> to vector<1x16xi32>
        tpu.vector_store %arg6[%swap3A_1518, %swap3A_1519], %swap3A_1522 {strides = array<i32>} : memref<50x128xi32, #tpu.memory_space<vmem>>, vector<1x16xi32>,
        %mul3A_1523 = arith.constant 128 : i32
        %mul3A_1524 = arith.muli %sub3A_1393, %mul3A_1523 : i32
        %add3A_1525 = arith.constant 48 : i32
        %add3A_1526 = arith.addi %mul3A_1524, %add3A_1525 : i32
        %get3A_1527 = arith.index_cast %sub3A_1393 : i32 to index
        %get3A_1528 = arith.constant 48 : index
        %get3A_1529 = tpu.vector_load %arg6[%get3A_1527, %get3A_1528] {strides = array<i32>} : memref<50x128xi32, #tpu.memory_space<vmem>>, vector<1x16xi32>,
        %get3A_1530 = vector.shape_cast %get3A_1529 : vector<1x16xi32> to vector<16xi32>
        %add3A_1531 = vector.broadcast %add3A_1526 : i32 to vector<16xi32>
        %add3A_1532 = arith.addi %add3A_1531, %iota3A : vector<16xi32>
        %rem3A_1533 = arith.constant 200 : i32
        %rem3A_1534 = vector.broadcast %rem3A_1533 : i32 to vector<16xi32>
        %rem3A_1535 = arith.remsi %add3A_1532, %rem3A_1534 : vector<16xi32>
        %lt3A_1536 = arith.cmpi slt, %rem3A_1535, %get3A_4 : vector<16xi32>
        %add3A_1537 = arith.constant 1 : i32
        %add3A_1538 = vector.broadcast %add3A_1537 : i32 to vector<16xi32>
        %add3A_1539 = arith.addi %get3A_1530, %add3A_1538 : vector<16xi32>
        %jit3A_1540 = arith.constant 0 : i32
        %broadcast_in_dim3A_1541 = vector.broadcast %jit3A_1540 : i32 to vector<16xi32>
        %select_n3A_1542 = arith.select %lt3A_1536, %add3A_1539, %broadcast_in_dim3A_1541 : vector<16xi1>, vector<16xi32>
        %swap3A_1543 = arith.index_cast %sub3A_1393 : i32 to index
        %swap3A_1544 = arith.constant 48 : index
        %swap3A_1545 = tpu.vector_load %arg6[%swap3A_1543, %swap3A_1544] {strides = array<i32>} : memref<50x128xi32, #tpu.memory_space<vmem>>, vector<1x16xi32>,
        %swap3A_1546 = vector.shape_cast %swap3A_1545 : vector<1x16xi32> to vector<16xi32>
        %swap3A_1547 = vector.shape_cast %select_n3A_1542 : vector<16xi32> to vector<1x16xi32>
        tpu.vector_store %arg6[%swap3A_1543, %swap3A_1544], %swap3A_1547 {strides = array<i32>} : memref<50x128xi32, #tpu.memory_space<vmem>>, vector<1x16xi32>,
        %mul3A_1548 = arith.constant 128 : i32
        %mul3A_1549 = arith.muli %sub3A_1393, %mul3A_1548 : i32
        %add3A_1550 = arith.constant 64 : i32
        %add3A_1551 = arith.addi %mul3A_1549, %add3A_1550 : i32
        %get3A_1552 = arith.index_cast %sub3A_1393 : i32 to index
        %get3A_1553 = arith.constant 64 : index
        %get3A_1554 = tpu.vector_load %arg6[%get3A_1552, %get3A_1553] {strides = array<i32>} : memref<50x128xi32, #tpu.memory_space<vmem>>, vector<1x16xi32>,
        %get3A_1555 = vector.shape_cast %get3A_1554 : vector<1x16xi32> to vector<16xi32>
        %add3A_1556 = vector.broadcast %add3A_1551 : i32 to vector<16xi32>
        %add3A_1557 = arith.addi %add3A_1556, %iota3A : vector<16xi32>
        %rem3A_1558 = arith.constant 200 : i32
        %rem3A_1559 = vector.broadcast %rem3A_1558 : i32 to vector<16xi32>
        %rem3A_1560 = arith.remsi %add3A_1557, %rem3A_1559 : vector<16xi32>
        %lt3A_1561 = arith.cmpi slt, %rem3A_1560, %get3A_4 : vector<16xi32>
        %add3A_1562 = arith.constant 1 : i32
        %add3A_1563 = vector.broadcast %add3A_1562 : i32 to vector<16xi32>
        %add3A_1564 = arith.addi %get3A_1555, %add3A_1563 : vector<16xi32>
        %jit3A_1565 = arith.constant 0 : i32
        %broadcast_in_dim3A_1566 = vector.broadcast %jit3A_1565 : i32 to vector<16xi32>
        %select_n3A_1567 = arith.select %lt3A_1561, %add3A_1564, %broadcast_in_dim3A_1566 : vector<16xi1>, vector<16xi32>
        %swap3A_1568 = arith.index_cast %sub3A_1393 : i32 to index
        %swap3A_1569 = arith.constant 64 : index
        %swap3A_1570 = tpu.vector_load %arg6[%swap3A_1568, %swap3A_1569] {strides = array<i32>} : memref<50x128xi32, #tpu.memory_space<vmem>>, vector<1x16xi32>,
        %swap3A_1571 = vector.shape_cast %swap3A_1570 : vector<1x16xi32> to vector<16xi32>
        %swap3A_1572 = vector.shape_cast %select_n3A_1567 : vector<16xi32> to vector<1x16xi32>
        tpu.vector_store %arg6[%swap3A_1568, %swap3A_1569], %swap3A_1572 {strides = array<i32>} : memref<50x128xi32, #tpu.memory_space<vmem>>, vector<1x16xi32>,
        %mul3A_1573 = arith.constant 128 : i32
        %mul3A_1574 = arith.muli %sub3A_1393, %mul3A_1573 : i32
        %add3A_1575 = arith.constant 80 : i32
        %add3A_1576 = arith.addi %mul3A_1574, %add3A_1575 : i32
        %get3A_1577 = arith.index_cast %sub3A_1393 : i32 to index
        %get3A_1578 = arith.constant 80 : index
        %get3A_1579 = tpu.vector_load %arg6[%get3A_1577, %get3A_1578] {strides = array<i32>} : memref<50x128xi32, #tpu.memory_space<vmem>>, vector<1x16xi32>,
        %get3A_1580 = vector.shape_cast %get3A_1579 : vector<1x16xi32> to vector<16xi32>
        %add3A_1581 = vector.broadcast %add3A_1576 : i32 to vector<16xi32>
        %add3A_1582 = arith.addi %add3A_1581, %iota3A : vector<16xi32>
        %rem3A_1583 = arith.constant 200 : i32
        %rem3A_1584 = vector.broadcast %rem3A_1583 : i32 to vector<16xi32>
        %rem3A_1585 = arith.remsi %add3A_1582, %rem3A_1584 : vector<16xi32>
        %lt3A_1586 = arith.cmpi slt, %rem3A_1585, %get3A_4 : vector<16xi32>
        %add3A_1587 = arith.constant 1 : i32
        %add3A_1588 = vector.broadcast %add3A_1587 : i32 to vector<16xi32>
        %add3A_1589 = arith.addi %get3A_1580, %add3A_1588 : vector<16xi32>
        %jit3A_1590 = arith.constant 0 : i32
        %broadcast_in_dim3A_1591 = vector.broadcast %jit3A_1590 : i32 to vector<16xi32>
        %select_n3A_1592 = arith.select %lt3A_1586, %add3A_1589, %broadcast_in_dim3A_1591 : vector<16xi1>, vector<16xi32>
        %swap3A_1593 = arith.index_cast %sub3A_1393 : i32 to index
        %swap3A_1594 = arith.constant 80 : index
        %swap3A_1595 = tpu.vector_load %arg6[%swap3A_1593, %swap3A_1594] {strides = array<i32>} : memref<50x128xi32, #tpu.memory_space<vmem>>, vector<1x16xi32>,
        %swap3A_1596 = vector.shape_cast %swap3A_1595 : vector<1x16xi32> to vector<16xi32>
        %swap3A_1597 = vector.shape_cast %select_n3A_1592 : vector<16xi32> to vector<1x16xi32>
        tpu.vector_store %arg6[%swap3A_1593, %swap3A_1594], %swap3A_1597 {strides = array<i32>} : memref<50x128xi32, #tpu.memory_space<vmem>>, vector<1x16xi32>,
        %mul3A_1598 = arith.constant 128 : i32
        %mul3A_1599 = arith.muli %sub3A_1393, %mul3A_1598 : i32
        %add3A_1600 = arith.constant 96 : i32
        %add3A_1601 = arith.addi %mul3A_1599, %add3A_1600 : i32
        %get3A_1602 = arith.index_cast %sub3A_1393 : i32 to index
        %get3A_1603 = arith.constant 96 : index
        %get3A_1604 = tpu.vector_load %arg6[%get3A_1602, %get3A_1603] {strides = array<i32>} : memref<50x128xi32, #tpu.memory_space<vmem>>, vector<1x16xi32>,
        %get3A_1605 = vector.shape_cast %get3A_1604 : vector<1x16xi32> to vector<16xi32>
        %add3A_1606 = vector.broadcast %add3A_1601 : i32 to vector<16xi32>
        %add3A_1607 = arith.addi %add3A_1606, %iota3A : vector<16xi32>
        %rem3A_1608 = arith.constant 200 : i32
        %rem3A_1609 = vector.broadcast %rem3A_1608 : i32 to vector<16xi32>
        %rem3A_1610 = arith.remsi %add3A_1607, %rem3A_1609 : vector<16xi32>
        %lt3A_1611 = arith.cmpi slt, %rem3A_1610, %get3A_4 : vector<16xi32>
        %add3A_1612 = arith.constant 1 : i32
        %add3A_1613 = vector.broadcast %add3A_1612 : i32 to vector<16xi32>
        %add3A_1614 = arith.addi %get3A_1605, %add3A_1613 : vector<16xi32>
        %jit3A_1615 = arith.constant 0 : i32
        %broadcast_in_dim3A_1616 = vector.broadcast %jit3A_1615 : i32 to vector<16xi32>
        %select_n3A_1617 = arith.select %lt3A_1611, %add3A_1614, %broadcast_in_dim3A_1616 : vector<16xi1>, vector<16xi32>
        %swap3A_1618 = arith.index_cast %sub3A_1393 : i32 to index
        %swap3A_1619 = arith.constant 96 : index
        %swap3A_1620 = tpu.vector_load %arg6[%swap3A_1618, %swap3A_1619] {strides = array<i32>} : memref<50x128xi32, #tpu.memory_space<vmem>>, vector<1x16xi32>,
        %swap3A_1621 = vector.shape_cast %swap3A_1620 : vector<1x16xi32> to vector<16xi32>
        %swap3A_1622 = vector.shape_cast %select_n3A_1617 : vector<16xi32> to vector<1x16xi32>
        tpu.vector_store %arg6[%swap3A_1618, %swap3A_1619], %swap3A_1622 {strides = array<i32>} : memref<50x128xi32, #tpu.memory_space<vmem>>, vector<1x16xi32>,
        %mul3A_1623 = arith.constant 128 : i32
        %mul3A_1624 = arith.muli %sub3A_1393, %mul3A_1623 : i32
        %add3A_1625 = arith.constant 112 : i32
        %add3A_1626 = arith.addi %mul3A_1624, %add3A_1625 : i32
        %get3A_1627 = arith.index_cast %sub3A_1393 : i32 to index
        %get3A_1628 = arith.constant 112 : index
        %get3A_1629 = tpu.vector_load %arg6[%get3A_1627, %get3A_1628] {strides = array<i32>} : memref<50x128xi32, #tpu.memory_space<vmem>>, vector<1x16xi32>,
        %get3A_1630 = vector.shape_cast %get3A_1629 : vector<1x16xi32> to vector<16xi32>
        %add3A_1631 = vector.broadcast %add3A_1626 : i32 to vector<16xi32>
        %add3A_1632 = arith.addi %add3A_1631, %iota3A : vector<16xi32>
        %rem3A_1633 = arith.constant 200 : i32
        %rem3A_1634 = vector.broadcast %rem3A_1633 : i32 to vector<16xi32>
        %rem3A_1635 = arith.remsi %add3A_1632, %rem3A_1634 : vector<16xi32>
        %lt3A_1636 = arith.cmpi slt, %rem3A_1635, %get3A_4 : vector<16xi32>
        %add3A_1637 = arith.constant 1 : i32
        %add3A_1638 = vector.broadcast %add3A_1637 : i32 to vector<16xi32>
        %add3A_1639 = arith.addi %get3A_1630, %add3A_1638 : vector<16xi32>
        %jit3A_1640 = arith.constant 0 : i32
        %broadcast_in_dim3A_1641 = vector.broadcast %jit3A_1640 : i32 to vector<16xi32>
        %select_n3A_1642 = arith.select %lt3A_1636, %add3A_1639, %broadcast_in_dim3A_1641 : vector<16xi1>, vector<16xi32>
        %swap3A_1643 = arith.index_cast %sub3A_1393 : i32 to index
        %swap3A_1644 = arith.constant 112 : index
        %swap3A_1645 = tpu.vector_load %arg6[%swap3A_1643, %swap3A_1644] {strides = array<i32>} : memref<50x128xi32, #tpu.memory_space<vmem>>, vector<1x16xi32>,
        %swap3A_1646 = vector.shape_cast %swap3A_1645 : vector<1x16xi32> to vector<16xi32>
        %swap3A_1647 = vector.shape_cast %select_n3A_1642 : vector<16xi32> to vector<1x16xi32>
        tpu.vector_store %arg6[%swap3A_1643, %swap3A_1644], %swap3A_1647 {strides = array<i32>} : memref<50x128xi32, #tpu.memory_space<vmem>>, vector<1x16xi32>,
      } else {
      }
      %dma_wait3A_1399 = arith.constant 0 : i32
      %dma_wait3A_1400 = arith.constant 0 : i32
      %dma_wait3A_1401 = tpu.memref_slice %arg6[%dma_wait3A_1399, %dma_wait3A_1400] : memref<50x128xi32, #tpu.memory_space<vmem>> -> memref<1x128xi32, #tpu.memory_space<vmem>>
      %dma_wait3A_1402 = tpu.memref_squeeze %dma_wait3A_1401 : memref<1x128xi32, #tpu.memory_space<vmem>> -> memref<128xi32, #tpu.memory_space<vmem>>
      %dma_wait3A_1403 = arith.constant 0 : i32
      %dma_wait3A_1404 = arith.constant 0 : i32
      %dma_wait3A_1405 = tpu.memref_slice %arg2[%dma_wait3A_1403, %dma_wait3A_1404] : memref<100001x128xf32, #tpu.memory_space<hbm>> -> memref<100001x128xf32, #tpu.memory_space<hbm>>
      tpu.wait_indirect_dma semaphore(%arg20 : memref<!tpu.dma_semaphore, #tpu.memory_space<semaphore_mem>>) src(%dma_wait3A_1405 : memref<100001x128xf32, #tpu.memory_space<hbm>>) dst(%arg13 : memref<128x128xf32, #tpu.memory_space<vmem>>)
      %mul3A_1406 = arith.constant 128 : i32
      %mul3A_1407 = arith.muli %add3A_1389, %mul3A_1406 : i32
      %add3A_1408 = arith.addi %mul3A_2, %mul3A_1407 : i32
      %dma_start3A_1409 = arith.constant 0 : i32
      %dma_start3A_1410 = tpu.memref_slice %arg5[%add3A_1408, %dma_start3A_1409] : memref<204800x128xf32, #tpu.memory_space<hbm>> -> memref<128x128xf32, #tpu.memory_space<hbm>>
      %dma_start3A_1411 = arith.constant 0 : i32
      %dma_start3A_1412 = tpu.memref_slice %arg5[%add3A_1408, %dma_start3A_1411] : memref<204800x128xf32, #tpu.memory_space<hbm>> -> memref<128x128xf32, #tpu.memory_space<hbm>>
      tpu.enqueue_dma source(%arg13 : memref<128x128xf32, #tpu.memory_space<vmem>>) target(%dma_start3A_1412 : memref<128x128xf32, #tpu.memory_space<hbm>>) target_semaphore(%arg27 : memref<!tpu.dma_semaphore, #tpu.memory_space<semaphore_mem>>)
      %lt3A_1413 = arith.constant 50 : i32
      %lt3A_1414 = arith.cmpi slt, %sub3A_1393, %lt3A_1413 : i32
      %convert_element_type3A_1415 = arith.extui %lt3A_1414 : i1 to i32
      %cond3A_1416 = arith.constant 0 : i32
      %cond3A_1417 = arith.cmpi ne, %convert_element_type3A_1415, %cond3A_1416 : i32
      scf.if %cond3A_1417 {
        %ge3A = arith.constant 1 : i32
        %ge3A_1448 = arith.cmpi sge, %add3A_1389, %ge3A : i32
        %convert_element_type3A_1449 = arith.extui %ge3A_1448 : i1 to i32
        %cond3A_1450 = arith.constant 0 : i32
        %cond3A_1451 = arith.cmpi ne, %convert_element_type3A_1449, %cond3A_1450 : i32
        scf.if %cond3A_1451 {
          %dma_wait3A_1458 = arith.constant 0 : i32
          %dma_wait3A_1459 = tpu.memref_slice %arg5[%mul3A_2, %dma_wait3A_1458] : memref<204800x128xf32, #tpu.memory_space<hbm>> -> memref<128x128xf32, #tpu.memory_space<hbm>>
          %dma_wait3A_1460 = arith.constant 0 : i32
          %dma_wait3A_1461 = tpu.memref_slice %arg5[%mul3A_2, %dma_wait3A_1460] : memref<204800x128xf32, #tpu.memory_space<hbm>> -> memref<128x128xf32, #tpu.memory_space<hbm>>
          tpu.wait_dma2 semaphore(%arg26 : memref<!tpu.dma_semaphore, #tpu.memory_space<semaphore_mem>>) src(%arg12 : memref<128x128xf32, #tpu.memory_space<vmem>>) dst(%dma_wait3A_1461 : memref<128x128xf32, #tpu.memory_space<hbm>>)
        } else {
        }
        %dma_start3A_1452 = arith.constant 0 : i32
        %dma_start3A_1453 = tpu.memref_slice %arg6[%sub3A_1393, %dma_start3A_1452] : memref<50x128xi32, #tpu.memory_space<vmem>> -> memref<1x128xi32, #tpu.memory_space<vmem>>
        %dma_start3A_1454 = tpu.memref_squeeze %dma_start3A_1453 : memref<1x128xi32, #tpu.memory_space<vmem>> -> memref<128xi32, #tpu.memory_space<vmem>>
        %dma_start3A_1455 = arith.constant 0 : i32
        %dma_start3A_1456 = arith.constant 0 : i32
        %dma_start3A_1457 = tpu.memref_slice %arg2[%dma_start3A_1455, %dma_start3A_1456] : memref<100001x128xf32, #tpu.memory_space<hbm>> -> memref<100001x128xf32, #tpu.memory_space<hbm>>
        tpu.enqueue_indirect_dma source(%dma_start3A_1457 : memref<100001x128xf32, #tpu.memory_space<hbm>>) target(%arg12 : memref<128x128xf32, #tpu.memory_space<vmem>>) offsets(%dma_start3A_1454 : memref<128xi32, #tpu.memory_space<vmem>>) semaphore(%arg19 : memref<!tpu.dma_semaphore, #tpu.memory_space<semaphore_mem>>)
      } else {
      }
      %add3A_1418 = arith.constant 6 : i32
      %add3A_1419 = arith.addi %add3A_1240, %add3A_1418 : i32
      %add3A_1420 = arith.constant 7 : i32
      %add3A_1421 = arith.addi %add3A_1419, %add3A_1420 : i32
      %sub3A_1422 = arith.constant 1 : i32
      %sub3A_1423 = arith.subi %add3A_1421, %sub3A_1422 : i32
      %lt3A_1424 = arith.constant 50 : i32
      %lt3A_1425 = arith.cmpi slt, %sub3A_1423, %lt3A_1424 : i32
      %convert_element_type3A_1426 = arith.extui %lt3A_1425 : i1 to i32
      %cond3A_1427 = arith.constant 0 : i32
      %cond3A_1428 = arith.cmpi ne, %convert_element_type3A_1426, %cond3A_1427 : i32
      scf.if %cond3A_1428 {
        %mul3A_1448 = arith.constant 128 : i32
        %mul3A_1449 = arith.muli %sub3A_1423, %mul3A_1448 : i32
        %add3A_1450 = arith.constant 0 : i32
        %add3A_1451 = arith.addi %mul3A_1449, %add3A_1450 : i32
        %get3A_1452 = arith.index_cast %sub3A_1423 : i32 to index
        %get3A_1453 = arith.constant 0 : index
        %get3A_1454 = tpu.vector_load %arg6[%get3A_1452, %get3A_1453] {strides = array<i32>} : memref<50x128xi32, #tpu.memory_space<vmem>>, vector<1x16xi32>,
        %get3A_1455 = vector.shape_cast %get3A_1454 : vector<1x16xi32> to vector<16xi32>
        %add3A_1456 = vector.broadcast %add3A_1451 : i32 to vector<16xi32>
        %add3A_1457 = arith.addi %add3A_1456, %iota3A : vector<16xi32>
        %rem3A_1458 = arith.constant 200 : i32
        %rem3A_1459 = vector.broadcast %rem3A_1458 : i32 to vector<16xi32>
        %rem3A_1460 = arith.remsi %add3A_1457, %rem3A_1459 : vector<16xi32>
        %lt3A_1461 = arith.cmpi slt, %rem3A_1460, %get3A_4 : vector<16xi32>
        %add3A_1462 = arith.constant 1 : i32
        %add3A_1463 = vector.broadcast %add3A_1462 : i32 to vector<16xi32>
        %add3A_1464 = arith.addi %get3A_1455, %add3A_1463 : vector<16xi32>
        %jit3A_1465 = arith.constant 0 : i32
        %broadcast_in_dim3A_1466 = vector.broadcast %jit3A_1465 : i32 to vector<16xi32>
        %select_n3A_1467 = arith.select %lt3A_1461, %add3A_1464, %broadcast_in_dim3A_1466 : vector<16xi1>, vector<16xi32>
        %swap3A_1468 = arith.index_cast %sub3A_1423 : i32 to index
        %swap3A_1469 = arith.constant 0 : index
        %swap3A_1470 = tpu.vector_load %arg6[%swap3A_1468, %swap3A_1469] {strides = array<i32>} : memref<50x128xi32, #tpu.memory_space<vmem>>, vector<1x16xi32>,
        %swap3A_1471 = vector.shape_cast %swap3A_1470 : vector<1x16xi32> to vector<16xi32>
        %swap3A_1472 = vector.shape_cast %select_n3A_1467 : vector<16xi32> to vector<1x16xi32>
        tpu.vector_store %arg6[%swap3A_1468, %swap3A_1469], %swap3A_1472 {strides = array<i32>} : memref<50x128xi32, #tpu.memory_space<vmem>>, vector<1x16xi32>,
        %mul3A_1473 = arith.constant 128 : i32
        %mul3A_1474 = arith.muli %sub3A_1423, %mul3A_1473 : i32
        %add3A_1475 = arith.constant 16 : i32
        %add3A_1476 = arith.addi %mul3A_1474, %add3A_1475 : i32
        %get3A_1477 = arith.index_cast %sub3A_1423 : i32 to index
        %get3A_1478 = arith.constant 16 : index
        %get3A_1479 = tpu.vector_load %arg6[%get3A_1477, %get3A_1478] {strides = array<i32>} : memref<50x128xi32, #tpu.memory_space<vmem>>, vector<1x16xi32>,
        %get3A_1480 = vector.shape_cast %get3A_1479 : vector<1x16xi32> to vector<16xi32>
        %add3A_1481 = vector.broadcast %add3A_1476 : i32 to vector<16xi32>
        %add3A_1482 = arith.addi %add3A_1481, %iota3A : vector<16xi32>
        %rem3A_1483 = arith.constant 200 : i32
        %rem3A_1484 = vector.broadcast %rem3A_1483 : i32 to vector<16xi32>
        %rem3A_1485 = arith.remsi %add3A_1482, %rem3A_1484 : vector<16xi32>
        %lt3A_1486 = arith.cmpi slt, %rem3A_1485, %get3A_4 : vector<16xi32>
        %add3A_1487 = arith.constant 1 : i32
        %add3A_1488 = vector.broadcast %add3A_1487 : i32 to vector<16xi32>
        %add3A_1489 = arith.addi %get3A_1480, %add3A_1488 : vector<16xi32>
        %jit3A_1490 = arith.constant 0 : i32
        %broadcast_in_dim3A_1491 = vector.broadcast %jit3A_1490 : i32 to vector<16xi32>
        %select_n3A_1492 = arith.select %lt3A_1486, %add3A_1489, %broadcast_in_dim3A_1491 : vector<16xi1>, vector<16xi32>
        %swap3A_1493 = arith.index_cast %sub3A_1423 : i32 to index
        %swap3A_1494 = arith.constant 16 : index
        %swap3A_1495 = tpu.vector_load %arg6[%swap3A_1493, %swap3A_1494] {strides = array<i32>} : memref<50x128xi32, #tpu.memory_space<vmem>>, vector<1x16xi32>,
        %swap3A_1496 = vector.shape_cast %swap3A_1495 : vector<1x16xi32> to vector<16xi32>
        %swap3A_1497 = vector.shape_cast %select_n3A_1492 : vector<16xi32> to vector<1x16xi32>
        tpu.vector_store %arg6[%swap3A_1493, %swap3A_1494], %swap3A_1497 {strides = array<i32>} : memref<50x128xi32, #tpu.memory_space<vmem>>, vector<1x16xi32>,
        %mul3A_1498 = arith.constant 128 : i32
        %mul3A_1499 = arith.muli %sub3A_1423, %mul3A_1498 : i32
        %add3A_1500 = arith.constant 32 : i32
        %add3A_1501 = arith.addi %mul3A_1499, %add3A_1500 : i32
        %get3A_1502 = arith.index_cast %sub3A_1423 : i32 to index
        %get3A_1503 = arith.constant 32 : index
        %get3A_1504 = tpu.vector_load %arg6[%get3A_1502, %get3A_1503] {strides = array<i32>} : memref<50x128xi32, #tpu.memory_space<vmem>>, vector<1x16xi32>,
        %get3A_1505 = vector.shape_cast %get3A_1504 : vector<1x16xi32> to vector<16xi32>
        %add3A_1506 = vector.broadcast %add3A_1501 : i32 to vector<16xi32>
        %add3A_1507 = arith.addi %add3A_1506, %iota3A : vector<16xi32>
        %rem3A_1508 = arith.constant 200 : i32
        %rem3A_1509 = vector.broadcast %rem3A_1508 : i32 to vector<16xi32>
        %rem3A_1510 = arith.remsi %add3A_1507, %rem3A_1509 : vector<16xi32>
        %lt3A_1511 = arith.cmpi slt, %rem3A_1510, %get3A_4 : vector<16xi32>
        %add3A_1512 = arith.constant 1 : i32
        %add3A_1513 = vector.broadcast %add3A_1512 : i32 to vector<16xi32>
        %add3A_1514 = arith.addi %get3A_1505, %add3A_1513 : vector<16xi32>
        %jit3A_1515 = arith.constant 0 : i32
        %broadcast_in_dim3A_1516 = vector.broadcast %jit3A_1515 : i32 to vector<16xi32>
        %select_n3A_1517 = arith.select %lt3A_1511, %add3A_1514, %broadcast_in_dim3A_1516 : vector<16xi1>, vector<16xi32>
        %swap3A_1518 = arith.index_cast %sub3A_1423 : i32 to index
        %swap3A_1519 = arith.constant 32 : index
        %swap3A_1520 = tpu.vector_load %arg6[%swap3A_1518, %swap3A_1519] {strides = array<i32>} : memref<50x128xi32, #tpu.memory_space<vmem>>, vector<1x16xi32>,
        %swap3A_1521 = vector.shape_cast %swap3A_1520 : vector<1x16xi32> to vector<16xi32>
        %swap3A_1522 = vector.shape_cast %select_n3A_1517 : vector<16xi32> to vector<1x16xi32>
        tpu.vector_store %arg6[%swap3A_1518, %swap3A_1519], %swap3A_1522 {strides = array<i32>} : memref<50x128xi32, #tpu.memory_space<vmem>>, vector<1x16xi32>,
        %mul3A_1523 = arith.constant 128 : i32
        %mul3A_1524 = arith.muli %sub3A_1423, %mul3A_1523 : i32
        %add3A_1525 = arith.constant 48 : i32
        %add3A_1526 = arith.addi %mul3A_1524, %add3A_1525 : i32
        %get3A_1527 = arith.index_cast %sub3A_1423 : i32 to index
        %get3A_1528 = arith.constant 48 : index
        %get3A_1529 = tpu.vector_load %arg6[%get3A_1527, %get3A_1528] {strides = array<i32>} : memref<50x128xi32, #tpu.memory_space<vmem>>, vector<1x16xi32>,
        %get3A_1530 = vector.shape_cast %get3A_1529 : vector<1x16xi32> to vector<16xi32>
        %add3A_1531 = vector.broadcast %add3A_1526 : i32 to vector<16xi32>
        %add3A_1532 = arith.addi %add3A_1531, %iota3A : vector<16xi32>
        %rem3A_1533 = arith.constant 200 : i32
        %rem3A_1534 = vector.broadcast %rem3A_1533 : i32 to vector<16xi32>
        %rem3A_1535 = arith.remsi %add3A_1532, %rem3A_1534 : vector<16xi32>
        %lt3A_1536 = arith.cmpi slt, %rem3A_1535, %get3A_4 : vector<16xi32>
        %add3A_1537 = arith.constant 1 : i32
        %add3A_1538 = vector.broadcast %add3A_1537 : i32 to vector<16xi32>
        %add3A_1539 = arith.addi %get3A_1530, %add3A_1538 : vector<16xi32>
        %jit3A_1540 = arith.constant 0 : i32
        %broadcast_in_dim3A_1541 = vector.broadcast %jit3A_1540 : i32 to vector<16xi32>
        %select_n3A_1542 = arith.select %lt3A_1536, %add3A_1539, %broadcast_in_dim3A_1541 : vector<16xi1>, vector<16xi32>
        %swap3A_1543 = arith.index_cast %sub3A_1423 : i32 to index
        %swap3A_1544 = arith.constant 48 : index
        %swap3A_1545 = tpu.vector_load %arg6[%swap3A_1543, %swap3A_1544] {strides = array<i32>} : memref<50x128xi32, #tpu.memory_space<vmem>>, vector<1x16xi32>,
        %swap3A_1546 = vector.shape_cast %swap3A_1545 : vector<1x16xi32> to vector<16xi32>
        %swap3A_1547 = vector.shape_cast %select_n3A_1542 : vector<16xi32> to vector<1x16xi32>
        tpu.vector_store %arg6[%swap3A_1543, %swap3A_1544], %swap3A_1547 {strides = array<i32>} : memref<50x128xi32, #tpu.memory_space<vmem>>, vector<1x16xi32>,
        %mul3A_1548 = arith.constant 128 : i32
        %mul3A_1549 = arith.muli %sub3A_1423, %mul3A_1548 : i32
        %add3A_1550 = arith.constant 64 : i32
        %add3A_1551 = arith.addi %mul3A_1549, %add3A_1550 : i32
        %get3A_1552 = arith.index_cast %sub3A_1423 : i32 to index
        %get3A_1553 = arith.constant 64 : index
        %get3A_1554 = tpu.vector_load %arg6[%get3A_1552, %get3A_1553] {strides = array<i32>} : memref<50x128xi32, #tpu.memory_space<vmem>>, vector<1x16xi32>,
        %get3A_1555 = vector.shape_cast %get3A_1554 : vector<1x16xi32> to vector<16xi32>
        %add3A_1556 = vector.broadcast %add3A_1551 : i32 to vector<16xi32>
        %add3A_1557 = arith.addi %add3A_1556, %iota3A : vector<16xi32>
        %rem3A_1558 = arith.constant 200 : i32
        %rem3A_1559 = vector.broadcast %rem3A_1558 : i32 to vector<16xi32>
        %rem3A_1560 = arith.remsi %add3A_1557, %rem3A_1559 : vector<16xi32>
        %lt3A_1561 = arith.cmpi slt, %rem3A_1560, %get3A_4 : vector<16xi32>
        %add3A_1562 = arith.constant 1 : i32
        %add3A_1563 = vector.broadcast %add3A_1562 : i32 to vector<16xi32>
        %add3A_1564 = arith.addi %get3A_1555, %add3A_1563 : vector<16xi32>
        %jit3A_1565 = arith.constant 0 : i32
        %broadcast_in_dim3A_1566 = vector.broadcast %jit3A_1565 : i32 to vector<16xi32>
        %select_n3A_1567 = arith.select %lt3A_1561, %add3A_1564, %broadcast_in_dim3A_1566 : vector<16xi1>, vector<16xi32>
        %swap3A_1568 = arith.index_cast %sub3A_1423 : i32 to index
        %swap3A_1569 = arith.constant 64 : index
        %swap3A_1570 = tpu.vector_load %arg6[%swap3A_1568, %swap3A_1569] {strides = array<i32>} : memref<50x128xi32, #tpu.memory_space<vmem>>, vector<1x16xi32>,
        %swap3A_1571 = vector.shape_cast %swap3A_1570 : vector<1x16xi32> to vector<16xi32>
        %swap3A_1572 = vector.shape_cast %select_n3A_1567 : vector<16xi32> to vector<1x16xi32>
        tpu.vector_store %arg6[%swap3A_1568, %swap3A_1569], %swap3A_1572 {strides = array<i32>} : memref<50x128xi32, #tpu.memory_space<vmem>>, vector<1x16xi32>,
        %mul3A_1573 = arith.constant 128 : i32
        %mul3A_1574 = arith.muli %sub3A_1423, %mul3A_1573 : i32
        %add3A_1575 = arith.constant 80 : i32
        %add3A_1576 = arith.addi %mul3A_1574, %add3A_1575 : i32
        %get3A_1577 = arith.index_cast %sub3A_1423 : i32 to index
        %get3A_1578 = arith.constant 80 : index
        %get3A_1579 = tpu.vector_load %arg6[%get3A_1577, %get3A_1578] {strides = array<i32>} : memref<50x128xi32, #tpu.memory_space<vmem>>, vector<1x16xi32>,
        %get3A_1580 = vector.shape_cast %get3A_1579 : vector<1x16xi32> to vector<16xi32>
        %add3A_1581 = vector.broadcast %add3A_1576 : i32 to vector<16xi32>
        %add3A_1582 = arith.addi %add3A_1581, %iota3A : vector<16xi32>
        %rem3A_1583 = arith.constant 200 : i32
        %rem3A_1584 = vector.broadcast %rem3A_1583 : i32 to vector<16xi32>
        %rem3A_1585 = arith.remsi %add3A_1582, %rem3A_1584 : vector<16xi32>
        %lt3A_1586 = arith.cmpi slt, %rem3A_1585, %get3A_4 : vector<16xi32>
        %add3A_1587 = arith.constant 1 : i32
        %add3A_1588 = vector.broadcast %add3A_1587 : i32 to vector<16xi32>
        %add3A_1589 = arith.addi %get3A_1580, %add3A_1588 : vector<16xi32>
        %jit3A_1590 = arith.constant 0 : i32
        %broadcast_in_dim3A_1591 = vector.broadcast %jit3A_1590 : i32 to vector<16xi32>
        %select_n3A_1592 = arith.select %lt3A_1586, %add3A_1589, %broadcast_in_dim3A_1591 : vector<16xi1>, vector<16xi32>
        %swap3A_1593 = arith.index_cast %sub3A_1423 : i32 to index
        %swap3A_1594 = arith.constant 80 : index
        %swap3A_1595 = tpu.vector_load %arg6[%swap3A_1593, %swap3A_1594] {strides = array<i32>} : memref<50x128xi32, #tpu.memory_space<vmem>>, vector<1x16xi32>,
        %swap3A_1596 = vector.shape_cast %swap3A_1595 : vector<1x16xi32> to vector<16xi32>
        %swap3A_1597 = vector.shape_cast %select_n3A_1592 : vector<16xi32> to vector<1x16xi32>
        tpu.vector_store %arg6[%swap3A_1593, %swap3A_1594], %swap3A_1597 {strides = array<i32>} : memref<50x128xi32, #tpu.memory_space<vmem>>, vector<1x16xi32>,
        %mul3A_1598 = arith.constant 128 : i32
        %mul3A_1599 = arith.muli %sub3A_1423, %mul3A_1598 : i32
        %add3A_1600 = arith.constant 96 : i32
        %add3A_1601 = arith.addi %mul3A_1599, %add3A_1600 : i32
        %get3A_1602 = arith.index_cast %sub3A_1423 : i32 to index
        %get3A_1603 = arith.constant 96 : index
        %get3A_1604 = tpu.vector_load %arg6[%get3A_1602, %get3A_1603] {strides = array<i32>} : memref<50x128xi32, #tpu.memory_space<vmem>>, vector<1x16xi32>,
        %get3A_1605 = vector.shape_cast %get3A_1604 : vector<1x16xi32> to vector<16xi32>
        %add3A_1606 = vector.broadcast %add3A_1601 : i32 to vector<16xi32>
        %add3A_1607 = arith.addi %add3A_1606, %iota3A : vector<16xi32>
        %rem3A_1608 = arith.constant 200 : i32
        %rem3A_1609 = vector.broadcast %rem3A_1608 : i32 to vector<16xi32>
        %rem3A_1610 = arith.remsi %add3A_1607, %rem3A_1609 : vector<16xi32>
        %lt3A_1611 = arith.cmpi slt, %rem3A_1610, %get3A_4 : vector<16xi32>
        %add3A_1612 = arith.constant 1 : i32
        %add3A_1613 = vector.broadcast %add3A_1612 : i32 to vector<16xi32>
        %add3A_1614 = arith.addi %get3A_1605, %add3A_1613 : vector<16xi32>
        %jit3A_1615 = arith.constant 0 : i32
        %broadcast_in_dim3A_1616 = vector.broadcast %jit3A_1615 : i32 to vector<16xi32>
        %select_n3A_1617 = arith.select %lt3A_1611, %add3A_1614, %broadcast_in_dim3A_1616 : vector<16xi1>, vector<16xi32>
        %swap3A_1618 = arith.index_cast %sub3A_1423 : i32 to index
        %swap3A_1619 = arith.constant 96 : index
        %swap3A_1620 = tpu.vector_load %arg6[%swap3A_1618, %swap3A_1619] {strides = array<i32>} : memref<50x128xi32, #tpu.memory_space<vmem>>, vector<1x16xi32>,
        %swap3A_1621 = vector.shape_cast %swap3A_1620 : vector<1x16xi32> to vector<16xi32>
        %swap3A_1622 = vector.shape_cast %select_n3A_1617 : vector<16xi32> to vector<1x16xi32>
        tpu.vector_store %arg6[%swap3A_1618, %swap3A_1619], %swap3A_1622 {strides = array<i32>} : memref<50x128xi32, #tpu.memory_space<vmem>>, vector<1x16xi32>,
        %mul3A_1623 = arith.constant 128 : i32
        %mul3A_1624 = arith.muli %sub3A_1423, %mul3A_1623 : i32
        %add3A_1625 = arith.constant 112 : i32
        %add3A_1626 = arith.addi %mul3A_1624, %add3A_1625 : i32
        %get3A_1627 = arith.index_cast %sub3A_1423 : i32 to index
        %get3A_1628 = arith.constant 112 : index
        %get3A_1629 = tpu.vector_load %arg6[%get3A_1627, %get3A_1628] {strides = array<i32>} : memref<50x128xi32, #tpu.memory_space<vmem>>, vector<1x16xi32>,
        %get3A_1630 = vector.shape_cast %get3A_1629 : vector<1x16xi32> to vector<16xi32>
        %add3A_1631 = vector.broadcast %add3A_1626 : i32 to vector<16xi32>
        %add3A_1632 = arith.addi %add3A_1631, %iota3A : vector<16xi32>
        %rem3A_1633 = arith.constant 200 : i32
        %rem3A_1634 = vector.broadcast %rem3A_1633 : i32 to vector<16xi32>
        %rem3A_1635 = arith.remsi %add3A_1632, %rem3A_1634 : vector<16xi32>
        %lt3A_1636 = arith.cmpi slt, %rem3A_1635, %get3A_4 : vector<16xi32>
        %add3A_1637 = arith.constant 1 : i32
        %add3A_1638 = vector.broadcast %add3A_1637 : i32 to vector<16xi32>
        %add3A_1639 = arith.addi %get3A_1630, %add3A_1638 : vector<16xi32>
        %jit3A_1640 = arith.constant 0 : i32
        %broadcast_in_dim3A_1641 = vector.broadcast %jit3A_1640 : i32 to vector<16xi32>
        %select_n3A_1642 = arith.select %lt3A_1636, %add3A_1639, %broadcast_in_dim3A_1641 : vector<16xi1>, vector<16xi32>
        %swap3A_1643 = arith.index_cast %sub3A_1423 : i32 to index
        %swap3A_1644 = arith.constant 112 : index
        %swap3A_1645 = tpu.vector_load %arg6[%swap3A_1643, %swap3A_1644] {strides = array<i32>} : memref<50x128xi32, #tpu.memory_space<vmem>>, vector<1x16xi32>,
        %swap3A_1646 = vector.shape_cast %swap3A_1645 : vector<1x16xi32> to vector<16xi32>
        %swap3A_1647 = vector.shape_cast %select_n3A_1642 : vector<16xi32> to vector<1x16xi32>
        tpu.vector_store %arg6[%swap3A_1643, %swap3A_1644], %swap3A_1647 {strides = array<i32>} : memref<50x128xi32, #tpu.memory_space<vmem>>, vector<1x16xi32>,
      } else {
      }
      %dma_wait3A_1429 = arith.constant 0 : i32
      %dma_wait3A_1430 = arith.constant 0 : i32
      %dma_wait3A_1431 = tpu.memref_slice %arg6[%dma_wait3A_1429, %dma_wait3A_1430] : memref<50x128xi32, #tpu.memory_space<vmem>> -> memref<1x128xi32, #tpu.memory_space<vmem>>
      %dma_wait3A_1432 = tpu.memref_squeeze %dma_wait3A_1431 : memref<1x128xi32, #tpu.memory_space<vmem>> -> memref<128xi32, #tpu.memory_space<vmem>>
      %dma_wait3A_1433 = arith.constant 0 : i32
      %dma_wait3A_1434 = arith.constant 0 : i32
      %dma_wait3A_1435 = tpu.memref_slice %arg2[%dma_wait3A_1433, %dma_wait3A_1434] : memref<100001x128xf32, #tpu.memory_space<hbm>> -> memref<100001x128xf32, #tpu.memory_space<hbm>>
      tpu.wait_indirect_dma semaphore(%arg21 : memref<!tpu.dma_semaphore, #tpu.memory_space<semaphore_mem>>) src(%dma_wait3A_1435 : memref<100001x128xf32, #tpu.memory_space<hbm>>) dst(%arg14 : memref<128x128xf32, #tpu.memory_space<vmem>>)
      %mul3A_1436 = arith.constant 128 : i32
      %mul3A_1437 = arith.muli %add3A_1419, %mul3A_1436 : i32
      %add3A_1438 = arith.addi %mul3A_2, %mul3A_1437 : i32
      %dma_start3A_1439 = arith.constant 0 : i32
      %dma_start3A_1440 = tpu.memref_slice %arg5[%add3A_1438, %dma_start3A_1439] : memref<204800x128xf32, #tpu.memory_space<hbm>> -> memref<128x128xf32, #tpu.memory_space<hbm>>
      %dma_start3A_1441 = arith.constant 0 : i32
      %dma_start3A_1442 = tpu.memref_slice %arg5[%add3A_1438, %dma_start3A_1441] : memref<204800x128xf32, #tpu.memory_space<hbm>> -> memref<128x128xf32, #tpu.memory_space<hbm>>
      tpu.enqueue_dma source(%arg14 : memref<128x128xf32, #tpu.memory_space<vmem>>) target(%dma_start3A_1442 : memref<128x128xf32, #tpu.memory_space<hbm>>) target_semaphore(%arg28 : memref<!tpu.dma_semaphore, #tpu.memory_space<semaphore_mem>>)
      %lt3A_1443 = arith.constant 50 : i32
      %lt3A_1444 = arith.cmpi slt, %sub3A_1423, %lt3A_1443 : i32
      %convert_element_type3A_1445 = arith.extui %lt3A_1444 : i1 to i32
      %cond3A_1446 = arith.constant 0 : i32
      %cond3A_1447 = arith.cmpi ne, %convert_element_type3A_1445, %cond3A_1446 : i32
      scf.if %cond3A_1447 {
        %ge3A = arith.constant 1 : i32
        %ge3A_1448 = arith.cmpi sge, %add3A_1419, %ge3A : i32
        %convert_element_type3A_1449 = arith.extui %ge3A_1448 : i1 to i32
        %cond3A_1450 = arith.constant 0 : i32
        %cond3A_1451 = arith.cmpi ne, %convert_element_type3A_1449, %cond3A_1450 : i32
        scf.if %cond3A_1451 {
          %dma_wait3A_1458 = arith.constant 0 : i32
          %dma_wait3A_1459 = tpu.memref_slice %arg5[%mul3A_2, %dma_wait3A_1458] : memref<204800x128xf32, #tpu.memory_space<hbm>> -> memref<128x128xf32, #tpu.memory_space<hbm>>
          %dma_wait3A_1460 = arith.constant 0 : i32
          %dma_wait3A_1461 = tpu.memref_slice %arg5[%mul3A_2, %dma_wait3A_1460] : memref<204800x128xf32, #tpu.memory_space<hbm>> -> memref<128x128xf32, #tpu.memory_space<hbm>>
          tpu.wait_dma2 semaphore(%arg27 : memref<!tpu.dma_semaphore, #tpu.memory_space<semaphore_mem>>) src(%arg13 : memref<128x128xf32, #tpu.memory_space<vmem>>) dst(%dma_wait3A_1461 : memref<128x128xf32, #tpu.memory_space<hbm>>)
        } else {
        }
        %dma_start3A_1452 = arith.constant 0 : i32
        %dma_start3A_1453 = tpu.memref_slice %arg6[%sub3A_1423, %dma_start3A_1452] : memref<50x128xi32, #tpu.memory_space<vmem>> -> memref<1x128xi32, #tpu.memory_space<vmem>>
        %dma_start3A_1454 = tpu.memref_squeeze %dma_start3A_1453 : memref<1x128xi32, #tpu.memory_space<vmem>> -> memref<128xi32, #tpu.memory_space<vmem>>
        %dma_start3A_1455 = arith.constant 0 : i32
        %dma_start3A_1456 = arith.constant 0 : i32
        %dma_start3A_1457 = tpu.memref_slice %arg2[%dma_start3A_1455, %dma_start3A_1456] : memref<100001x128xf32, #tpu.memory_space<hbm>> -> memref<100001x128xf32, #tpu.memory_space<hbm>>
        tpu.enqueue_indirect_dma source(%dma_start3A_1457 : memref<100001x128xf32, #tpu.memory_space<hbm>>) target(%arg13 : memref<128x128xf32, #tpu.memory_space<vmem>>) offsets(%dma_start3A_1454 : memref<128xi32, #tpu.memory_space<vmem>>) semaphore(%arg20 : memref<!tpu.dma_semaphore, #tpu.memory_space<semaphore_mem>>)
      } else {
      }
    }
    %scan3A_1195 = arith.constant 7 : i32
    %dma_wait3A = arith.constant 0 : i32
    %dma_wait3A_1196 = arith.constant 0 : i32
    %dma_wait3A_1197 = tpu.memref_slice %arg6[%dma_wait3A, %dma_wait3A_1196] : memref<50x128xi32, #tpu.memory_space<vmem>> -> memref<1x128xi32, #tpu.memory_space<vmem>>
    %dma_wait3A_1198 = tpu.memref_squeeze %dma_wait3A_1197 : memref<1x128xi32, #tpu.memory_space<vmem>> -> memref<128xi32, #tpu.memory_space<vmem>>
    %dma_wait3A_1199 = arith.constant 0 : i32
    %dma_wait3A_1200 = arith.constant 0 : i32
    %dma_wait3A_1201 = tpu.memref_slice %arg2[%dma_wait3A_1199, %dma_wait3A_1200] : memref<100001x128xf32, #tpu.memory_space<hbm>> -> memref<100001x128xf32, #tpu.memory_space<hbm>>
    tpu.wait_indirect_dma semaphore(%arg15 : memref<!tpu.dma_semaphore, #tpu.memory_space<semaphore_mem>>) src(%dma_wait3A_1201 : memref<100001x128xf32, #tpu.memory_space<hbm>>) dst(%arg8 : memref<128x128xf32, #tpu.memory_space<vmem>>)
    %add3A_1202 = arith.constant 6272 : i32
    %add3A_1203 = arith.addi %mul3A_2, %add3A_1202 : i32
    %dma_start3A_1204 = arith.constant 0 : i32
    %dma_start3A_1205 = tpu.memref_slice %arg5[%add3A_1203, %dma_start3A_1204] : memref<204800x128xf32, #tpu.memory_space<hbm>> -> memref<128x128xf32, #tpu.memory_space<hbm>>
    %dma_start3A_1206 = arith.constant 0 : i32
    %dma_start3A_1207 = tpu.memref_slice %arg5[%add3A_1203, %dma_start3A_1206] : memref<204800x128xf32, #tpu.memory_space<hbm>> -> memref<128x128xf32, #tpu.memory_space<hbm>>
    tpu.enqueue_dma source(%arg8 : memref<128x128xf32, #tpu.memory_space<vmem>>) target(%dma_start3A_1207 : memref<128x128xf32, #tpu.memory_space<hbm>>) target_semaphore(%arg22 : memref<!tpu.dma_semaphore, #tpu.memory_space<semaphore_mem>>)
    %dma_wait3A_1208 = arith.constant 0 : i32
    %dma_wait3A_1209 = tpu.memref_slice %arg5[%mul3A_2, %dma_wait3A_1208] : memref<204800x128xf32, #tpu.memory_space<hbm>> -> memref<128x128xf32, #tpu.memory_space<hbm>>
    %dma_wait3A_1210 = arith.constant 0 : i32
    %dma_wait3A_1211 = tpu.memref_slice %arg5[%mul3A_2, %dma_wait3A_1210] : memref<204800x128xf32, #tpu.memory_space<hbm>> -> memref<128x128xf32, #tpu.memory_space<hbm>>
    tpu.wait_dma2 semaphore(%arg23 : memref<!tpu.dma_semaphore, #tpu.memory_space<semaphore_mem>>) src(%arg9 : memref<128x128xf32, #tpu.memory_space<vmem>>) dst(%dma_wait3A_1211 : memref<128x128xf32, #tpu.memory_space<hbm>>)
    %dma_wait3A_1212 = arith.constant 0 : i32
    %dma_wait3A_1213 = tpu.memref_slice %arg5[%mul3A_2, %dma_wait3A_1212] : memref<204800x128xf32, #tpu.memory_space<hbm>> -> memref<128x128xf32, #tpu.memory_space<hbm>>
    %dma_wait3A_1214 = arith.constant 0 : i32
    %dma_wait3A_1215 = tpu.memref_slice %arg5[%mul3A_2, %dma_wait3A_1214] : memref<204800x128xf32, #tpu.memory_space<hbm>> -> memref<128x128xf32, #tpu.memory_space<hbm>>
    tpu.wait_dma2 semaphore(%arg24 : memref<!tpu.dma_semaphore, #tpu.memory_space<semaphore_mem>>) src(%arg10 : memref<128x128xf32, #tpu.memory_space<vmem>>) dst(%dma_wait3A_1215 : memref<128x128xf32, #tpu.memory_space<hbm>>)
    %dma_wait3A_1216 = arith.constant 0 : i32
    %dma_wait3A_1217 = tpu.memref_slice %arg5[%mul3A_2, %dma_wait3A_1216] : memref<204800x128xf32, #tpu.memory_space<hbm>> -> memref<128x128xf32, #tpu.memory_space<hbm>>
    %dma_wait3A_1218 = arith.constant 0 : i32
    %dma_wait3A_1219 = tpu.memref_slice %arg5[%mul3A_2, %dma_wait3A_1218] : memref<204800x128xf32, #tpu.memory_space<hbm>> -> memref<128x128xf32, #tpu.memory_space<hbm>>
    tpu.wait_dma2 semaphore(%arg25 : memref<!tpu.dma_semaphore, #tpu.memory_space<semaphore_mem>>) src(%arg11 : memref<128x128xf32, #tpu.memory_space<vmem>>) dst(%dma_wait3A_1219 : memref<128x128xf32, #tpu.memory_space<hbm>>)
    %dma_wait3A_1220 = arith.constant 0 : i32
    %dma_wait3A_1221 = tpu.memref_slice %arg5[%mul3A_2, %dma_wait3A_1220] : memref<204800x128xf32, #tpu.memory_space<hbm>> -> memref<128x128xf32, #tpu.memory_space<hbm>>
    %dma_wait3A_1222 = arith.constant 0 : i32
    %dma_wait3A_1223 = tpu.memref_slice %arg5[%mul3A_2, %dma_wait3A_1222] : memref<204800x128xf32, #tpu.memory_space<hbm>> -> memref<128x128xf32, #tpu.memory_space<hbm>>
    tpu.wait_dma2 semaphore(%arg26 : memref<!tpu.dma_semaphore, #tpu.memory_space<semaphore_mem>>) src(%arg12 : memref<128x128xf32, #tpu.memory_space<vmem>>) dst(%dma_wait3A_1223 : memref<128x128xf32, #tpu.memory_space<hbm>>)
    %dma_wait3A_1224 = arith.constant 0 : i32
    %dma_wait3A_1225 = tpu.memref_slice %arg5[%mul3A_2, %dma_wait3A_1224] : memref<204800x128xf32, #tpu.memory_space<hbm>> -> memref<128x128xf32, #tpu.memory_space<hbm>>
    %dma_wait3A_1226 = arith.constant 0 : i32
    %dma_wait3A_1227 = tpu.memref_slice %arg5[%mul3A_2, %dma_wait3A_1226] : memref<204800x128xf32, #tpu.memory_space<hbm>> -> memref<128x128xf32, #tpu.memory_space<hbm>>
    tpu.wait_dma2 semaphore(%arg27 : memref<!tpu.dma_semaphore, #tpu.memory_space<semaphore_mem>>) src(%arg13 : memref<128x128xf32, #tpu.memory_space<vmem>>) dst(%dma_wait3A_1227 : memref<128x128xf32, #tpu.memory_space<hbm>>)
    %dma_wait3A_1228 = arith.constant 0 : i32
    %dma_wait3A_1229 = tpu.memref_slice %arg5[%mul3A_2, %dma_wait3A_1228] : memref<204800x128xf32, #tpu.memory_space<hbm>> -> memref<128x128xf32, #tpu.memory_space<hbm>>
    %dma_wait3A_1230 = arith.constant 0 : i32
    %dma_wait3A_1231 = tpu.memref_slice %arg5[%mul3A_2, %dma_wait3A_1230] : memref<204800x128xf32, #tpu.memory_space<hbm>> -> memref<128x128xf32, #tpu.memory_space<hbm>>
    tpu.wait_dma2 semaphore(%arg28 : memref<!tpu.dma_semaphore, #tpu.memory_space<semaphore_mem>>) src(%arg14 : memref<128x128xf32, #tpu.memory_space<vmem>>) dst(%dma_wait3A_1231 : memref<128x128xf32, #tpu.memory_space<hbm>>)
    %dma_wait3A_1232 = arith.constant 0 : i32
    %dma_wait3A_1233 = tpu.memref_slice %arg5[%mul3A_2, %dma_wait3A_1232] : memref<204800x128xf32, #tpu.memory_space<hbm>> -> memref<128x128xf32, #tpu.memory_space<hbm>>
    %dma_wait3A_1234 = arith.constant 0 : i32
    %dma_wait3A_1235 = tpu.memref_slice %arg5[%mul3A_2, %dma_wait3A_1234] : memref<204800x128xf32, #tpu.memory_space<hbm>> -> memref<128x128xf32, #tpu.memory_space<hbm>>
    tpu.wait_dma2 semaphore(%arg22 : memref<!tpu.dma_semaphore, #tpu.memory_space<semaphore_mem>>) src(%arg8 : memref<128x128xf32, #tpu.memory_space<vmem>>) dst(%dma_wait3A_1235 : memref<128x128xf32, #tpu.memory_space<hbm>>)
    return
  }
}

</mosaic_0001>

<sc_bundles>
// kernel: kernel.3.cloned.1.call-start
scs
__scs_entry_jumppad:
0x0: {  	(pc) =	sbr.rel $0x88, $3  }
0x1: {  	(tag) =	ssettag $0x0;
	lr =	simm.s32 $0x1  }
0x2: {  	[smem:$0x3F9E] =	sst lr;
	_ =	strace $0xD0000000  }
0x3: {  	_ = 	snop  }
0x4: {  	_ = 	snop  }
0x5: {  	_ = 	snop  }
0x6: {  	_ = 	snop  }
0x7: {  	_ = 	snop  }
__scs_overlays_trampoline_lowered:
0x8: {  	[smem:$0x3FAD] =	sst s0  }
0x9: {  	[smem:$0x3FAE] =	sst s1  }
0xa: {  	[smem:$0x3FAF] =	sst s2  }
0xb: {  	[smem:$0x3FB0] =	sst s3  }
0xc: {  	[smem:$0x3FB1] =	sst s4  }
0xd: {  	[smem:$0x3FB2] =	sst s5  }
0xe: {  	[smem:$0x3FB3] =	sst s6  }
0xf: {  	[smem:$0x3FB4] =	sst s7  }
0x10: {  	[smem:$0x3FB5] =	sst s8  }
0x11: {  	[smem:$0x3FB6] =	sst s9;
	s0 =	simm.s32 @!p0 $0x0  }
0x12: {  	s1 =	sld [smem:$0x3F9C];
	s0 =	simm.s32 @p0 $0x1  }
0x13: {  	[smem:$0x3FB7] =	sst s0;
	s0 =	simm.s32 @!p1 $0x0  }
0x14: {  	s2 =	sld [smem:$0x3F9B];
	s0 =	simm.s32 @p1 $0x1  }
0x15: {  	[smem:$0x3FB8] =	sst s0;
	s0 =	simm.s32 @!p2 $0x0  }
0x16: {  	s3 =	sld [smem:$0x3FDB];
	s0 =	simm.s32 @p2 $0x1  }
0x17: {  	s4 =	simm.s32 $0x1BF5;
	[smem:$0x3FBA] =	sst s0  }
0x18: {  	s0 =	sld [smem:$0x3F9D];
	_ =	swait.ge [sflag:s4], $0x0  }
0x19: {  	s7 =	sld [smem:$0x3F9E]  }
0x1a: {  	s8 =	sadd.s32 $0xFFFFE003, lr  }
0x1b: {  	s9 =	sadd.s32 $0xFFFFFEF7, lr;
	s5 =	simm.s32 $0xFFFFFFFF;
	p2 =	slt.u32 s8, $0xFFFFF086  }
0x1c: {  	p1 =	slt.u32 s9, $0xF7A;
	s5 =	simm.s32 @!p2 $0x0  }
0x1d: {  	s5 =	simm.s32 @p1 $0x1;
	p0 =	seq.s32 s7, s2  }
0x1e: {  	s7 =	smul.u32 @!p0 $0xF7A, s2;
	p2 =	seq.s32 @!p0 s5, $0x0  }
0x1f: {  	s9 =	smul.u32 $0xF7A, s1;
	s8 =	simm.s32 @!p0 $0x1BF5;
	p2 =	por !p2, p0  }
0x20: {  	[sflag:s8] =	ssyncset.s32 @!p0 $0xFFFFF086;
	s6 =	sadd.s32 @!p0 s3, s7;
	s7 =	simm.s32 @!p0 $0x108  }
0x21: {  	s3 =	sadd.s32 s3, s9;
	s6 =	sadd.s32 @!p0 $0x88, s6;
	s7 =	simm.s32 @p2 $0x1082  }
0x22: {  	[simem:s7], [sflag:s8] =	dma.local @!p0 [hbm:s6], $0xF7A  }
0x23: {  	s9 =	sor.u32 $0xD0000000, s2;
	s6 =	simm.s32 $0x108;
	_ =	swait.ge @!p0 [sflag:s8], $0x0  }
0x24: {  	s3 =	sadd.s32 $0x88, s3;
	s6 =	simm.s32 @!p1 $0x1082;
	[sflag:s4] =	ssyncset.s32 $0xFFFFF086  }
0x25: {  	[simem:s6], [sflag:s4] =	dma.local [hbm:s3], $0xF7A  }
0x26: {  	[smem:$0x3F9E] =	sst s1;
	(tag) =	ssettag s2;
	_ =	strace s9  }
0x27: {  	s1 =	sld [smem:$0x3FAE]  }
0x28: {  	s2 =	sld [smem:$0x3FAF]  }
0x29: {  	s4 =	sld [smem:$0x3FB1]  }
0x2a: {  	p0 =	seq.s32 s5, $0x0;
	s5 =	sld [smem:$0x3FB2]  }
0x2b: {  	s6 =	sld [smem:$0x3FB3]  }
0x2c: {  	s7 =	sld [smem:$0x3FB4]  }
0x2d: {  	s3 =	simm.s32 $0x108;
	s8 =	sld [smem:$0x3FB5]  }
0x2e: {  	s3 =	simm.s32 @!p0 $0x1082;
	s9 =	sld [smem:$0x3FB6]  }
0x2f: {  	lr =	sadd.s32 s0, s3;
	s0 =	sld [smem:$0x3FAD]  }
0x30: {  	s3 =	sld [smem:$0x3FB0]  }
0x31: {  	[smem:$0x3FB9] =	sst s10  }
0x32: {  	s10 =	sld [smem:$0x3FB7];
	_ =	sdelay $0x3  }
0x33: {  	p0 =	seq.s32 s10, $0x1;
	s10 =	sld [smem:$0x3FB9];
	_ =	sdelay $0x3  }
0x34: {  	[smem:$0x3FB9] =	sst s10  }
0x35: {  	s10 =	sld [smem:$0x3FB8];
	_ =	sdelay $0x3  }
0x36: {  	p1 =	seq.s32 s10, $0x1;
	s10 =	sld [smem:$0x3FB9];
	_ =	sdelay $0x3  }
0x37: {  	[smem:$0x3FB9] =	sst s10  }
0x38: {  	s10 =	sld [smem:$0x3FBA]  }
0x39: {  	_ = 	snop;
	(pc) =	sbr.ind lr, $3  }
0x3a: {  	_ = 	snop  }
0x3b: {  	_ = 	snop  }
0x3c: {  	p2 =	seq.s32 s10, $0x1;
	s10 =	sld [smem:$0x3FB9]  }
0x3d: {  	_ =	shalt  }
0x3e: {  	_ =	shalt  }
0x3f: {  	_ =	shalt  }
0x40: {  	_ =	shalt  }
0x41: {  	_ =	shalt  }
0x42: {  	_ =	shalt  }
0x43: {  	_ =	shalt  }
0x44: {  	_ =	shalt  }
0x45: {  	_ =	shalt  }
0x46: {  	_ =	shalt  }
0x47: {  	_ =	shalt  }
0x48: {  	_ =	shalt  }
0x49: {  	_ =	shalt  }
0x4a: {  	_ =	shalt  }
0x4b: {  	_ =	shalt  }
0x4c: {  	_ =	shalt  }
0x4d: {  	_ =	shalt  }
0x4e: {  	_ =	shalt  }
0x4f: {  	_ =	shalt  }
0x50: {  	_ =	shalt  }
0x51: {  	_ =	shalt  }
0x52: {  	_ =	shalt  }
0x53: {  	_ =	shalt  }
0x54: {  	_ =	shalt  }
0x55: {  	_ =	shalt  }
0x56: {  	_ =	shalt  }
0x57: {  	_ =	shalt  }
0x58: {  	_ =	shalt  }
0x59: {  	_ =	shalt  }
0x5a: {  	_ =	shalt  }
0x5b: {  	_ =	shalt  }
0x5c: {  	_ =	shalt  }
0x5d: {  	_ =	shalt  }
0x5e: {  	_ =	shalt  }
0x5f: {  	_ =	shalt  }
0x60: {  	_ =	shalt  }
0x61: {  	_ =	shalt  }
0x62: {  	_ =	shalt  }
0x63: {  	_ =	shalt  }
0x64: {  	_ =	shalt  }
0x65: {  	_ =	shalt  }
0x66: {  	_ =	shalt  }
0x67: {  	_ =	shalt  }
0x68: {  	_ =	shalt  }
0x69: {  	_ =	shalt  }
0x6a: {  	_ =	shalt  }
0x6b: {  	_ =	shalt  }
0x6c: {  	_ =	shalt  }
0x6d: {  	_ =	shalt  }
0x6e: {  	_ =	shalt  }
0x6f: {  	_ =	shalt  }
0x70: {  	_ =	shalt  }
0x71: {  	_ =	shalt  }
0x72: {  	_ =	shalt  }
0x73: {  	_ =	shalt  }
0x74: {  	_ =	shalt  }
0x75: {  	_ =	shalt  }
0x76: {  	_ =	shalt  }
0x77: {  	_ =	shalt  }
0x78: {  	_ =	shalt  }
0x79: {  	_ =	shalt  }
0x7a: {  	_ =	shalt  }
0x7b: {  	_ =	shalt  }
0x7c: {  	_ =	shalt  }
0x7d: {  	_ =	shalt  }
0x7e: {  	_ =	shalt  }
0x7f: {  	_ =	shalt  }
0x80: {  	_ =	shalt  }
0x81: {  	_ =	shalt  }
0x82: {  	_ =	shalt  }
0x83: {  	_ =	shalt  }
0x84: {  	_ =	shalt  }
0x85: {  	_ =	shalt  }
0x86: {  	_ =	shalt  }
0x87: {  	_ =	shalt  }
.Lfunc_end0:
.L_simem_size_0:
called_computation_lowered:
.L_overlay_start_0:
0x88: {  	s2 =	sld [smem:$0x3FD9]  }
0x89: {  	s3 =	sld [smem:$0x3FFE];
	_ =	sdelay $0x1  }
0x8a: {  	s1 =	srdreg.scid  }
0x8b: {  	s0 =	sand.u32 $0x1, s1  }
0x8c: {  	s17 =	sshll.u32 s0, $0xA;
	s2 =	sadd.s32 s3, s2  }
0x8d: {  	s2 =	sadd.s32 s2, s17  }
0x8e: {  	[smem:$0x3FC5] =	sst s2  }
0x8f: {  	_ = 	snop  }
0x90: {  	s2 =	sld [smem:$0x3FC7]  }
0x91: {  	s18 =	sld [smem:$0x3FD0];
	(tm) =	ssettm $0x1  }
0x92: {  	s4 =	sld [smem:$0x3FFB];
	_ =	sdelay $0x3  }
0x93: {  	_ =	strace s4  }
0x94: {  	s4 =	sld [smem:$0x3FFC];
	_ =	sdelay $0x3  }
0x95: {  	_ =	strace s4  }
0x96: {  	s4 =	sld [smem:$0x3FFD];
	_ =	sdelay $0x3  }
0x97: {  	_ =	strace s4  }
0x98: {  	_ =	strace $0x8FFFFFFF  }
0x99: {  	s19 =	sld [smem:$0x3FDB];
	_ =	sdelay $0x1  }
0x9a: {  	s5 =	simm.s32 $_scs_section_size  }
0x9b: {  	s6 =	simm.s32 $_size__tile_overlayer_lowered;
	s7 =	simm.s32 $_tile_overlayer_lowered  }
0x9c: {  	s22 =	simm.s32 $0x1BFF;
	s21 =	sshll.u32 s7, $0x1;
	s4 =	sadd.s32 s5, s19  }
0x9d: {  	s8 =	simm.s32 $0x0;
	s20 =	sshll.u32 s6, $0x1;
	s6 =	sadd.s32 s21, s4  }
0x9e: {  	[timem:s8], [sflag:s22] =	dma.local [hbm:s6], s20  }
0x9f: {  	_ =	swait.ge [sflag:s22], s20  }
0xa0: {  	s5 =	ssub.s32 $0x0, s20;
	[sflag:s22] =	ssyncset.done $0x0  }
0xa1: {  	[sflag:s22] =	ssyncadd.s32 s5;
	_ =	sdelay $0x1  }
0xa2: {  	s23 =	simm.s32 $0x1B8B  }
0xa3: {  	_ =	swait.ge [sflag:s23], $0x1  }
0xa4: {  	[sflag:s23] =	ssyncset.done $0x0  }
0xa5: {  	s25 =	simm.s32 $0x1B8E;
	s24 =	sld [smem:$0x3FFE];
	[sflag:s23] =	ssyncadd.s32 $0xFFFFFFFF  }
0xa6: {  	s26 =	simm.s32 $execute0_lowered;
	[smem:$0x3FD2] =	sst s25  }
0xa7: {  	s6 =	sshll.u32 s26, $0x1;
	_ =	strace $0x80000046;
	[dreg:$0x1] =	wrdreg $0xFFFFFFFF  }
0xa8: {  	s28 =	simm.s32 $_size_execute0_lowered;
	s4 =	sadd.s32 s4, s6;
	[dreg:$0x0] =	wrdreg $0x0  }
0xa9: {  	s6 =	sshll.u32 s28, $0x1;
	[dreg:$0x2] =	wrdreg s4  }
0xaa: {  	[dreg:$0x3] =	wrdreg s6  }
0xab: {  	[dreg:$0x4] =	wrdreg $0xC0  }
0xac: {  	_ =	task [dreg:s8], $0x5FFFF  }
0xad: {  	[dreg:$0x1] =	wrdreg $0xFFFFFFFF  }
0xae: {  	[dreg:$0x0] =	wrdreg $0x60  }
0xaf: {  	[dreg:$0x2] =	wrdreg s2  }
0xb0: {  	[dreg:$0x3] =	wrdreg s24  }
0xb1: {  	[dreg:$0x4] =	wrdreg s18  }
0xb2: {  	[dreg:$0x5] =	wrdreg $0x9  }
0xb3: {  	_ =	task.clear_ibuf [dreg:s8], $0x6FFFF;
	_ =	strace $0x90000046  }
0xb4: {  	s29 =	simm.s32 $0x9;
	_ =	strace $0x80000048  }
0xb5: {  	_ =	swait.ge [sflag:s29], $0x1  }
0xb6: {  	[sflag:s29] =	ssyncadd.s32 $0xFFFFFFFF  }
0xb7: {  	_ =	strace $0x90000048  }
0xb8: {  	_ =	sfence  }
0xb9: {  	s30 =	sld [smem:$0x0];
	_ =	sdelay $0x2  }
0xba: {  	s31 =	sshll.u32 s1, $0xD;
	s1 =	sshrl.u32 s1, $0x2  }
0xbb: {  	s3 =	sand.u32 $0x4000, s31;
	s1 =	sadd.s32 s1, s30  }
0xbc: {  	s0 =	sor.u32 s3, s0;
	s1 =	sshll.u32 s1, $0x11  }
0xbd: {  	s0 =	sor.u32 s1, s0  }
0xbe: {  	s0 =	sadd.s32 $0x8F2B, s0  }
0xbf: {  	[sflag:s0] =	ssyncadd.remote.s32 $0x1  }
0xc0: {  	_ =	sfence.sel $0xFFFF  }
0xc1: {  	[dreg:$0x0] =	wrdreg $0xFFFFFFFF;
	(pc) =	sbr.abs _section_cstart, $3  }
0xc2: {  	[dreg:$0x1] =	wrdreg $0xFFFFFFFF  }
0xc3: {  	_ =	task.clear_ibuf [dreg:s8], $0x2FFFF;
	_ =	strace $0x9FFFFFFF  }
0xc4: {  	(tm) =	ssettm $0x7FFFFFFF  }
0xc5: {  	_ =	shalt  }
tec
execute0_lowered:
.L_overlay_start_1:
0x0: {  	(tag) =	ssettag $0x1  }
0x1: {  	s1 =	rddreg [dreg:$0x0]  }
0x2: {  	s0 =	srdreg.scid;
	s2 =	rddreg [dreg:$0x1]  }
0x3: {  	s9 =	stileid.u32;
	s8 =	rddreg [dreg:$0x2];
	s4 =	simm.s32 $0x0  }
0x4: {  	s29 =	simm.s32 $0xDC80;
	s31 =	simm.s32 $0x15C80;
	s6 =	smul.u32 $0x190000, s9  }
0x5: {  	s28 =	simm.s32 $0x5;
	s0 =	sand.u32 $0x1, s0;
	s22 =	smul.u32 $0x32000, s9  }
0x6: {  	s30 =	simm.s32 $0x6;
	s3 =	sshll.u32 s9, $0x1;
	s15 =	smul.u32 $0xC8000, s0  }
0x7: {  	s3 =	sor.u32 s0, s3;
	s14 =	ssub.s32 $0x2, s0;
	s0 =	smul.u32 $0x19000, s0  }
0x8: {  	s12 =	simm.s32 $0x0;
	[smem:$0x7FF] =	sst s4;
	s5 =	smul.u32 $0x380, s3  }
0x9: {  	s9 =	simm.s32 $0xD;
	_ =	strace $0x80000047;
	s3 =	smul.u32 $0xC8000, s3  }
0xa: {  	s7 =	sshrl.u32 s14, $0x1;
	s18 =	sadd.s32 s15, s6;
	s5 =	sadd.s32 s5, s2  }
0xb: {  	s2 =	sadd.s32 $0x7400, s2;
	s3 =	sshrl.u32 s3, $0x3;
	s19 =	sadd.s32 $0x14000, s18  }
0xc: {  	s20 =	sadd.s32 $0x10000, s18;
	s23 =	sadd.s32 $0xC000, s18;
	s6 =	sadd.s32 $0x8000, s18  }
0xd: {  	s25 =	sor.u32 $0x4000, s18;
	s26 =	sadd.s32 $0x18000, s18;
	s18 =	simm.s32 $0xC  }
0xe: {  	v1 =	vimm.s32 $0x76543210;
	v2 =	vimm.s32 $0xC3C2C1C0;
	[dreg:$0x4] =	wrdreg s2;
	s3 =	sadd.s32 s8, s3;
	s2 =	ssub.s32 s14, s7  }
0xf: {  	v0 =	vlaneseq.u32;
	v3 =	vimm.s32 $0xC7C6C5C4;
	vm0 =	vcmask $0x1F10;
	s5 =	sadd.s32 $0x400, s5;
	s11 =	sshrl.u32 s19, $0x3;
	s21 =	sshrl.u32 s20, $0x3  }
0x10: {  	v4 =	vunpack.c.l.s4.s8 v1;
	v1 =	vor.u32 $0x10, v0;
	v5 =	vunpack.c.0.s8.s32 v2;
	s13 =	sshrl.u32 s23, $0x3;
	s24 =	sshrl.u32 s6, $0x3;
	s15 =	sshrl.u32 s25, $0x3  }
0x11: {  	v6 =	vunpack.c.0.s8.s32 v3;
	v2 =	vor.u32 $0x20, v0;
	v3 =	vor.u32 $0x30, v0;
	s20 =	simm.s32 $0x80;
	s19 =	simm.s32 $0x8;
	[dreg:$0x5] =	wrdreg s5  }
0x12: {  	v9 =	vor.u32 $0x90, v0;
	v10 =	vor.u32 $0xA0, v0;
	v11 =	vor.u32 $0xB0, v0;
	s23 =	simm.s32 $0x3;
	s25 =	simm.s32 $0x4;
	[dreg:$0xa] =	wrdreg s21  }
0x13: {  	v13 =	vadd.s32 $0x8, v0;
	v14 =	vadd.s32 $0x18, v0;
	v15 =	vadd.s32 $0x28, v0;
	s6 =	simm.s32 $0x9;
	s16 =	sadd.s32 $0x18800, s3;
	[dreg:$0xb] =	wrdreg s24  }
0x14: {  	v16 =	vadd.s32 $0x38, v0;
	v17 =	vadd.s32 $0x48, v0;
	v18 =	vadd.s32 $0x58, v0;
	s7 =	simm.s32 $0xA;
	s2 =	smax.u32 s2, $0x1;
	[dreg:$0x6] =	wrdreg s16  }
.Ltmp0:
0x15: {  	v19 =	vadd.s32 $0x68, v0;
	v20 =	vadd.s32 $0x78, v0;
	v7 =	vunpack.c.0.s8.s32 v4;
	s17 =	sadd.s32 $0x16000, s3;
	[dreg:$0x7] =	wrdreg s2;
	(pc) =	sbr.rel .LBB2_1-.Ltmp0, $4  }
0x16: {  	v21 =	vadd.s32 $0x88, v0;
	v22 =	vadd.s32 $0x98, v0;
	v8 =	vsel vm0, v6, v5;
	s8 =	simm.s32 $0xB;
	s3 =	sadd.s32 $0x17000, s3;
	[dreg:$0x8] =	wrdreg s17  }
0x17: {  	v23 =	vadd.s32 $0xA8, v0;
	v24 =	vadd.s32 $0xB8, v0;
	v12 =	vcombine.low v8, v7;
	s21 =	simm.s32 $0x1C80;
	s5 =	simm.s32 $0x7;
	[dreg:$0x9] =	wrdreg s3  }
0x18: {  	v4 =	vor.u32 $0x40, v0;
	v5 =	vor.u32 $0x50, v0;
	v6 =	vor.u32 $0x60, v0;
	s16 =	sadd.s32 s0, s22;
	s17 =	sshrl.u32 s26, $0x3;
	s22 =	simm.s32 $0x5C80  }
0x19: {  	v7 =	vor.u32 $0x70, v0;
	v8 =	vor.u32 $0x80, v0;
	v12 =	vand.u32 $0xFF, v12;
	s2 =	simm.s32 $0x1;
	s0 =	simm.s32 $0x19C80;
	s3 =	simm.s32 $0x2  }
.LBB2_12:
0x1a: {  	_ =	swait.ge [sflag:s2], $0x4000  }
0x1b: {  	[sflag:s2] =	ssyncset.done $0x0  }
0x1c: {  	s10 =	rddreg [dreg:$0x6];
	[sflag:s2] =	ssyncadd.s32 $0xFFFFC000  }
0x1d: {  	[hbm4b:s10+s4] =	stream.linear.scatter [tilespmem:s21], [sflag:$0x8], $0x4000, $0x38;
	[tilespmem:$0x1DC80] =	vst v63  }
0x1e: {  	_ =	swait.ge [sflag:s6], $0x4000  }
0x1f: {  	[sflag:s6] =	ssyncset.done $0x0  }
0x20: {  	[sflag:s6] =	ssyncadd.s32 $0xFFFFC000  }
0x21: {  	_ =	swait.ge [sflag:s7], $0x4000  }
0x22: {  	[sflag:s7] =	ssyncset.done $0x0  }
0x23: {  	[sflag:s7] =	ssyncadd.s32 $0xFFFFC000  }
0x24: {  	_ =	swait.ge [sflag:s8], $0x4000  }
0x25: {  	[sflag:s8] =	ssyncset.done $0x0  }
0x26: {  	[sflag:s8] =	ssyncadd.s32 $0xFFFFC000  }
0x27: {  	_ =	swait.ge [sflag:s18], $0x4000  }
0x28: {  	[sflag:s18] =	ssyncset.done $0x0  }
0x29: {  	[sflag:s18] =	ssyncadd.s32 $0xFFFFC000  }
0x2a: {  	_ =	swait.ge [sflag:s9], $0x4000  }
0x2b: {  	[sflag:s9] =	ssyncset.done $0x0  }
0x2c: {  	s24 =	simm.s32 $0xE;
	[sflag:s9] =	ssyncadd.s32 $0xFFFFC000  }
0x2d: {  	_ =	swait.ge [sflag:s24], $0x4000  }
0x2e: {  	[sflag:s24] =	ssyncset.done $0x0  }
0x2f: {  	[sflag:s24] =	ssyncadd.s32 $0xFFFFC000  }
0x30: {  	_ =	swait.ge [sflag:s19], $0x4000  }
0x31: {  	s12 =	rddreg [dreg:$0xc]  }
0x32: {  	s26 =	rddreg [dreg:$0x7];
	s12 =	sadd.s32 $0x1, s12  }
0x33: {  	p0 =	sne.s32 s12, s26  }
.Ltmp1:
0x34: {  	_ = 	snop;
	(pc) =	sbr.rel @!p0 .LBB2_13-.Ltmp1, $3  }
0x35: {  	_ =	sdelay $0x1  }
0x36: {  	[sflag:s19] =	ssyncset.done $0x0  }
0x37: {  	s22 =	simm.s32 $0x5C80;
	[sflag:s19] =	ssyncadd.s32 $0xFFFFC000  }
.LBB2_1:
0x38: {  	[dreg:$0xc] =	wrdreg s12  }
0x39: {  	s10 =	rddreg [dreg:$0x5];
	s24 =	simm.s32 $0xF  }
0x3a: {  	[tilespmem:s4], [sflag:$0xF] =	stream.linear.gather [hbm4b:s10+s4], $0x1900, $0x38;
	[tilespmem:$0x1DC80] =	vst v63  }
0x3b: {  	_ =	swait.ge [sflag:s24], $0x1900  }
0x3c: {  	[sflag:s24] =	ssyncset.done $0x0  }
0x3d: {  	s14 =	simm.s32 $0x1C00;
	s26 =	rddreg [dreg:$0x4];
	[sflag:s24] =	ssyncadd.s32 $0xFFFFE700  }
0x3e: {  	[tilespmem:s14], [sflag:$0xF] =	stream.linear.gather [hbm4b:s26+s4], $0x80, $0x38;
	[tilespmem:$0x1DC80] =	vst v63  }
0x3f: {  	_ =	swait.ge [sflag:s24], $0x80  }
0x40: {  	[sflag:s24] =	ssyncset.done $0x0  }
0x41: {  	[sflag:s24] =	ssyncadd.s32 $0xFFFFFF80  }
0x42: {  	v25 =	vld [tilespmem:$0x1C00]  }
0x43: {  	v26 =	vld [tilespmem:$0x0]  }
0x44: {  	v27 =	vld [tilespmem:$0x10];
	_ =	sdelay $0x2  }
0x45: {  	v28 =	vld [tilespmem:$0x20]  }
0x46: {  	vm0 =	vgt.s32 v25, v0;
	v26 =	vadd.s32 $0x1, v26  }
0x47: {  	vm9 =	vgt.s32 v25, v1;
	v27 =	vadd.s32 $0x1, v27;
	v26 =	vnsel vm0, $0x0, v26  }
0x48: {  	v29 =	vld [tilespmem:$0x30];
	vm10 =	vgt.s32 v25, v2;
	[tilespmem:$0x0] =	vst v26;
	v26 =	vnsel vm9, $0x0, v27;
	v27 =	vimm.s32 $0x0  }
0x49: {  	v27 =	vsel vm10, $0xFFFFFFFF, v27  }
0x4a: {  	[tilespmem:$0x1FFA0] =	vst v27;
	v27 =	vadd.s32 $0x1, v28  }
0x4b: {  	v30 =	vld [tilespmem:$0x40];
	vm11 =	vgt.s32 v25, v3;
	[tilespmem:$0x10] =	vst v26;
	v26 =	vnsel vm10, $0x0, v27;
	v27 =	vimm.s32 $0x0  }
0x4c: {  	v27 =	vsel vm11, $0xFFFFFFFF, v27  }
0x4d: {  	[tilespmem:$0x1FFB0] =	vst v27;
	v27 =	vadd.s32 $0x1, v29  }
0x4e: {  	v52 =	vld [tilespmem:$0x50];
	vm12 =	vgt.s32 v25, v4;
	[tilespmem:$0x20] =	vst v26;
	v26 =	vnsel vm11, $0x0, v27;
	v27 =	vimm.s32 $0x0  }
0x4f: {  	v27 =	vsel vm12, $0xFFFFFFFF, v27  }
0x50: {  	[tilespmem:$0x1FFC0] =	vst v27;
	v27 =	vadd.s32 $0x1, v30  }
0x51: {  	v53 =	vld [tilespmem:$0x60];
	vm13 =	vgt.s32 v25, v5;
	[tilespmem:$0x30] =	vst v26;
	v26 =	vnsel vm12, $0x0, v27;
	v27 =	vimm.s32 $0x0  }
0x52: {  	v27 =	vsel vm13, $0xFFFFFFFF, v27  }
0x53: {  	[tilespmem:$0x1FFD0] =	vst v27;
	v27 =	vadd.s32 $0x1, v52  }
0x54: {  	v54 =	vld [tilespmem:$0x70];
	vm14 =	vgt.s32 v25, v6;
	[tilespmem:$0x40] =	vst v26;
	v26 =	vnsel vm13, $0x0, v27;
	v27 =	vimm.s32 $0x0  }
0x55: {  	v27 =	vsel vm14, $0xFFFFFFFF, v27  }
0x56: {  	[tilespmem:$0x1FFE0] =	vst v27;
	v27 =	vadd.s32 $0x1, v53  }
0x57: {  	vm15 =	vgt.s32 v25, v7;
	[tilespmem:$0x50] =	vst v26;
	v26 =	vnsel vm14, $0x0, v27;
	v27 =	vimm.s32 $0x0  }
0x58: {  	v27 =	vsel vm15, $0xFFFFFFFF, v27  }
0x59: {  	[tilespmem:$0x1FFF0] =	vst v27;
	v27 =	vadd.s32 $0x1, v54  }
0x5a: {  	[tilespmem:$0x60] =	vst v26;
	v26 =	vnsel vm15, $0x0, v27  }
0x5b: {  	[tilespmem:$0x70] =	vst v26  }
0x5c: {  	[tilespmem:s21], [sflag:$0x1] =	stream.indirect.gather [hbm4b:s1+s20], $0x80, s4, s20, $0xb8;
	[tilespmem:$0x1DC80] =	vst v63  }
0x5d: {  	v26 =	vld [tilespmem:$0x80]  }
0x5e: {  	v27 =	vld [tilespmem:$0x90]  }
0x5f: {  	v55 =	vld [tilespmem:$0xA0]  }
0x60: {  	v56 =	vld [tilespmem:$0xB0]  }
0x61: {  	v32 =	vimm.s32 $0x0;
	v57 =	vld [tilespmem:$0xC0]  }
0x62: {  	vm8 =	vgt.s32 v25, v8;
	v32 =	vsel vm9, $0xFFFFFFFF, v32;
	v58 =	vld [tilespmem:$0xD0];
	v26 =	vadd.s32 $0x1, v26  }
0x63: {  	vm9 =	vgt.s32 v25, v9;
	v59 =	vld [tilespmem:$0xE0];
	v27 =	vadd.s32 $0x1, v27;
	v26 =	vnsel vm8, $0x0, v26  }
0x64: {  	vm11 =	vgt.s32 v25, v10;
	v60 =	vld [tilespmem:$0xF0];
	[tilespmem:$0x80] =	vst v26;
	v26 =	vnsel vm9, $0x0, v27;
	v27 =	vadd.s32 $0x1, v55  }
0x65: {  	vm12 =	vgt.s32 v25, v11;
	[tilespmem:$0x90] =	vst v26;
	v26 =	vnsel vm11, $0x0, v27;
	v27 =	vadd.s32 $0x1, v56  }
0x66: {  	vm13 =	vgt.s32 v25, v12;
	[tilespmem:$0xA0] =	vst v26;
	v26 =	vnsel vm12, $0x0, v27;
	v27 =	vadd.s32 $0x1, v57  }
0x67: {  	vm14 =	vgt.s32 v25, v13;
	[tilespmem:$0xB0] =	vst v26;
	v26 =	vnsel vm13, $0x0, v27;
	v27 =	vadd.s32 $0x1, v58  }
0x68: {  	vm15 =	vgt.s32 v25, v14;
	[tilespmem:$0xC0] =	vst v26;
	v26 =	vnsel vm14, $0x0, v27;
	v27 =	vadd.s32 $0x1, v59  }
0x69: {  	vm10 =	vgt.s32 v25, v15;
	[tilespmem:$0xD0] =	vst v26;
	v26 =	vnsel vm15, $0x0, v27;
	v27 =	vadd.s32 $0x1, v60  }
0x6a: {  	[tilespmem:$0xE0] =	vst v26;
	v26 =	vnsel vm10, $0x0, v27  }
0x6b: {  	[tilespmem:$0xF0] =	vst v26  }
0x6c: {  	[tilespmem:s22], [sflag:$0x2] =	stream.indirect.gather [hbm4b:s1+s20], $0x80, s20, s20, $0xb8;
	[tilespmem:$0x1DC80] =	vst v63  }
0x6d: {  	v26 =	vld [tilespmem:$0x100]  }
0x6e: {  	v27 =	vld [tilespmem:$0x110]  }
0x6f: {  	v61 =	vld [tilespmem:$0x120]  }
0x70: {  	v31 =	vimm.s32 $0x0;
	v62 =	vld [tilespmem:$0x130]  }
0x71: {  	v31 =	vsel vm0, $0xFFFFFFFF, v31;
	v63 =	vld [tilespmem:$0x140]  }
0x72: {  	vm6 =	vgt.s32 v25, v16;
	[tilespmem:$0x1FF80] =	vst v31;
	v36 =	vld [tilespmem:$0x150];
	v26 =	vadd.s32 $0x1, v26  }
0x73: {  	vm5 =	vgt.s32 v25, v17;
	[tilespmem:$0x1FF90] =	vst v32;
	v37 =	vld [tilespmem:$0x160];
	v27 =	vadd.s32 $0x1, v27;
	v26 =	vnsel vm6, $0x0, v26  }
0x74: {  	vm4 =	vgt.s32 v25, v18;
	v38 =	vld [tilespmem:$0x170];
	[tilespmem:$0x100] =	vst v26;
	v26 =	vnsel vm5, $0x0, v27;
	v27 =	vadd.s32 $0x1, v61  }
0x75: {  	vm3 =	vgt.s32 v25, v19;
	[tilespmem:$0x110] =	vst v26;
	v26 =	vnsel vm4, $0x0, v27;
	v27 =	vadd.s32 $0x1, v62  }
0x76: {  	vm2 =	vgt.s32 v25, v20;
	v33 =	vld [tilespmem:$0x1FF80];
	[tilespmem:$0x120] =	vst v26;
	v26 =	vnsel vm3, $0x0, v27;
	v27 =	vadd.s32 $0x1, v63  }
0x77: {  	vm1 =	vgt.s32 v25, v21;
	v45 =	vld [tilespmem:$0x1FF90];
	[tilespmem:$0x130] =	vst v26;
	v26 =	vnsel vm2, $0x0, v27;
	v27 =	vadd.s32 $0x1, v36  }
0x78: {  	vm0 =	vgt.s32 v25, v22;
	v46 =	vld [tilespmem:$0x1FFA0];
	[tilespmem:$0x140] =	vst v26;
	v26 =	vnsel vm1, $0x0, v27;
	v27 =	vadd.s32 $0x1, v37  }
0x79: {  	vm7 =	vgt.s32 v25, v23;
	v47 =	vld [tilespmem:$0x1FFB0];
	[tilespmem:$0x150] =	vst v26;
	v26 =	vnsel vm0, $0x0, v27;
	v27 =	vadd.s32 $0x1, v38  }
0x7a: {  	v48 =	vld [tilespmem:$0x1FFC0];
	v27 =	vnsel vm7, $0x0, v27;
	[tilespmem:$0x160] =	vst v26  }
0x7b: {  	s12 =	simm.s32 $0x100;
	s14 =	simm.s32 $0x9C80;
	v49 =	vld [tilespmem:$0x1FFD0];
	[tilespmem:$0x170] =	vst v27  }
0x7c: {  	v50 =	vld [tilespmem:$0x1FFE0];
	[tilespmem:s14], [sflag:$0x3] =	stream.indirect.gather [hbm4b:s1+s20], $0x80, s12, s20, $0xb8  }
0x7d: {  	v26 =	vld [tilespmem:$0x180]  }
0x7e: {  	v27 =	vld [tilespmem:$0x190]  }
0x7f: {  	v39 =	vld [tilespmem:$0x1A0]  }
0x80: {  	v40 =	vld [tilespmem:$0x1B0]  }
0x81: {  	v41 =	vld [tilespmem:$0x1C0]  }
0x82: {  	vm7 =	vgt.s32 v25, v24;
	v42 =	vld [tilespmem:$0x1D0];
	v26 =	vadd.s32 $0x1, v26  }
0x83: {  	v43 =	vld [tilespmem:$0x1E0];
	v27 =	vadd.s32 $0x1, v27;
	v26 =	vnsel vm7, $0x0, v26;
	vm7 =	vnez.u8 v33  }
0x84: {  	v44 =	vld [tilespmem:$0x1F0];
	v27 =	vnsel vm7, $0x0, v27;
	[tilespmem:$0x180] =	vst v26;
	v26 =	vadd.s32 $0x1, v39;
	vm7 =	vnez.u8 v45  }
0x85: {  	v26 =	vnsel vm7, $0x0, v26;
	[tilespmem:$0x190] =	vst v27;
	v27 =	vadd.s32 $0x1, v40;
	vm7 =	vnez.u8 v46  }
0x86: {  	v27 =	vnsel vm7, $0x0, v27;
	[tilespmem:$0x1A0] =	vst v26;
	v26 =	vadd.s32 $0x1, v41;
	vm7 =	vnez.u8 v47  }
0x87: {  	v26 =	vnsel vm7, $0x0, v26;
	[tilespmem:$0x1B0] =	vst v27;
	v27 =	vadd.s32 $0x1, v42;
	vm7 =	vnez.u8 v48  }
0x88: {  	v27 =	vnsel vm7, $0x0, v27;
	[tilespmem:$0x1C0] =	vst v26;
	v26 =	vadd.s32 $0x1, v43;
	vm7 =	vnez.u8 v49  }
0x89: {  	v26 =	vnsel vm7, $0x0, v26;
	[tilespmem:$0x1D0] =	vst v27;
	v27 =	vadd.s32 $0x1, v44;
	vm7 =	vnez.u8 v50  }
0x8a: {  	v27 =	vnsel vm7, $0x0, v27;
	[tilespmem:$0x1E0] =	vst v26  }
0x8b: {  	s22 =	simm.s32 $0x180;
	[tilespmem:$0x1F0] =	vst v27  }
0x8c: {  	v55 =	vld [tilespmem:$0x1FFF0];
	[tilespmem:s29], [sflag:$0x4] =	stream.indirect.gather [hbm4b:s1+s20], $0x80, s22, s20, $0xb8  }
0x8d: {  	v26 =	vld [tilespmem:$0x200]  }
0x8e: {  	v27 =	vld [tilespmem:$0x210]  }
0x8f: {  	v51 =	vld [tilespmem:$0x220]  }
0x90: {  	v52 =	vld [tilespmem:$0x230]  }
0x91: {  	v53 =	vld [tilespmem:$0x240]  }
0x92: {  	vm7 =	vnez.u8 v55;
	v54 =	vld [tilespmem:$0x250];
	v26 =	vadd.s32 $0x1, v26  }
0x93: {  	v56 =	vld [tilespmem:$0x260];
	v27 =	vadd.s32 $0x1, v27;
	v26 =	vnsel vm7, $0x0, v26  }
0x94: {  	v57 =	vld [tilespmem:$0x270];
	v27 =	vnsel vm8, $0x0, v27;
	[tilespmem:$0x200] =	vst v26;
	v26 =	vadd.s32 $0x1, v51  }
0x95: {  	[tilespmem:$0x210] =	vst v27;
	v27 =	vadd.s32 $0x1, v52;
	v26 =	vnsel vm9, $0x0, v26  }
0x96: {  	v27 =	vnsel vm11, $0x0, v27;
	[tilespmem:$0x220] =	vst v26;
	v26 =	vadd.s32 $0x1, v53  }
0x97: {  	[tilespmem:$0x230] =	vst v27;
	v27 =	vadd.s32 $0x1, v54;
	v26 =	vnsel vm12, $0x0, v26  }
0x98: {  	v27 =	vnsel vm13, $0x0, v27;
	[tilespmem:$0x240] =	vst v26;
	v26 =	vadd.s32 $0x1, v56  }
0x99: {  	[tilespmem:$0x250] =	vst v27;
	v27 =	vadd.s32 $0x1, v57;
	v26 =	vnsel vm14, $0x0, v26  }
0x9a: {  	v27 =	vnsel vm15, $0x0, v27;
	[tilespmem:$0x260] =	vst v26  }
0x9b: {  	s26 =	simm.s32 $0x11C80;
	s24 =	simm.s32 $0x200;
	[tilespmem:$0x270] =	vst v27  }
0x9c: {  	[tilespmem:s26], [sflag:$0x5] =	stream.indirect.gather [hbm4b:s1+s20], $0x80, s24, s20, $0xb8;
	[tilespmem:$0x1DC80] =	vst v63  }
0x9d: {  	v26 =	vld [tilespmem:$0x280]  }
0x9e: {  	v27 =	vld [tilespmem:$0x290]  }
0x9f: {  	v58 =	vld [tilespmem:$0x2A0]  }
0xa0: {  	v59 =	vld [tilespmem:$0x2B0]  }
0xa1: {  	v60 =	vld [tilespmem:$0x2C0]  }
0xa2: {  	v61 =	vld [tilespmem:$0x2D0];
	v26 =	vadd.s32 $0x1, v26  }
0xa3: {  	v62 =	vld [tilespmem:$0x2E0];
	v27 =	vadd.s32 $0x1, v27;
	v26 =	vnsel vm10, $0x0, v26  }
0xa4: {  	v63 =	vld [tilespmem:$0x2F0];
	v27 =	vnsel vm6, $0x0, v27;
	[tilespmem:$0x280] =	vst v26;
	v26 =	vadd.s32 $0x1, v58  }
0xa5: {  	[tilespmem:$0x290] =	vst v27;
	v27 =	vadd.s32 $0x1, v59;
	v26 =	vnsel vm5, $0x0, v26  }
0xa6: {  	v27 =	vnsel vm4, $0x0, v27;
	[tilespmem:$0x2A0] =	vst v26;
	v26 =	vadd.s32 $0x1, v60  }
0xa7: {  	[tilespmem:$0x2B0] =	vst v27;
	v27 =	vadd.s32 $0x1, v61;
	v26 =	vnsel vm3, $0x0, v26  }
0xa8: {  	v27 =	vnsel vm2, $0x0, v27;
	[tilespmem:$0x2C0] =	vst v26;
	v26 =	vadd.s32 $0x1, v62  }
0xa9: {  	[tilespmem:$0x2D0] =	vst v27;
	v27 =	vadd.s32 $0x1, v63;
	v26 =	vnsel vm1, $0x0, v26  }
0xaa: {  	s10 =	simm.s32 $0x670;
	v27 =	vnsel vm0, $0x0, v27;
	[tilespmem:$0x2E0] =	vst v26  }
0xab: {  	s12 =	simm.s32 $0x0;
	s14 =	rddreg [dreg:$0x2];
	s29 =	simm.s32 $0x280;
	[tilespmem:$0x2F0] =	vst v27  }
0xac: {  	[tilespmem:s31], [sflag:$0x6] =	stream.indirect.gather [hbm4b:s1+s20], $0x80, s29, s20, $0xb8;
	[tilespmem:$0x1DC80] =	vst v63  }
.LBB2_2:
0xad: {  	s22 =	sadd.s32 $0xFFFFFC90, s10  }
0xae: {  	s24 =	sadd.s32 $0xFFFFFCA0, s10;
	v26 =	vor.u32 s22, v0  }
0xaf: {  	s26 =	sadd.s32 $0xFFFFFCB0, s10;
	v28 =	vor.u32 s24, v0;
	v27 =	vmulhi.u32 $0x51EB851F, v26  }
0xb0: {  	v31 =	vor.u32 s26, v0;
	s26 =	sadd.s32 $0xFFFFFCC0, s10;
	v30 =	vmulhi.u32 $0x51EB851F, v28  }
0xb1: {  	s22 =	sshra.s32 s12, $0x2;
	v33 =	vmulhi.u32 $0x51EB851F, v31;
	v48 =	vor.u32 s26, v0;
	s26 =	sadd.s32 $0xFFFFFCD0, s10  }
0xb2: {  	v29 =	vld [tilespmem:s22+$0x300];
	v34 =	vmulhi.u32 $0x51EB851F, v48;
	v52 =	vor.u32 s26, v0  }
0xb3: {  	v32 =	vld [tilespmem:s22+$0x310];
	s26 =	sadd.s32 $0xFFFFFCE0, s10;
	v27 =	vshrl.u32 v27, $0x6;
	v30 =	vshrl.u32 v30, $0x6;
	v33 =	vshrl.u32 v33, $0x6  }
0xb4: {  	v54 =	vld [tilespmem:s22+$0x340];
	v53 =	vmulhi.u32 $0x51EB851F, v52;
	v55 =	vor.u32 s26, v0;
	s26 =	sadd.s32 $0xFFFFFCF0, s10;
	v27 =	vmul.u32 $0xC8, v27  }
0xb5: {  	v50 =	vshrl.u32 v34, $0x6;
	v56 =	vmulhi.u32 $0x51EB851F, v55;
	v36 =	vor.u32 s26, v0  }
0xb6: {  	v49 =	vmul.u32 $0xC8, v33;
	s26 =	sadd.s32 $0xFFFFFD00, s10;
	v51 =	vmul.u32 $0xC8, v50;
	v37 =	vmulhi.u32 $0x51EB851F, v36  }
0xb7: {  	v38 =	vor.u32 s26, v0;
	v26 =	vsub.s32 v26, v27;
	v27 =	vmul.u32 $0xC8, v30  }
0xb8: {  	v29 =	vadd.s32 $0x1, v29;
	v32 =	vadd.s32 $0x1, v32;
	v34 =	vshrl.u32 v56, $0x6  }
0xb9: {  	v39 =	vmulhi.u32 $0x51EB851F, v38;
	v59 =	vadd.s32 $0x1, v54;
	vm0 =	vlt.s32 v26, v25  }
0xba: {  	v26 =	vld [tilespmem:s22+$0x320];
	v30 =	vsub.s32 v48, v51;
	v57 =	vmul.u32 $0xC8, v34;
	v27 =	vsub.s32 v28, v27  }
0xbb: {  	v60 =	vshrl.u32 v37, $0x6;
	v29 =	vnsel vm0, $0x0, v29;
	vm14 =	vlt.s32 v27, v25;
	v27 =	vld [tilespmem:s22+$0x330]  }
0xbc: {  	v28 =	vsub.s32 v31, v49;
	vm4 =	vlt.s32 v30, v25;
	v31 =	vshrl.u32 v53, $0x6  }
0xbd: {  	v35 =	vld [tilespmem:s22+$0x350];
	v62 =	vshrl.u32 v39, $0x6;
	vm15 =	vlt.s32 v28, v25;
	v31 =	vmul.u32 $0xC8, v31  }
0xbe: {  	v58 =	vld [tilespmem:s22+$0x360];
	[tilespmem:s22+$0x300] =	vst v29;
	v29 =	vmul.u32 $0xC8, v60;
	v63 =	vmul.u32 $0xC8, v62;
	v32 =	vnsel vm14, $0x0, v32  }
0xbf: {  	v61 =	vld [tilespmem:s22+$0x370];
	v28 =	vsub.s32 v52, v31;
	v31 =	vsub.s32 v55, v57;
	v26 =	vadd.s32 $0x1, v26  }
0xc0: {  	[tilespmem:s22+$0x310] =	vst v32;
	v33 =	vsub.s32 v36, v29;
	v26 =	vnsel vm15, $0x0, v26;
	v27 =	vadd.s32 $0x1, v27  }
0xc1: {  	v34 =	vsub.s32 v38, v63;
	vm5 =	vlt.s32 v28, v25;
	[tilespmem:s22+$0x320] =	vst v26;
	v27 =	vnsel vm4, $0x0, v27  }
0xc2: {  	vm1 =	vlt.s32 v31, v25;
	v26 =	vadd.s32 $0x1, v35;
	[tilespmem:s22+$0x330] =	vst v27;
	v27 =	vnsel vm5, $0x0, v59  }
0xc3: {  	vm6 =	vlt.s32 v33, v25;
	v26 =	vnsel vm1, $0x0, v26;
	[tilespmem:s22+$0x340] =	vst v27;
	v27 =	vadd.s32 $0x1, v58  }
0xc4: {  	vm7 =	vlt.s32 v34, v25;
	[tilespmem:s22+$0x350] =	vst v26;
	v26 =	vnsel vm6, $0x0, v27;
	v27 =	vadd.s32 $0x1, v61  }
0xc5: {  	[tilespmem:s22+$0x360] =	vst v26;
	v26 =	vnsel vm7, $0x0, v27  }
0xc6: {  	[tilespmem:s22+$0x370] =	vst v26  }
0xc7: {  	_ =	swait.ge [sflag:s2], $0x4000  }
0xc8: {  	p0 =	seq.s32 s10, $0x670;
	[sflag:s2] =	ssyncset.done $0x0  }
0xc9: {  	s24 =	simm.s32 @!p0 $0xE;
	s26 =	sadd.s32 s14, s16;
	[sflag:s2] =	ssyncadd.s32 $0xFFFFC000  }
0xca: {  	[hbm4b:s26+s4] =	stream.linear.scatter [tilespmem:s21], [sflag:$0x8], $0x4000, $0x38;
	[tilespmem:$0x1DC80] =	vst v63  }
0xcb: {  	s26 =	sadd.s32 $0xFFFFFD10, s10;
	_ =	swait.ge @!p0 [sflag:s24], $0x4000  }
0xcc: {  	v26 =	vor.u32 s26, v0;
	s26 =	sadd.s32 $0xFFFFFD20, s10;
	[sflag:s24] =	ssyncset.done @!p0 $0x0  }
0xcd: {  	v27 =	vmulhi.u32 $0x51EB851F, v26;
	v36 =	vor.u32 s26, v0;
	s26 =	sadd.s32 $0xFFFFFD30, s10;
	[sflag:s24] =	ssyncadd.s32 @!p0 $0xFFFFC000;
	s24 =	sadd.s32 $0x300, s22  }
0xce: {  	v38 =	vor.u32 s26, v0;
	[tilespmem:s0], [sflag:$0x7] =	stream.indirect.gather [hbm4b:s1+s20], $0x80, s24, s20, $0xb8;
	[tilespmem:$0x1DC80] =	vst v63  }
0xcf: {  	s26 =	sadd.s32 $0xFFFFFD40, s10;
	v27 =	vshrl.u32 v27, $0x6;
	v39 =	vmulhi.u32 $0x51EB851F, v38;
	v35 =	vld [tilespmem:s22+$0x380]  }
0xd0: {  	v37 =	vmulhi.u32 $0x51EB851F, v36;
	v41 =	vor.u32 s26, v0;
	v27 =	vmul.u32 $0xC8, v27;
	v40 =	vld [tilespmem:s22+$0x3A0]  }
0xd1: {  	v43 =	vmulhi.u32 $0x51EB851F, v41;
	v47 =	vld [tilespmem:s22+$0x3B0];
	v30 =	vshrl.u32 v39, $0x6  }
0xd2: {  	v51 =	vld [tilespmem:s22+$0x3D0];
	v26 =	vsub.s32 v26, v27;
	v27 =	vshrl.u32 v37, $0x6;
	v42 =	vmul.u32 $0xC8, v30  }
0xd3: {  	v30 =	vshrl.u32 v43, $0x6;
	v27 =	vmul.u32 $0xC8, v27  }
0xd4: {  	vm8 =	vlt.s32 v26, v25;
	v26 =	vld [tilespmem:s22+$0x390];
	v45 =	vmul.u32 $0xC8, v30;
	v29 =	vsub.s32 v38, v42  }
0xd5: {  	v28 =	vadd.s32 $0x1, v35;
	v27 =	vsub.s32 v36, v27;
	vm10 =	vlt.s32 v29, v25  }
0xd6: {  	s26 =	sadd.s32 $0xFFFFFD50, s10;
	v46 =	vadd.s32 $0x1, v40;
	v29 =	vsub.s32 v41, v45;
	v32 =	vadd.s32 $0x1, v47  }
0xd7: {  	v61 =	vadd.s32 $0x1, v51;
	vm9 =	vlt.s32 v27, v25;
	v27 =	vor.u32 s26, v0  }
0xd8: {  	v28 =	vnsel vm8, $0x0, v28;
	s26 =	sadd.s32 $0xFFFFFD60, s10;
	v30 =	vnsel vm10, $0x0, v46;
	v44 =	vmulhi.u32 $0x51EB851F, v27  }
0xd9: {  	vm11 =	vlt.s32 v29, v25;
	v48 =	vor.u32 s26, v0;
	s26 =	sadd.s32 $0xFFFFFD70, s10;
	v26 =	vadd.s32 $0x1, v26  }
0xda: {  	v50 =	vld [tilespmem:s22+$0x3C0];
	v49 =	vmulhi.u32 $0x51EB851F, v48;
	v52 =	vor.u32 s26, v0;
	s26 =	sadd.s32 $0xFFFFFD80, s10;
	v31 =	vshrl.u32 v44, $0x6  }
0xdb: {  	v53 =	vmulhi.u32 $0x51EB851F, v52;
	v54 =	vor.u32 s26, v0;
	v31 =	vmul.u32 $0xC8, v31  }
0xdc: {  	v26 =	vnsel vm9, $0x0, v26;
	v33 =	vshrl.u32 v49, $0x6;
	v55 =	vmulhi.u32 $0x51EB851F, v54  }
0xdd: {  	v59 =	vld [tilespmem:s22+$0x3F0];
	v33 =	vmul.u32 $0xC8, v33;
	v58 =	vshrl.u32 v53, $0x6;
	v27 =	vsub.s32 v27, v31  }
0xde: {  	[tilespmem:s22+$0x390] =	vst v26;
	v26 =	vmul.u32 $0xC8, v58;
	v60 =	vshrl.u32 v55, $0x6;
	vm12 =	vlt.s32 v27, v25;
	v27 =	vld [tilespmem:s22+$0x3E0]  }
0xdf: {  	v29 =	vadd.s32 $0x1, v50;
	[tilespmem:s22+$0x380] =	vst v28;
	v57 =	vsub.s32 v48, v33;
	v62 =	vmul.u32 $0xC8, v60  }
0xe0: {  	v56 =	vnsel vm11, $0x0, v32;
	[tilespmem:s22+$0x3A0] =	vst v30;
	vm13 =	vlt.s32 v57, v25;
	v26 =	vsub.s32 v52, v26  }
0xe1: {  	[tilespmem:s22+$0x3B0] =	vst v56;
	v29 =	vnsel vm12, $0x0, v29;
	vm14 =	vlt.s32 v26, v25;
	v26 =	vsub.s32 v54, v62  }
0xe2: {  	v63 =	vnsel vm13, $0x0, v61;
	[tilespmem:s22+$0x3C0] =	vst v29;
	vm15 =	vlt.s32 v26, v25;
	v26 =	vadd.s32 $0x1, v59  }
0xe3: {  	[tilespmem:s22+$0x3D0] =	vst v63;
	v26 =	vnsel vm15, $0x0, v26;
	v27 =	vadd.s32 $0x1, v27  }
0xe4: {  	[tilespmem:s22+$0x3F0] =	vst v26;
	v27 =	vnsel vm14, $0x0, v27  }
0xe5: {  	[tilespmem:s22+$0x3E0] =	vst v27  }
0xe6: {  	_ =	swait.ge [sflag:s3], $0x4000  }
0xe7: {  	s29 =	simm.s32 $0x5C80;
	[sflag:s3] =	ssyncset.done $0x0  }
0xe8: {  	p0 =	seq.s32 s10, $0x1B70;
	s26 =	sadd.s32 s14, s15;
	[sflag:s3] =	ssyncadd.s32 $0xFFFFC000  }
0xe9: {  	[hbm4b:s26+s4] =	stream.linear.scatter [tilespmem:s29], [sflag:$0x9], $0x4000, $0x38;
	[tilespmem:$0x1DC80] =	vst v63  }
.Ltmp2:
0xea: {  	_ = 	snop;
	(pc) =	sbr.rel @!p0 .LBB2_3-.Ltmp2, $4  }
0xeb: {  	_ =	swait.ge [sflag:s19], $0x4000  }
0xec: {  	[sflag:s19] =	ssyncset.done $0x0  }
0xed: {  	s26 =	sadd.s32 $0x380, s22;
	[sflag:s19] =	ssyncadd.s32 $0xFFFFC000  }
0xee: {  	[tilespmem:s21], [sflag:$0x1] =	stream.indirect.gather [hbm4b:s1+s20], $0x80, s26, s20, $0xb8;
	[tilespmem:$0x1DC80] =	vst v63  }
.Ltmp3:
0xef: {  	_ =	swait.ge [sflag:s23], $0x4000;
	(pc) =	sbr.rel .LBB2_5-.Ltmp3, $4  }
0xf0: {  	[sflag:s23] =	ssyncset.done $0x0  }
0xf1: {  	s26 =	simm.s32 $0x9C80;
	s24 =	rddreg [dreg:$0x8];
	[sflag:s23] =	ssyncadd.s32 $0xFFFFC000  }
0xf2: {  	[hbm4b:s24+s4] =	stream.linear.scatter [tilespmem:s26], [sflag:$0xA], $0x4000, $0x38;
	[tilespmem:$0x1DC80] =	vst v63  }
0xf3: {  	s24 =	simm.s32 $0x6600  }
.LBB2_3:
0xf4: {  	s24 =	sadd.s32 $0xFFFFFD90, s10  }
0xf5: {  	s26 =	sadd.s32 $0xFFFFFDA0, s10;
	v29 =	vld [tilespmem:s22+$0x400];
	v26 =	vor.u32 s24, v0  }
0xf6: {  	v32 =	vld [tilespmem:s22+$0x410];
	v28 =	vor.u32 s26, v0;
	s26 =	sadd.s32 $0xFFFFFDB0, s10;
	v27 =	vmulhi.u32 $0x51EB851F, v26  }
0xf7: {  	v54 =	vld [tilespmem:s22+$0x440];
	v30 =	vmulhi.u32 $0x51EB851F, v28;
	v31 =	vor.u32 s26, v0  }
0xf8: {  	s26 =	sadd.s32 $0xFFFFFDC0, s10;
	v33 =	vmulhi.u32 $0x51EB851F, v31  }
0xf9: {  	v48 =	vor.u32 s26, v0;
	s26 =	sadd.s32 $0xFFFFFDD0, s10;
	v27 =	vshrl.u32 v27, $0x6;
	v30 =	vshrl.u32 v30, $0x6  }
0xfa: {  	v34 =	vmulhi.u32 $0x51EB851F, v48;
	v52 =	vor.u32 s26, v0;
	v27 =	vmul.u32 $0xC8, v27  }
0xfb: {  	s26 =	sadd.s32 $0xFFFFFDE0, s10;
	v33 =	vshrl.u32 v33, $0x6;
	v29 =	vadd.s32 $0x1, v29;
	v32 =	vadd.s32 $0x1, v32  }
0xfc: {  	v53 =	vmulhi.u32 $0x51EB851F, v52;
	v55 =	vor.u32 s26, v0;
	v59 =	vadd.s32 $0x1, v54  }
0xfd: {  	s26 =	sadd.s32 $0xFFFFFDF0, s10;
	v49 =	vmul.u32 $0xC8, v33;
	v50 =	vshrl.u32 v34, $0x6;
	v56 =	vmulhi.u32 $0x51EB851F, v55  }
0xfe: {  	v36 =	vor.u32 s26, v0;
	s26 =	sadd.s32 $0xFFFFFE00, s10;
	v26 =	vsub.s32 v26, v27;
	v27 =	vmul.u32 $0xC8, v30  }
0xff: {  	v51 =	vmul.u32 $0xC8, v50;
	v37 =	vmulhi.u32 $0x51EB851F, v36;
	v38 =	vor.u32 s26, v0  }
0x100: {  	vm0 =	vlt.s32 v26, v25;
	v34 =	vshrl.u32 v56, $0x6;
	v39 =	vmulhi.u32 $0x51EB851F, v38  }
0x101: {  	v26 =	vld [tilespmem:s22+$0x420];
	v27 =	vsub.s32 v28, v27;
	v29 =	vnsel vm0, $0x0, v29;
	v28 =	vsub.s32 v31, v49  }
0x102: {  	v30 =	vsub.s32 v48, v51;
	v31 =	vshrl.u32 v53, $0x6;
	vm14 =	vlt.s32 v27, v25;
	v27 =	vld [tilespmem:s22+$0x430]  }
0x103: {  	v57 =	vmul.u32 $0xC8, v34;
	v60 =	vshrl.u32 v37, $0x6;
	vm15 =	vlt.s32 v28, v25  }
0x104: {  	v35 =	vld [tilespmem:s22+$0x450];
	vm4 =	vlt.s32 v30, v25;
	v31 =	vmul.u32 $0xC8, v31;
	v62 =	vshrl.u32 v39, $0x6  }
0x105: {  	v58 =	vld [tilespmem:s22+$0x460];
	[tilespmem:s22+$0x400] =	vst v29;
	v29 =	vmul.u32 $0xC8, v60;
	v32 =	vnsel vm14, $0x0, v32;
	v63 =	vmul.u32 $0xC8, v62  }
0x106: {  	v61 =	vld [tilespmem:s22+$0x470];
	v28 =	vsub.s32 v52, v31;
	v31 =	vsub.s32 v55, v57;
	v26 =	vadd.s32 $0x1, v26  }
0x107: {  	[tilespmem:s22+$0x410] =	vst v32;
	v33 =	vsub.s32 v36, v29;
	v26 =	vnsel vm15, $0x0, v26;
	v27 =	vadd.s32 $0x1, v27  }
0x108: {  	vm5 =	vlt.s32 v28, v25;
	vm1 =	vlt.s32 v31, v25;
	[tilespmem:s22+$0x420] =	vst v26;
	v27 =	vnsel vm4, $0x0, v27  }
0x109: {  	vm6 =	vlt.s32 v33, v25;
	v26 =	vadd.s32 $0x1, v35;
	[tilespmem:s22+$0x430] =	vst v27;
	v27 =	vnsel vm5, $0x0, v59  }
0x10a: {  	v34 =	vsub.s32 v38, v63;
	v26 =	vnsel vm1, $0x0, v26;
	[tilespmem:s22+$0x440] =	vst v27;
	v27 =	vadd.s32 $0x1, v58  }
0x10b: {  	vm7 =	vlt.s32 v34, v25;
	[tilespmem:s22+$0x450] =	vst v26;
	v26 =	vnsel vm6, $0x0, v27;
	v27 =	vadd.s32 $0x1, v61  }
0x10c: {  	[tilespmem:s22+$0x460] =	vst v26;
	v26 =	vnsel vm7, $0x0, v27  }
0x10d: {  	[tilespmem:s22+$0x470] =	vst v26  }
0x10e: {  	_ =	swait.ge [sflag:s23], $0x4000  }
0x10f: {  	[sflag:s23] =	ssyncset.done $0x0;
	s26 =	rddreg [dreg:$0xb]  }
0x110: {  	[sflag:s23] =	ssyncadd.s32 $0xFFFFC000;
	s24 =	sadd.s32 s14, s26;
	s26 =	simm.s32 $0x9C80  }
0x111: {  	[hbm4b:s24+s4] =	stream.linear.scatter [tilespmem:s26], [sflag:$0xA], $0x4000, $0x38;
	[tilespmem:$0x1DC80] =	vst v63  }
0x112: {  	s24 =	sadd.s32 $0xFFFFFE10, s10;
	_ =	swait.ge [sflag:s6], $0x4000  }
0x113: {  	v26 =	vor.u32 s24, v0;
	[sflag:s6] =	ssyncset.done $0x0  }
0x114: {  	s26 =	sadd.s32 $0x400, s22;
	v27 =	vmulhi.u32 $0x51EB851F, v26;
	[sflag:s6] =	ssyncadd.s32 $0xFFFFC000  }
0x115: {  	[tilespmem:s29], [sflag:$0x2] =	stream.indirect.gather [hbm4b:s1+s20], $0x80, s26, s20, $0xb8;
	[tilespmem:$0x1DC80] =	vst v63  }
0x116: {  	s29 =	sadd.s32 $0xFFFFFE20, s10;
	v27 =	vshrl.u32 v27, $0x6  }
0x117: {  	s26 =	sadd.s32 $0xFFFFFE30, s10;
	v36 =	vor.u32 s29, v0;
	v27 =	vmul.u32 $0xC8, v27  }
0x118: {  	v35 =	vld [tilespmem:s22+$0x480];
	v38 =	vor.u32 s26, v0;
	s29 =	sadd.s32 $0xFFFFFE40, s10;
	v37 =	vmulhi.u32 $0x51EB851F, v36  }
0x119: {  	v40 =	vld [tilespmem:s22+$0x4A0];
	v39 =	vmulhi.u32 $0x51EB851F, v38;
	v41 =	vor.u32 s29, v0;
	s29 =	sadd.s32 $0xFFFFFE60, s10;
	v26 =	vsub.s32 v26, v27  }
0x11a: {  	v47 =	vld [tilespmem:s22+$0x4B0];
	v43 =	vmulhi.u32 $0x51EB851F, v41;
	v48 =	vor.u32 s29, v0;
	v27 =	vshrl.u32 v37, $0x6  }
0x11b: {  	v51 =	vld [tilespmem:s22+$0x4D0];
	s29 =	sadd.s32 $0xFFFFFE80, s10;
	vm8 =	vlt.s32 v26, v25;
	v30 =	vshrl.u32 v39, $0x6;
	v49 =	vmulhi.u32 $0x51EB851F, v48  }
0x11c: {  	v54 =	vor.u32 s29, v0;
	v27 =	vmul.u32 $0xC8, v27;
	v42 =	vmul.u32 $0xC8, v30  }
0x11d: {  	v30 =	vshrl.u32 v43, $0x6;
	v55 =	vmulhi.u32 $0x51EB851F, v54;
	v28 =	vadd.s32 $0x1, v35  }
0x11e: {  	s26 =	sadd.s32 $0xFFFFFE50, s10;
	v45 =	vmul.u32 $0xC8, v30;
	v46 =	vadd.s32 $0x1, v40;
	v27 =	vsub.s32 v36, v27  }
0x11f: {  	v26 =	vld [tilespmem:s22+$0x490];
	v33 =	vshrl.u32 v49, $0x6;
	vm9 =	vlt.s32 v27, v25;
	v27 =	vor.u32 s26, v0  }
0x120: {  	v32 =	vadd.s32 $0x1, v47;
	v61 =	vadd.s32 $0x1, v51;
	v44 =	vmulhi.u32 $0x51EB851F, v27  }
0x121: {  	v28 =	vnsel vm8, $0x0, v28;
	v29 =	vsub.s32 v38, v42;
	v33 =	vmul.u32 $0xC8, v33;
	s26 =	sadd.s32 $0xFFFFFE70, s10  }
0x122: {  	v50 =	vld [tilespmem:s22+$0x4C0];
	v60 =	vshrl.u32 v55, $0x6;
	v52 =	vor.u32 s26, v0;
	v31 =	vshrl.u32 v44, $0x6  }
0x123: {  	vm10 =	vlt.s32 v29, v25;
	v53 =	vmulhi.u32 $0x51EB851F, v52;
	v31 =	vmul.u32 $0xC8, v31  }
0x124: {  	v29 =	vsub.s32 v41, v45;
	v62 =	vmul.u32 $0xC8, v60;
	v26 =	vadd.s32 $0x1, v26  }
0x125: {  	v59 =	vld [tilespmem:s22+$0x4F0];
	v26 =	vnsel vm9, $0x0, v26;
	v58 =	vshrl.u32 v53, $0x6;
	v27 =	vsub.s32 v27, v31  }
0x126: {  	v30 =	vnsel vm10, $0x0, v46;
	[tilespmem:s22+$0x490] =	vst v26;
	v26 =	vmul.u32 $0xC8, v58;
	vm12 =	vlt.s32 v27, v25;
	v27 =	vld [tilespmem:s22+$0x4E0]  }
0x127: {  	[tilespmem:s22+$0x480] =	vst v28;
	vm11 =	vlt.s32 v29, v25;
	v57 =	vsub.s32 v48, v33;
	v29 =	vadd.s32 $0x1, v50  }
0x128: {  	v56 =	vnsel vm11, $0x0, v32;
	vm13 =	vlt.s32 v57, v25;
	[tilespmem:s22+$0x4A0] =	vst v30;
	v26 =	vsub.s32 v52, v26  }
0x129: {  	[tilespmem:s22+$0x4B0] =	vst v56;
	v63 =	vnsel vm13, $0x0, v61;
	vm14 =	vlt.s32 v26, v25;
	v26 =	vsub.s32 v54, v62  }
0x12a: {  	[tilespmem:s22+$0x4D0] =	vst v63;
	v29 =	vnsel vm12, $0x0, v29;
	vm15 =	vlt.s32 v26, v25;
	v26 =	vadd.s32 $0x1, v59  }
0x12b: {  	[tilespmem:s22+$0x4C0] =	vst v29;
	v26 =	vnsel vm15, $0x0, v26;
	v27 =	vadd.s32 $0x1, v27  }
0x12c: {  	[tilespmem:s22+$0x4F0] =	vst v26;
	v27 =	vnsel vm14, $0x0, v27  }
0x12d: {  	s24 =	sadd.s32 $0x1200, s12;
	[tilespmem:s22+$0x4E0] =	vst v27  }
.LBB2_5:
.Ltmp4:
0x12e: {  	(pc) =	sbr.rel @!p0 .LBB2_6-.Ltmp4, $4  }
0x12f: {  	_ =	swait.ge [sflag:s25], $0x4000  }
0x130: {  	[sflag:s25] =	ssyncset.done $0x0  }
0x131: {  	s26 =	sadd.s32 s14, s13;
	s29 =	simm.s32 $0xDC80;
	[sflag:s25] =	ssyncadd.s32 $0xFFFFC000  }
0x132: {  	[hbm4b:s26+s4] =	stream.linear.scatter [tilespmem:s29], [sflag:$0xB], $0x4000, $0x38;
	[tilespmem:$0x1DC80] =	vst v63  }
.Ltmp5:
0x133: {  	_ =	swait.ge [sflag:s28], $0x4000;
	(pc) =	sbr.rel .LBB2_8-.Ltmp5, $4  }
0x134: {  	[sflag:s28] =	ssyncset.done $0x0  }
0x135: {  	s26 =	simm.s32 $0x11C80;
	s24 =	rddreg [dreg:$0x9];
	[sflag:s28] =	ssyncadd.s32 $0xFFFFC000  }
0x136: {  	[hbm4b:s24+s4] =	stream.linear.scatter [tilespmem:s26], [sflag:$0xC], $0x4000, $0x38;
	[tilespmem:$0x1DC80] =	vst v63  }
0x137: {  	s24 =	simm.s32 $0x6A00  }
.LBB2_6:
0x138: {  	_ =	swait.ge [sflag:s7], $0x4000;
	s26 =	sadd.s32 $0xFFFFFE90, s10  }
0x139: {  	s24 =	sshra.s32 s24, $0x2;
	[sflag:s7] =	ssyncset.done $0x0;
	v26 =	vor.u32 s26, v0;
	s26 =	sadd.s32 $0xFFFFFEA0, s10  }
0x13a: {  	s29 =	simm.s32 $0x9C80;
	[sflag:s7] =	ssyncadd.s32 $0xFFFFC000;
	v27 =	vmulhi.u32 $0x51EB851F, v26;
	v28 =	vor.u32 s26, v0;
	s26 =	sadd.s32 $0xFFFFFEB0, s10  }
0x13b: {  	[tilespmem:s29], [sflag:$0x3] =	stream.indirect.gather [hbm4b:s1+s20], $0x80, s24, s20, $0xb8;
	[tilespmem:$0x1DC80] =	vst v63  }
0x13c: {  	v30 =	vmulhi.u32 $0x51EB851F, v28;
	v31 =	vor.u32 s26, v0;
	s26 =	sadd.s32 $0xFFFFFEC0, s10;
	v27 =	vshrl.u32 v27, $0x6  }
0x13d: {  	v33 =	vmulhi.u32 $0x51EB851F, v31;
	v48 =	vor.u32 s26, v0;
	s26 =	sadd.s32 $0xFFFFFED0, s10;
	v27 =	vmul.u32 $0xC8, v27  }
0x13e: {  	v29 =	vld [tilespmem:s22+$0x500];
	v30 =	vshrl.u32 v30, $0x6;
	v34 =	vmulhi.u32 $0x51EB851F, v48;
	v52 =	vor.u32 s26, v0;
	s26 =	sadd.s32 $0xFFFFFEE0, s10  }
0x13f: {  	v32 =	vld [tilespmem:s22+$0x510];
	v33 =	vshrl.u32 v33, $0x6;
	v53 =	vmulhi.u32 $0x51EB851F, v52;
	v55 =	vor.u32 s26, v0  }
0x140: {  	v54 =	vld [tilespmem:s22+$0x540];
	s26 =	sadd.s32 $0xFFFFFEF0, s10;
	v26 =	vsub.s32 v26, v27;
	v27 =	vmul.u32 $0xC8, v30;
	v49 =	vmul.u32 $0xC8, v33  }
0x141: {  	v50 =	vshrl.u32 v34, $0x6;
	v56 =	vmulhi.u32 $0x51EB851F, v55;
	v36 =	vor.u32 s26, v0  }
0x142: {  	s26 =	sadd.s32 $0xFFFFFF00, s10;
	vm0 =	vlt.s32 v26, v25;
	v51 =	vmul.u32 $0xC8, v50;
	v37 =	vmulhi.u32 $0x51EB851F, v36  }
0x143: {  	v38 =	vor.u32 s26, v0;
	v29 =	vadd.s32 $0x1, v29;
	v27 =	vsub.s32 v28, v27  }
0x144: {  	v32 =	vadd.s32 $0x1, v32;
	v28 =	vsub.s32 v31, v49;
	v31 =	vshrl.u32 v53, $0x6  }
0x145: {  	v26 =	vld [tilespmem:s22+$0x520];
	v34 =	vshrl.u32 v56, $0x6;
	v39 =	vmulhi.u32 $0x51EB851F, v38;
	v59 =	vadd.s32 $0x1, v54  }
0x146: {  	v29 =	vnsel vm0, $0x0, v29;
	vm14 =	vlt.s32 v27, v25;
	v27 =	vld [tilespmem:s22+$0x530];
	vm15 =	vlt.s32 v28, v25  }
0x147: {  	v30 =	vsub.s32 v48, v51;
	v31 =	vmul.u32 $0xC8, v31;
	v57 =	vmul.u32 $0xC8, v34  }
0x148: {  	v35 =	vld [tilespmem:s22+$0x550];
	v60 =	vshrl.u32 v37, $0x6;
	v32 =	vnsel vm14, $0x0, v32;
	vm4 =	vlt.s32 v30, v25  }
0x149: {  	v58 =	vld [tilespmem:s22+$0x560];
	[tilespmem:s22+$0x500] =	vst v29;
	v29 =	vmul.u32 $0xC8, v60;
	v62 =	vshrl.u32 v39, $0x6;
	v28 =	vsub.s32 v52, v31  }
0x14a: {  	v61 =	vld [tilespmem:s22+$0x570];
	v31 =	vsub.s32 v55, v57;
	v63 =	vmul.u32 $0xC8, v62;
	v26 =	vadd.s32 $0x1, v26  }
0x14b: {  	[tilespmem:s22+$0x510] =	vst v32;
	vm5 =	vlt.s32 v28, v25;
	v26 =	vnsel vm15, $0x0, v26;
	v27 =	vadd.s32 $0x1, v27  }
0x14c: {  	vm1 =	vlt.s32 v31, v25;
	v33 =	vsub.s32 v36, v29;
	[tilespmem:s22+$0x520] =	vst v26;
	v27 =	vnsel vm4, $0x0, v27  }
0x14d: {  	vm6 =	vlt.s32 v33, v25;
	v26 =	vadd.s32 $0x1, v35;
	[tilespmem:s22+$0x530] =	vst v27;
	v27 =	vnsel vm5, $0x0, v59  }
0x14e: {  	v34 =	vsub.s32 v38, v63;
	v26 =	vnsel vm1, $0x0, v26;
	[tilespmem:s22+$0x540] =	vst v27;
	v27 =	vadd.s32 $0x1, v58  }
0x14f: {  	vm7 =	vlt.s32 v34, v25;
	[tilespmem:s22+$0x550] =	vst v26;
	v26 =	vnsel vm6, $0x0, v27;
	v27 =	vadd.s32 $0x1, v61  }
0x150: {  	[tilespmem:s22+$0x560] =	vst v26;
	v26 =	vnsel vm7, $0x0, v27  }
0x151: {  	[tilespmem:s22+$0x570] =	vst v26  }
0x152: {  	_ =	swait.ge [sflag:s28], $0x4000  }
0x153: {  	[sflag:s28] =	ssyncset.done $0x0;
	s26 =	rddreg [dreg:$0xa]  }
0x154: {  	[sflag:s28] =	ssyncadd.s32 $0xFFFFC000;
	s24 =	sadd.s32 s14, s26;
	s26 =	simm.s32 $0x11C80  }
0x155: {  	[hbm4b:s24+s4] =	stream.linear.scatter [tilespmem:s26], [sflag:$0xC], $0x4000, $0x38;
	[tilespmem:$0x1DC80] =	vst v63  }
0x156: {  	_ =	swait.ge [sflag:s8], $0x4000  }
0x157: {  	s24 =	sadd.s32 $0xFFFFFF10, s10;
	[sflag:s8] =	ssyncset.done $0x0  }
0x158: {  	s29 =	simm.s32 $0xDC80;
	s26 =	sadd.s32 $0x500, s22;
	v26 =	vor.u32 s24, v0;
	[sflag:s8] =	ssyncadd.s32 $0xFFFFC000  }
0x159: {  	v27 =	vmulhi.u32 $0x51EB851F, v26;
	[tilespmem:s29], [sflag:$0x4] =	stream.indirect.gather [hbm4b:s1+s20], $0x80, s26, s20, $0xb8;
	[tilespmem:$0x1DC80] =	vst v63  }
0x15a: {  	v35 =	vld [tilespmem:s22+$0x580]  }
0x15b: {  	s26 =	sadd.s32 $0xFFFFFF20, s10;
	v27 =	vshrl.u32 v27, $0x6;
	v40 =	vld [tilespmem:s22+$0x5A0]  }
0x15c: {  	v36 =	vor.u32 s26, v0;
	v27 =	vmul.u32 $0xC8, v27;
	s26 =	sadd.s32 $0xFFFFFF30, s10;
	v47 =	vld [tilespmem:s22+$0x5B0]  }
0x15d: {  	v51 =	vld [tilespmem:s22+$0x5D0];
	v37 =	vmulhi.u32 $0x51EB851F, v36;
	v38 =	vor.u32 s26, v0;
	s26 =	sadd.s32 $0xFFFFFF40, s10  }
0x15e: {  	v26 =	vsub.s32 v26, v27;
	v39 =	vmulhi.u32 $0x51EB851F, v38;
	v41 =	vor.u32 s26, v0  }
0x15f: {  	v27 =	vshrl.u32 v37, $0x6;
	vm8 =	vlt.s32 v26, v25;
	v43 =	vmulhi.u32 $0x51EB851F, v41  }
0x160: {  	v26 =	vld [tilespmem:s22+$0x590];
	v27 =	vmul.u32 $0xC8, v27;
	v30 =	vshrl.u32 v39, $0x6;
	v28 =	vadd.s32 $0x1, v35  }
0x161: {  	v42 =	vmul.u32 $0xC8, v30;
	v30 =	vshrl.u32 v43, $0x6;
	v46 =	vadd.s32 $0x1, v40  }
0x162: {  	s26 =	sadd.s32 $0xFFFFFF50, s10;
	v32 =	vadd.s32 $0x1, v47;
	v61 =	vadd.s32 $0x1, v51;
	v27 =	vsub.s32 v36, v27  }
0x163: {  	v28 =	vnsel vm8, $0x0, v28;
	vm9 =	vlt.s32 v27, v25;
	v27 =	vor.u32 s26, v0  }
0x164: {  	v45 =	vmul.u32 $0xC8, v30;
	v29 =	vsub.s32 v38, v42;
	s26 =	sadd.s32 $0xFFFFFF60, s10;
	v44 =	vmulhi.u32 $0x51EB851F, v27  }
0x165: {  	v26 =	vadd.s32 $0x1, v26;
	vm10 =	vlt.s32 v29, v25;
	v48 =	vor.u32 s26, v0  }
0x166: {  	v29 =	vsub.s32 v41, v45;
	s26 =	sadd.s32 $0xFFFFFF70, s10;
	v49 =	vmulhi.u32 $0x51EB851F, v48;
	v26 =	vnsel vm9, $0x0, v26  }
0x167: {  	v50 =	vld [tilespmem:s22+$0x5C0];
	v30 =	vnsel vm10, $0x0, v46;
	v52 =	vor.u32 s26, v0;
	s26 =	sadd.s32 $0xFFFFFF80, s10;
	v31 =	vshrl.u32 v44, $0x6  }
0x168: {  	v53 =	vmulhi.u32 $0x51EB851F, v52;
	v54 =	vor.u32 s26, v0;
	v31 =	vmul.u32 $0xC8, v31  }
0x169: {  	vm11 =	vlt.s32 v29, v25;
	v33 =	vshrl.u32 v49, $0x6;
	v55 =	vmulhi.u32 $0x51EB851F, v54  }
0x16a: {  	v59 =	vld [tilespmem:s22+$0x5F0];
	v33 =	vmul.u32 $0xC8, v33;
	v58 =	vshrl.u32 v53, $0x6;
	v27 =	vsub.s32 v27, v31  }
0x16b: {  	[tilespmem:s22+$0x590] =	vst v26;
	v26 =	vmul.u32 $0xC8, v58;
	v60 =	vshrl.u32 v55, $0x6;
	vm12 =	vlt.s32 v27, v25;
	v27 =	vld [tilespmem:s22+$0x5E0]  }
0x16c: {  	[tilespmem:s22+$0x580] =	vst v28;
	v29 =	vadd.s32 $0x1, v50;
	v57 =	vsub.s32 v48, v33;
	v62 =	vmul.u32 $0xC8, v60  }
0x16d: {  	v56 =	vnsel vm11, $0x0, v32;
	[tilespmem:s22+$0x5A0] =	vst v30;
	vm13 =	vlt.s32 v57, v25;
	v26 =	vsub.s32 v52, v26  }
0x16e: {  	[tilespmem:s22+$0x5B0] =	vst v56;
	v29 =	vnsel vm12, $0x0, v29;
	vm14 =	vlt.s32 v26, v25;
	v26 =	vsub.s32 v54, v62  }
0x16f: {  	v63 =	vnsel vm13, $0x0, v61;
	[tilespmem:s22+$0x5C0] =	vst v29;
	vm15 =	vlt.s32 v26, v25;
	v26 =	vadd.s32 $0x1, v59  }
0x170: {  	[tilespmem:s22+$0x5D0] =	vst v63;
	v26 =	vnsel vm15, $0x0, v26;
	v27 =	vadd.s32 $0x1, v27  }
0x171: {  	[tilespmem:s22+$0x5F0] =	vst v26;
	v27 =	vnsel vm14, $0x0, v27  }
0x172: {  	s24 =	sadd.s32 $0x1600, s12;
	[tilespmem:s22+$0x5E0] =	vst v27  }
.LBB2_8:
.Ltmp6:
0x173: {  	_ =	swait.ge [sflag:s30], $0x4000;
	(pc) =	sbr.rel @p0 .LBB2_10-.Ltmp6, $4  }
0x174: {  	[sflag:s30] =	ssyncset.done $0x0  }
0x175: {  	s26 =	sadd.s32 s14, s11;
	[sflag:s30] =	ssyncadd.s32 $0xFFFFC000  }
0x176: {  	[hbm4b:s26+s4] =	stream.linear.scatter [tilespmem:s31], [sflag:$0xD], $0x4000, $0x38;
	[tilespmem:$0x1DC80] =	vst v63  }
0x177: {  	s26 =	simm.s32 $0x6C00  }
0x178: {  	_ =	swait.ge [sflag:s18], $0x4000  }
0x179: {  	s26 =	sadd.s32 $0xFFFFFF90, s10;
	v37 =	vor.u32 s10, v0;
	[sflag:s18] =	ssyncset.done $0x0  }
0x17a: {  	s24 =	sshra.s32 s24, $0x2;
	v26 =	vor.u32 s26, v0;
	s26 =	simm.s32 $0x11C80;
	v38 =	vmulhi.u32 $0x51EB851F, v37;
	[sflag:s18] =	ssyncadd.s32 $0xFFFFC000  }
0x17b: {  	v27 =	vmulhi.u32 $0x51EB851F, v26;
	[tilespmem:s26], [sflag:$0x5] =	stream.indirect.gather [hbm4b:s1+s20], $0x80, s24, s20, $0xb8;
	[tilespmem:$0x1DC80] =	vst v63  }
0x17c: {  	s26 =	sadd.s32 $0xFFFFFFA0, s10;
	v28 =	vld [tilespmem:s22+$0x600]  }
0x17d: {  	v60 =	vshrl.u32 v38, $0x6;
	v27 =	vshrl.u32 v27, $0x6;
	v29 =	vor.u32 s26, v0;
	s26 =	sadd.s32 $0xFFFFFFB0, s10;
	v32 =	vld [tilespmem:s22+$0x620]  }
0x17e: {  	v52 =	vld [tilespmem:s22+$0x630];
	v27 =	vmul.u32 $0xC8, v27;
	v30 =	vmulhi.u32 $0x51EB851F, v29;
	v31 =	vor.u32 s26, v0;
	s26 =	sadd.s32 $0xFFFFFFC0, s10  }
0x17f: {  	v55 =	vld [tilespmem:s22+$0x650];
	v62 =	vmul.u32 $0xC8, v60;
	v46 =	vmulhi.u32 $0x51EB851F, v31;
	v33 =	vor.u32 s26, v0  }
0x180: {  	v26 =	vsub.s32 v26, v27;
	v27 =	vshrl.u32 v30, $0x6;
	v48 =	vmulhi.u32 $0x51EB851F, v33  }
0x181: {  	vm0 =	vlt.s32 v26, v25;
	v27 =	vmul.u32 $0xC8, v27;
	v30 =	vshrl.u32 v46, $0x6  }
0x182: {  	v28 =	vadd.s32 $0x1, v28;
	v47 =	vmul.u32 $0xC8, v30;
	v30 =	vshrl.u32 v48, $0x6  }
0x183: {  	s26 =	sadd.s32 $0xFFFFFFD0, s10;
	v26 =	vld [tilespmem:s22+$0x610];
	v51 =	vadd.s32 $0x1, v32;
	v32 =	vadd.s32 $0x1, v52;
	v27 =	vsub.s32 v29, v27  }
0x184: {  	v61 =	vadd.s32 $0x1, v55;
	vm10 =	vlt.s32 v27, v25;
	v27 =	vor.u32 s26, v0  }
0x185: {  	v28 =	vnsel vm0, $0x0, v28;
	v29 =	vsub.s32 v31, v47;
	s26 =	sadd.s32 $0xFFFFFFE0, s10;
	v49 =	vmulhi.u32 $0x51EB851F, v27  }
0x186: {  	v50 =	vmul.u32 $0xC8, v30;
	vm1 =	vlt.s32 v29, v25;
	v34 =	vor.u32 s26, v0;
	s26 =	sadd.s32 $0xFFFFFFF0, s10  }
0x187: {  	v54 =	vld [tilespmem:s22+$0x640];
	v53 =	vmulhi.u32 $0x51EB851F, v34;
	v35 =	vor.u32 s26, v0;
	v31 =	vshrl.u32 v49, $0x6  }
0x188: {  	v26 =	vadd.s32 $0x1, v26;
	v36 =	vmulhi.u32 $0x51EB851F, v35;
	v31 =	vmul.u32 $0xC8, v31  }
0x189: {  	v29 =	vsub.s32 v33, v50;
	v26 =	vnsel vm10, $0x0, v26;
	v33 =	vshrl.u32 v53, $0x6  }
0x18a: {  	v59 =	vld [tilespmem:s22+$0x670];
	v33 =	vmul.u32 $0xC8, v33;
	v58 =	vshrl.u32 v36, $0x6;
	v27 =	vsub.s32 v27, v31  }
0x18b: {  	v30 =	vnsel vm1, $0x0, v51;
	[tilespmem:s22+$0x610] =	vst v26;
	v26 =	vmul.u32 $0xC8, v58;
	vm12 =	vlt.s32 v27, v25;
	v27 =	vld [tilespmem:s22+$0x660]  }
0x18c: {  	[tilespmem:s22+$0x600] =	vst v28;
	vm11 =	vlt.s32 v29, v25;
	v29 =	vadd.s32 $0x1, v54;
	v57 =	vsub.s32 v34, v33  }
0x18d: {  	v56 =	vnsel vm11, $0x0, v32;
	[tilespmem:s22+$0x620] =	vst v30;
	vm13 =	vlt.s32 v57, v25;
	v26 =	vsub.s32 v35, v26  }
0x18e: {  	[tilespmem:s22+$0x630] =	vst v56;
	v29 =	vnsel vm12, $0x0, v29;
	vm14 =	vlt.s32 v26, v25;
	v26 =	vsub.s32 v37, v62  }
0x18f: {  	v63 =	vnsel vm13, $0x0, v61;
	[tilespmem:s22+$0x640] =	vst v29;
	vm15 =	vlt.s32 v26, v25;
	v26 =	vadd.s32 $0x1, v59  }
0x190: {  	[tilespmem:s22+$0x650] =	vst v63;
	v26 =	vnsel vm15, $0x0, v26;
	v27 =	vadd.s32 $0x1, v27  }
0x191: {  	[tilespmem:s22+$0x670] =	vst v26;
	v27 =	vnsel vm14, $0x0, v27  }
0x192: {  	s26 =	sadd.s32 $0x1800, s12;
	[tilespmem:s22+$0x660] =	vst v27  }
.LBB2_10:
.Ltmp7:
0x193: {  	(pc) =	sbr.rel @p0 .LBB2_12-.Ltmp7, $4  }
0x194: {  	_ =	swait.ge [sflag:s5], $0x4000  }
0x195: {  	[sflag:s5] =	ssyncset.done $0x0  }
0x196: {  	s22 =	sadd.s32 s14, s17;
	[sflag:s5] =	ssyncadd.s32 $0xFFFFC000  }
0x197: {  	[hbm4b:s22+s4] =	stream.linear.scatter [tilespmem:s0], [sflag:$0xE], $0x4000, $0x38;
	[tilespmem:$0x1DC80] =	vst v63  }
.Ltmp8:
0x198: {  	(pc) =	sbr.rel .LBB2_2-.Ltmp8, $4  }
0x199: {  	_ =	swait.ge [sflag:s9], $0x4000  }
0x19a: {  	s22 =	sshra.s32 s26, $0x2;
	s14 =	sadd.s32 $0x3800, s14;
	[sflag:s9] =	ssyncset.done $0x0  }
0x19b: {  	s12 =	sadd.s32 $0xE00, s12;
	s10 =	sadd.s32 $0x380, s10;
	[sflag:s9] =	ssyncadd.s32 $0xFFFFC000  }
0x19c: {  	[tilespmem:s31], [sflag:$0x6] =	stream.indirect.gather [hbm4b:s1+s20], $0x80, s22, s20, $0xb8;
	[tilespmem:$0x1DC80] =	vst v63  }
.LBB2_13:
0x19d: {  	_ =	sfence.sel $0x180000  }
0x19e: {  	[bflag:$0x0] =	sbarrier.arrive $0xFFFF  }
0x19f: {  	_ =	strace $0x90000047  }
0x1a0: {  	s0 =	stileid.u32;
	[bflag:$0x2] =	sbarrier.arrive $0xFFFF  }
0x1a1: {  	p0 =	sne.s32 s0, $0x0;
	s0 =	rddreg [dreg:$0x3]  }
0x1a2: {  	s0 =	sadd.s32 @!p0 $0x100000, s0  }
0x1a3: {  	[sflag:s0] =	ssyncadd.tile.s32 @!p0 $0x1;
	_ =	shalt  }
.Lfunc_end2:
_tile_overlayer_lowered:
.L_overlay_start_2:
0x1a4: {  	(tag) =	ssettag $0x2  }
0x1a5: {  	s0 =	rddreg [dreg:$0x0];
	s2 =	stileid.u32  }
0x1a6: {  	s1 =	rddreg [dreg:$0x1];
	p0 =	sne.s32 s2, $0x0  }
0x1a7: {  	s3 =	rddreg [dreg:$0x2];
	[bflag:$0x3] =	sbarrier.arrive $0xFFFF;
	s2 =	simm.s32 @!p0 $0x1C0F  }
0x1a8: {  	[timem:s3], [sflag:s2] =	dma.local @!p0 [hbm:s0], s1  }
0x1a9: {  	s0 =	simm.s32 @!p0 $0xF  }
0x1aa: {  	_ =	swait.ge @!p0 [sflag:s0], s1  }
0x1ab: {  	s1 =	ssub.s32 @!p0 $0x0, s1;
	[sflag:s0] =	ssyncset.done @!p0 $0x0  }
0x1ac: {  	[sflag:s0] =	ssyncadd.s32 @!p0 s1  }
0x1ad: {  	[bflag:$0x3] =	sbarrier.arrive $0xFFFF  }
0x1ae: {  	_ =	shalt  }

</sc_bundles>
